<compile_context>
chip_gen: v7x
topology: tpu7x:2x2x1
jax: 0.10.2.dev20260603
libtpu: 0.0.44.dev20260713+nightly
codegen_flags: <defaults>
</compile_context>

<pallas_src>
import functools

import jax
import jax.numpy as jnp
from jax import lax
from jax.experimental import pallas as pl
from jax.experimental.pallas import tpu as pltpu
from jax.experimental.pallas import tpu_sc as plsc

N = 10000
E = 160000
H = 256
HP = H // 2


_BN = 1000


def _node_emb_body(x_ref, w_ref, b_ref, o_ref):
    x = x_ref[...]
    acc = x[:, 0:H] * w_ref[0]
    acc += x[:, H:2 * H] * w_ref[1]
    acc += x[:, 2 * H:3 * H] * w_ref[2]
    acc += x[:, 3 * H:4 * H] * w_ref[3]
    acc = acc + b_ref[0]
    rnd = lambda v: lax.bitcast_convert_type(
        v.astype(jnp.bfloat16).astype(jnp.float32), jnp.int32)
    lo = lax.shift_right_logical(rnd(acc[:, :HP]), 16)
    hi = jnp.bitwise_and(rnd(acc[:, HP:]), jnp.int32(-65536))
    o_ref[...] = jnp.bitwise_or(lo, hi)


def _node_emb_tc(x, conv_w, conv_b):
    return pl.pallas_call(
        _node_emb_body,
        grid=(N // _BN,),
        in_specs=[
            pl.BlockSpec((_BN, 4 * H), lambda i: (i, 0)),
            pl.BlockSpec(memory_space=pltpu.SMEM),
            pl.BlockSpec(memory_space=pltpu.SMEM),
        ],
        out_specs=pl.BlockSpec((_BN, HP), lambda i: (i, 0)),
        out_shape=jax.ShapeDtypeStruct((N, HP), jnp.int32),
    )(x, conv_w, conv_b)



_NW = 32
_C = 128
_K = 5
_EC = E // _K
_CHUNKS = _EC // _C
_REM = _CHUNKS % _NW


def _sc_gather(tbl, edge_index, e0):
    mesh = plsc.VectorSubcoreMesh(core_axis_name="c", subcore_axis_name="s")
    dt = tbl.dtype

    @functools.partial(
        pl.kernel,
        out_type=(
            jax.ShapeDtypeStruct((_EC, HP), dt),
            jax.ShapeDtypeStruct((_EC, HP), dt),
        ),
        mesh=mesh,
        scratch_types=[
            pltpu.VMEM((2, _C), jnp.int32),
            pltpu.VMEM((_C, HP), dt),
            pltpu.VMEM((_C, HP), dt),
            pltpu.SemaphoreType.DMA,
            pltpu.SemaphoreType.DMA,
        ],
        name=f"edge_gather_{e0}",
    )
    def k(tbl_hbm, ei_hbm, osrc_hbm, odst_hbm,
          idx_v, rows_r, rows_c, sem_r, sem_c):
        wid = lax.axis_index("c") * 16 + lax.axis_index("s")
        start = wid * (_CHUNKS // _NW) + jnp.minimum(wid, _REM)
        my_n = jnp.where(wid < _REM, _CHUNKS // _NW + 1, _CHUNKS // _NW)

        def body(i, carry):
            base = pl.multiple_of((start + i) * _C, _C)
            pltpu.sync_copy(ei_hbm.at[:, pl.ds(e0 + base, _C)], idx_v)
            cp_r = pltpu.async_copy(tbl_hbm.at[idx_v.at[0]], rows_r, sem_r)
            cp_c = pltpu.async_copy(tbl_hbm.at[idx_v.at[1]], rows_c, sem_c)
            cp_r.wait()
            pltpu.sync_copy(rows_r, osrc_hbm.at[pl.ds(base, _C)])
            cp_c.wait()
            pltpu.sync_copy(rows_c, odst_hbm.at[pl.ds(base, _C)])
            return carry

        lax.fori_loop(0, my_n, body, 0)

    return k(tbl, edge_index)



_BE = 2000


def _unpack(x):
    f32 = jnp.float32
    lo = lax.bitcast_convert_type(lax.shift_left(x, 16), f32)
    hi = lax.bitcast_convert_type(jnp.bitwise_and(x, jnp.int32(-65536)), f32)
    return lo, hi


def _mlp_body(src_ref, dst_ref, edge_ref, w1_ref, b1_ref,
              w2_ref, b2_ref, w3_ref, b3_ref, o_ref):
    f32 = jnp.float32
    bf16 = jnp.bfloat16
    src_lo, src_hi = _unpack(src_ref[...])
    dst_lo, dst_hi = _unpack(dst_ref[...])
    x = jnp.concatenate(
        [src_lo, src_hi, dst_lo, dst_hi, edge_ref[...]], axis=1).astype(bf16)
    h = jnp.dot(x, w1_ref[...], preferred_element_type=f32)
    h = jnp.maximum(h + b1_ref[...], 0.0).astype(bf16)
    h = jnp.dot(h, w2_ref[...], preferred_element_type=f32) + b2_ref[...]
    h = jnp.maximum(h, 0.0).astype(bf16)
    o_ref[...] = jnp.dot(h, w3_ref[...], preferred_element_type=f32) + b3_ref[...]


def _mlp_tc(gsrc, gdst, edge_input, w1, b1, w2, b2, w3, b3, e0):
    d1, d2, d3 = w1.shape[1], w2.shape[1], w3.shape[1]
    full = lambda shape: pl.BlockSpec(shape, lambda i: tuple(0 for _ in shape))
    blk0 = e0 // _BE
    return pl.pallas_call(
        _mlp_body,
        grid=(_EC // _BE,),
        in_specs=[
            pl.BlockSpec((_BE, HP), lambda i: (i, 0)),
            pl.BlockSpec((_BE, HP), lambda i: (i, 0)),
            pl.BlockSpec((_BE, H), lambda i: (i + blk0, 0)),
            full(w1.shape), full((1, d1)),
            full(w2.shape), full((1, d2)),
            full(w3.shape), full((1, d3)),
        ],
        out_specs=pl.BlockSpec((_BE, d3), lambda i: (i, 0)),
        out_shape=jax.ShapeDtypeStruct((_EC, d3), jnp.float32),
        name=f"edge_mlp_{e0}",
    )(gsrc, gdst, edge_input, w1, b1.reshape(1, d1),
      w2, b2.reshape(1, d2), w3, b3.reshape(1, d3))



def kernel(node_attr, edge_input, edge_index, conv_w, conv_b,
           W1, b1, W2, b2, W3, b3):
    x = node_attr.reshape(N, 4 * H)
    tbl = _node_emb_tc(x, conv_w, conv_b)
    bf16 = jnp.bfloat16
    w1, w2, w3 = W1.astype(bf16), W2.astype(bf16), W3.astype(bf16)
    outs = []
    for k in range(_K):
        gsrc, gdst = _sc_gather(tbl, edge_index, k * _EC)
        outs.append(_mlp_tc(gsrc, gdst, edge_input, w1, b1, w2, b2, w3, b3,
                            k * _EC))
    return jnp.concatenate(outs, axis=0)

# --- scband reference (transcript-rebuilt; emitter-appended) ---
"""Pipeline reference for scband-gencoder-38431367365242 (READ-ONLY COPY).

The authoritative reference and input builder live on the scoring server;
editing this copy changes nothing except your own understanding.
"""

import jax, jax.numpy as jnp
import numpy as np

N = 10000
E = 160000
H = 256  # hidden_dim
ED = 256  # edge_attr_dim


def setup_inputs(seed: int = 0) -> dict:
    key = jax.random.key(seed)
    ks = jax.random.split(key, 12)
    node_attr = jax.random.normal(ks[0], (N, 4, H), dtype=jnp.float32)
    edge_input = jax.random.normal(ks[1], (E, ED), dtype=jnp.float32)
    edge_index = jax.random.randint(ks[2], (2, E), 0, N, dtype=jnp.int32)
    # node_conv = Conv1d(4, 1, kernel_size=1): weight [1,4,1] -> flattened [4], bias [1]
    conv_w = jax.random.normal(ks[3], (4,), dtype=jnp.float32) * jnp.sqrt(2.0 / 1.0)
    conv_b = jnp.zeros((1,), dtype=jnp.float32)
    # edge_nn = MLP([2*H+ED, 3*H, 2*H, H]) = [768, 768, 512, 256]
    d_in = 2 * H + ED
    W1 = jax.random.normal(ks[4], (d_in, 3 * H), dtype=jnp.float32) * 0.01
    b1 = jnp.zeros((3 * H,), dtype=jnp.float32)
    W2 = jax.random.normal(ks[5], (3 * H, 2 * H), dtype=jnp.float32) * 0.01
    b2 = jnp.zeros((2 * H,), dtype=jnp.float32)
    W3 = jax.random.normal(ks[6], (2 * H, H), dtype=jnp.float32) * 0.01
    b3 = jnp.zeros((H,), dtype=jnp.float32)
    return {
        "node_attr": node_attr,
        "edge_input": edge_input,
        "edge_index": edge_index,
        "conv_w": conv_w,
        "conv_b": conv_b,
        "W1": W1, "b1": b1,
        "W2": W2, "b2": b2,
        "W3": W3, "b3": b3,
    }


def reference(node_attr, edge_input, edge_index, conv_w, conv_b, W1, b1, W2, b2, W3, b3):
    # node_conv: Conv1d(4 -> 1, kernel 1) over [N, 4, H] then squeeze(1) -> [N, H]
    node_emb = jnp.einsum('nch,c->nh', node_attr, conv_w) + conv_b[0]
    row = edge_index[0]
    col = edge_index[1]
    source_node = jnp.take(node_emb, row, axis=0)
    target_node = jnp.take(node_emb, col, axis=0)
    out = jnp.concatenate([source_node, target_node, edge_input], axis=1)
    # edge_nn MLP with relu activations between layers, no activation after final layer
    h = jax.nn.relu(out @ W1 + b1)
    h = jax.nn.relu(h @ W2 + b2)
    h = h @ W3 + b3
    return h

if __name__ == "__main__":
    import jax
    _d = setup_inputs()
    print(jax.jit(kernel)(*tuple(_d.values())))

</pallas_src>

<mosaic_0001>
#map = affine_map<(d0, d1) -> (0, 0)>
module attributes {stable_mosaic.version = 14 : i64} {
  func.func @edge_gather_32000(%arg0: i32, %arg1: i32, %arg2: memref<10000x128xi32, #tpu.memory_space<hbm>>, %arg3: memref<2x160000xi32, #tpu.memory_space<hbm>>, %arg4: memref<32000x128xi32, #tpu.memory_space<hbm>>, %arg5: memref<32000x128xi32, #tpu.memory_space<hbm>>, %arg6: memref<2x128xi32, #tpu.memory_space<vmem>>, %arg7: memref<128x128xi32, #tpu.memory_space<vmem>>, %arg8: memref<128x128xi32, #tpu.memory_space<vmem>>, %arg9: memref<!tpu.dma_semaphore, #tpu.memory_space<semaphore_mem>>, %arg10: memref<!tpu.dma_semaphore, #tpu.memory_space<semaphore_mem>>) attributes {dimension_semantics = [#tpu.dimension_semantics<core_parallel>, #tpu.dimension_semantics<subcore_parallel>], iteration_bounds = array<i64: 2, 16>, scalar_prefetch = 0 : i64, scratch_operands = 5 : i64, tpu.core_type = #tpu.core_type<sc_vector_subcore>, window_params = [{transform_indices = #map}, {transform_indices = #map}, {transform_indices = #map}, {transform_indices = #map}]} {
    %mul3A = arith.constant 16 : i32
    %mul3A_0 = arith.muli %arg0, %mul3A : i32
    %add3A = arith.addi %mul3A_0, %arg1 : i32
    %mul3A_1 = arith.constant 7 : i32
    %mul3A_2 = arith.muli %add3A, %mul3A_1 : i32
    %min3A = arith.constant 26 : i32
    %min3A_3 = arith.minsi %add3A, %min3A : i32
    %add3A_4 = arith.addi %mul3A_2, %min3A_3 : i32
    %lt3A = arith.constant 26 : i32
    %lt3A_5 = arith.cmpi slt, %add3A, %lt3A : i32
    %jit3A = arith.constant 8 : i32
    %jit3A_6 = arith.constant 7 : i32
    %select_n3A = arith.select %lt3A_5, %jit3A, %jit3A_6 : i32
    %while3A = arith.constant 0 : i32
    %while3A_7 = arith.constant 0 : i32
    %while3A_8 = arith.subi %select_n3A, %while3A_7 : i32
    %while3A_9 = arith.addi %while3A_7, %while3A_8 : i32
    %while3A_10 = arith.constant 1 : i32
    %while3A_11 = arith.divsi %while3A_8, %while3A_10 : i32
    %while3A_12 = arith.muli %while3A_11, %while3A_10 : i32
    %while3A_13 = arith.addi %while3A_7, %while3A_12 : i32
    %while3A_14 = arith.constant 1 : i32
    scf.for %while3A_16 = %while3A_7 to %while3A_13 step %while3A_14  : i32 {
      %add3A_17 = arith.addi %add3A_4, %while3A_16 : i32
      %mul3A_18 = arith.constant 128 : i32
      %mul3A_19 = arith.muli %add3A_17, %mul3A_18 : i32
      %multiple_of3A = tpu.assume_multiple %mul3A_19, 128 : i32
      %add3A_20 = arith.constant 32000 : i32
      %add3A_21 = arith.addi %add3A_20, %multiple_of3A : i32
      "tpu.region"() ({
        %run_scoped3A = tpu.sem_alloc : memref<!tpu.dma_semaphore, #tpu.memory_space<semaphore_mem>>
        %dma_start3A_48 = arith.constant 0 : i32
        %dma_start3A_49 = tpu.memref_slice %arg3[%dma_start3A_48, %add3A_21] : memref<2x160000xi32, #tpu.memory_space<hbm>> -> memref<2x128xi32, #tpu.memory_space<hbm>>
        %dma_start3A_50 = arith.constant 0 : i32
        %dma_start3A_51 = tpu.memref_slice %arg3[%dma_start3A_50, %add3A_21] : memref<2x160000xi32, #tpu.memory_space<hbm>> -> memref<2x128xi32, #tpu.memory_space<hbm>>
        tpu.enqueue_dma source(%dma_start3A_51 : memref<2x128xi32, #tpu.memory_space<hbm>>) target(%arg6 : memref<2x128xi32, #tpu.memory_space<vmem>>) target_semaphore(%run_scoped3A : memref<!tpu.dma_semaphore, #tpu.memory_space<semaphore_mem>>)
        %dma_wait3A_52 = arith.constant 0 : i32
        %dma_wait3A_53 = tpu.memref_slice %arg3[%dma_wait3A_52, %add3A_21] : memref<2x160000xi32, #tpu.memory_space<hbm>> -> memref<2x128xi32, #tpu.memory_space<hbm>>
        %dma_wait3A_54 = arith.constant 0 : i32
        %dma_wait3A_55 = tpu.memref_slice %arg3[%dma_wait3A_54, %add3A_21] : memref<2x160000xi32, #tpu.memory_space<hbm>> -> memref<2x128xi32, #tpu.memory_space<hbm>>
        tpu.wait_dma2 semaphore(%run_scoped3A : memref<!tpu.dma_semaphore, #tpu.memory_space<semaphore_mem>>) src(%dma_wait3A_55 : memref<2x128xi32, #tpu.memory_space<hbm>>) dst(%arg6 : memref<2x128xi32, #tpu.memory_space<vmem>>)
        tpu.yield
      }) : () -> ()
      %dma_start3A = arith.constant 0 : i32
      %dma_start3A_22 = arith.constant 0 : i32
      %dma_start3A_23 = tpu.memref_slice %arg6[%dma_start3A, %dma_start3A_22] : memref<2x128xi32, #tpu.memory_space<vmem>> -> memref<1x128xi32, #tpu.memory_space<vmem>>
      %dma_start3A_24 = tpu.memref_squeeze %dma_start3A_23 : memref<1x128xi32, #tpu.memory_space<vmem>> -> memref<128xi32, #tpu.memory_space<vmem>>
      %dma_start3A_25 = arith.constant 0 : i32
      %dma_start3A_26 = arith.constant 0 : i32
      %dma_start3A_27 = tpu.memref_slice %arg2[%dma_start3A_25, %dma_start3A_26] : memref<10000x128xi32, #tpu.memory_space<hbm>> -> memref<10000x128xi32, #tpu.memory_space<hbm>>
      tpu.enqueue_indirect_dma source(%dma_start3A_27 : memref<10000x128xi32, #tpu.memory_space<hbm>>) target(%arg7 : memref<128x128xi32, #tpu.memory_space<vmem>>) offsets(%dma_start3A_24 : memref<128xi32, #tpu.memory_space<vmem>>) semaphore(%arg9 : memref<!tpu.dma_semaphore, #tpu.memory_space<semaphore_mem>>)
      %dma_start3A_28 = arith.constant 1 : i32
      %dma_start3A_29 = arith.constant 0 : i32
      %dma_start3A_30 = tpu.memref_slice %arg6[%dma_start3A_28, %dma_start3A_29] : memref<2x128xi32, #tpu.memory_space<vmem>> -> memref<1x128xi32, #tpu.memory_space<vmem>>
      %dma_start3A_31 = tpu.memref_squeeze %dma_start3A_30 : memref<1x128xi32, #tpu.memory_space<vmem>> -> memref<128xi32, #tpu.memory_space<vmem>>
      %dma_start3A_32 = arith.constant 0 : i32
      %dma_start3A_33 = arith.constant 0 : i32
      %dma_start3A_34 = tpu.memref_slice %arg2[%dma_start3A_32, %dma_start3A_33] : memref<10000x128xi32, #tpu.memory_space<hbm>> -> memref<10000x128xi32, #tpu.memory_space<hbm>>
      tpu.enqueue_indirect_dma source(%dma_start3A_34 : memref<10000x128xi32, #tpu.memory_space<hbm>>) target(%arg8 : memref<128x128xi32, #tpu.memory_space<vmem>>) offsets(%dma_start3A_31 : memref<128xi32, #tpu.memory_space<vmem>>) semaphore(%arg10 : memref<!tpu.dma_semaphore, #tpu.memory_space<semaphore_mem>>)
      %dma_wait3A = arith.constant 0 : i32
      %dma_wait3A_35 = arith.constant 0 : i32
      %dma_wait3A_36 = tpu.memref_slice %arg6[%dma_wait3A, %dma_wait3A_35] : memref<2x128xi32, #tpu.memory_space<vmem>> -> memref<1x128xi32, #tpu.memory_space<vmem>>
      %dma_wait3A_37 = tpu.memref_squeeze %dma_wait3A_36 : memref<1x128xi32, #tpu.memory_space<vmem>> -> memref<128xi32, #tpu.memory_space<vmem>>
      %dma_wait3A_38 = arith.constant 0 : i32
      %dma_wait3A_39 = arith.constant 0 : i32
      %dma_wait3A_40 = tpu.memref_slice %arg2[%dma_wait3A_38, %dma_wait3A_39] : memref<10000x128xi32, #tpu.memory_space<hbm>> -> memref<10000x128xi32, #tpu.memory_space<hbm>>
      tpu.wait_indirect_dma semaphore(%arg9 : memref<!tpu.dma_semaphore, #tpu.memory_space<semaphore_mem>>) src(%dma_wait3A_40 : memref<10000x128xi32, #tpu.memory_space<hbm>>) dst(%arg7 : memref<128x128xi32, #tpu.memory_space<vmem>>)
      "tpu.region"() ({
        %run_scoped3A = tpu.sem_alloc : memref<!tpu.dma_semaphore, #tpu.memory_space<semaphore_mem>>
        %dma_start3A_48 = arith.constant 0 : i32
        %dma_start3A_49 = tpu.memref_slice %arg4[%multiple_of3A, %dma_start3A_48] : memref<32000x128xi32, #tpu.memory_space<hbm>> -> memref<128x128xi32, #tpu.memory_space<hbm>>
        %dma_start3A_50 = arith.constant 0 : i32
        %dma_start3A_51 = tpu.memref_slice %arg4[%multiple_of3A, %dma_start3A_50] : memref<32000x128xi32, #tpu.memory_space<hbm>> -> memref<128x128xi32, #tpu.memory_space<hbm>>
        tpu.enqueue_dma source(%arg7 : memref<128x128xi32, #tpu.memory_space<vmem>>) target(%dma_start3A_51 : memref<128x128xi32, #tpu.memory_space<hbm>>) target_semaphore(%run_scoped3A : memref<!tpu.dma_semaphore, #tpu.memory_space<semaphore_mem>>)
        %dma_wait3A_52 = arith.constant 0 : i32
        %dma_wait3A_53 = tpu.memref_slice %arg4[%multiple_of3A, %dma_wait3A_52] : memref<32000x128xi32, #tpu.memory_space<hbm>> -> memref<128x128xi32, #tpu.memory_space<hbm>>
        %dma_wait3A_54 = arith.constant 0 : i32
        %dma_wait3A_55 = tpu.memref_slice %arg4[%multiple_of3A, %dma_wait3A_54] : memref<32000x128xi32, #tpu.memory_space<hbm>> -> memref<128x128xi32, #tpu.memory_space<hbm>>
        tpu.wait_dma2 semaphore(%run_scoped3A : memref<!tpu.dma_semaphore, #tpu.memory_space<semaphore_mem>>) src(%arg7 : memref<128x128xi32, #tpu.memory_space<vmem>>) dst(%dma_wait3A_55 : memref<128x128xi32, #tpu.memory_space<hbm>>)
        tpu.yield
      }) : () -> ()
      %dma_wait3A_41 = arith.constant 1 : i32
      %dma_wait3A_42 = arith.constant 0 : i32
      %dma_wait3A_43 = tpu.memref_slice %arg6[%dma_wait3A_41, %dma_wait3A_42] : memref<2x128xi32, #tpu.memory_space<vmem>> -> memref<1x128xi32, #tpu.memory_space<vmem>>
      %dma_wait3A_44 = tpu.memref_squeeze %dma_wait3A_43 : memref<1x128xi32, #tpu.memory_space<vmem>> -> memref<128xi32, #tpu.memory_space<vmem>>
      %dma_wait3A_45 = arith.constant 0 : i32
      %dma_wait3A_46 = arith.constant 0 : i32
      %dma_wait3A_47 = tpu.memref_slice %arg2[%dma_wait3A_45, %dma_wait3A_46] : memref<10000x128xi32, #tpu.memory_space<hbm>> -> memref<10000x128xi32, #tpu.memory_space<hbm>>
      tpu.wait_indirect_dma semaphore(%arg10 : memref<!tpu.dma_semaphore, #tpu.memory_space<semaphore_mem>>) src(%dma_wait3A_47 : memref<10000x128xi32, #tpu.memory_space<hbm>>) dst(%arg8 : memref<128x128xi32, #tpu.memory_space<vmem>>)
      "tpu.region"() ({
        %run_scoped3A = tpu.sem_alloc : memref<!tpu.dma_semaphore, #tpu.memory_space<semaphore_mem>>
        %dma_start3A_48 = arith.constant 0 : i32
        %dma_start3A_49 = tpu.memref_slice %arg5[%multiple_of3A, %dma_start3A_48] : memref<32000x128xi32, #tpu.memory_space<hbm>> -> memref<128x128xi32, #tpu.memory_space<hbm>>
        %dma_start3A_50 = arith.constant 0 : i32
        %dma_start3A_51 = tpu.memref_slice %arg5[%multiple_of3A, %dma_start3A_50] : memref<32000x128xi32, #tpu.memory_space<hbm>> -> memref<128x128xi32, #tpu.memory_space<hbm>>
        tpu.enqueue_dma source(%arg8 : memref<128x128xi32, #tpu.memory_space<vmem>>) target(%dma_start3A_51 : memref<128x128xi32, #tpu.memory_space<hbm>>) target_semaphore(%run_scoped3A : memref<!tpu.dma_semaphore, #tpu.memory_space<semaphore_mem>>)
        %dma_wait3A_52 = arith.constant 0 : i32
        %dma_wait3A_53 = tpu.memref_slice %arg5[%multiple_of3A, %dma_wait3A_52] : memref<32000x128xi32, #tpu.memory_space<hbm>> -> memref<128x128xi32, #tpu.memory_space<hbm>>
        %dma_wait3A_54 = arith.constant 0 : i32
        %dma_wait3A_55 = tpu.memref_slice %arg5[%multiple_of3A, %dma_wait3A_54] : memref<32000x128xi32, #tpu.memory_space<hbm>> -> memref<128x128xi32, #tpu.memory_space<hbm>>
        tpu.wait_dma2 semaphore(%run_scoped3A : memref<!tpu.dma_semaphore, #tpu.memory_space<semaphore_mem>>) src(%arg8 : memref<128x128xi32, #tpu.memory_space<vmem>>) dst(%dma_wait3A_55 : memref<128x128xi32, #tpu.memory_space<hbm>>)
        tpu.yield
      }) : () -> ()
    }
    %while3A_15 = arith.constant 1 : i32
    scf.for %while3A_16 = %while3A_13 to %while3A_9 step %while3A_15  : i32 {
      %add3A_17 = arith.addi %add3A_4, %while3A_16 : i32
      %mul3A_18 = arith.constant 128 : i32
      %mul3A_19 = arith.muli %add3A_17, %mul3A_18 : i32
      %multiple_of3A = tpu.assume_multiple %mul3A_19, 128 : i32
      %add3A_20 = arith.constant 32000 : i32
      %add3A_21 = arith.addi %add3A_20, %multiple_of3A : i32
      "tpu.region"() ({
        %run_scoped3A = tpu.sem_alloc : memref<!tpu.dma_semaphore, #tpu.memory_space<semaphore_mem>>
        %dma_start3A_48 = arith.constant 0 : i32
        %dma_start3A_49 = tpu.memref_slice %arg3[%dma_start3A_48, %add3A_21] : memref<2x160000xi32, #tpu.memory_space<hbm>> -> memref<2x128xi32, #tpu.memory_space<hbm>>
        %dma_start3A_50 = arith.constant 0 : i32
        %dma_start3A_51 = tpu.memref_slice %arg3[%dma_start3A_50, %add3A_21] : memref<2x160000xi32, #tpu.memory_space<hbm>> -> memref<2x128xi32, #tpu.memory_space<hbm>>
        tpu.enqueue_dma source(%dma_start3A_51 : memref<2x128xi32, #tpu.memory_space<hbm>>) target(%arg6 : memref<2x128xi32, #tpu.memory_space<vmem>>) target_semaphore(%run_scoped3A : memref<!tpu.dma_semaphore, #tpu.memory_space<semaphore_mem>>)
        %dma_wait3A_52 = arith.constant 0 : i32
        %dma_wait3A_53 = tpu.memref_slice %arg3[%dma_wait3A_52, %add3A_21] : memref<2x160000xi32, #tpu.memory_space<hbm>> -> memref<2x128xi32, #tpu.memory_space<hbm>>
        %dma_wait3A_54 = arith.constant 0 : i32
        %dma_wait3A_55 = tpu.memref_slice %arg3[%dma_wait3A_54, %add3A_21] : memref<2x160000xi32, #tpu.memory_space<hbm>> -> memref<2x128xi32, #tpu.memory_space<hbm>>
        tpu.wait_dma2 semaphore(%run_scoped3A : memref<!tpu.dma_semaphore, #tpu.memory_space<semaphore_mem>>) src(%dma_wait3A_55 : memref<2x128xi32, #tpu.memory_space<hbm>>) dst(%arg6 : memref<2x128xi32, #tpu.memory_space<vmem>>)
        tpu.yield
      }) : () -> ()
      %dma_start3A = arith.constant 0 : i32
      %dma_start3A_22 = arith.constant 0 : i32
      %dma_start3A_23 = tpu.memref_slice %arg6[%dma_start3A, %dma_start3A_22] : memref<2x128xi32, #tpu.memory_space<vmem>> -> memref<1x128xi32, #tpu.memory_space<vmem>>
      %dma_start3A_24 = tpu.memref_squeeze %dma_start3A_23 : memref<1x128xi32, #tpu.memory_space<vmem>> -> memref<128xi32, #tpu.memory_space<vmem>>
      %dma_start3A_25 = arith.constant 0 : i32
      %dma_start3A_26 = arith.constant 0 : i32
      %dma_start3A_27 = tpu.memref_slice %arg2[%dma_start3A_25, %dma_start3A_26] : memref<10000x128xi32, #tpu.memory_space<hbm>> -> memref<10000x128xi32, #tpu.memory_space<hbm>>
      tpu.enqueue_indirect_dma source(%dma_start3A_27 : memref<10000x128xi32, #tpu.memory_space<hbm>>) target(%arg7 : memref<128x128xi32, #tpu.memory_space<vmem>>) offsets(%dma_start3A_24 : memref<128xi32, #tpu.memory_space<vmem>>) semaphore(%arg9 : memref<!tpu.dma_semaphore, #tpu.memory_space<semaphore_mem>>)
      %dma_start3A_28 = arith.constant 1 : i32
      %dma_start3A_29 = arith.constant 0 : i32
      %dma_start3A_30 = tpu.memref_slice %arg6[%dma_start3A_28, %dma_start3A_29] : memref<2x128xi32, #tpu.memory_space<vmem>> -> memref<1x128xi32, #tpu.memory_space<vmem>>
      %dma_start3A_31 = tpu.memref_squeeze %dma_start3A_30 : memref<1x128xi32, #tpu.memory_space<vmem>> -> memref<128xi32, #tpu.memory_space<vmem>>
      %dma_start3A_32 = arith.constant 0 : i32
      %dma_start3A_33 = arith.constant 0 : i32
      %dma_start3A_34 = tpu.memref_slice %arg2[%dma_start3A_32, %dma_start3A_33] : memref<10000x128xi32, #tpu.memory_space<hbm>> -> memref<10000x128xi32, #tpu.memory_space<hbm>>
      tpu.enqueue_indirect_dma source(%dma_start3A_34 : memref<10000x128xi32, #tpu.memory_space<hbm>>) target(%arg8 : memref<128x128xi32, #tpu.memory_space<vmem>>) offsets(%dma_start3A_31 : memref<128xi32, #tpu.memory_space<vmem>>) semaphore(%arg10 : memref<!tpu.dma_semaphore, #tpu.memory_space<semaphore_mem>>)
      %dma_wait3A = arith.constant 0 : i32
      %dma_wait3A_35 = arith.constant 0 : i32
      %dma_wait3A_36 = tpu.memref_slice %arg6[%dma_wait3A, %dma_wait3A_35] : memref<2x128xi32, #tpu.memory_space<vmem>> -> memref<1x128xi32, #tpu.memory_space<vmem>>
      %dma_wait3A_37 = tpu.memref_squeeze %dma_wait3A_36 : memref<1x128xi32, #tpu.memory_space<vmem>> -> memref<128xi32, #tpu.memory_space<vmem>>
      %dma_wait3A_38 = arith.constant 0 : i32
      %dma_wait3A_39 = arith.constant 0 : i32
      %dma_wait3A_40 = tpu.memref_slice %arg2[%dma_wait3A_38, %dma_wait3A_39] : memref<10000x128xi32, #tpu.memory_space<hbm>> -> memref<10000x128xi32, #tpu.memory_space<hbm>>
      tpu.wait_indirect_dma semaphore(%arg9 : memref<!tpu.dma_semaphore, #tpu.memory_space<semaphore_mem>>) src(%dma_wait3A_40 : memref<10000x128xi32, #tpu.memory_space<hbm>>) dst(%arg7 : memref<128x128xi32, #tpu.memory_space<vmem>>)
      "tpu.region"() ({
        %run_scoped3A = tpu.sem_alloc : memref<!tpu.dma_semaphore, #tpu.memory_space<semaphore_mem>>
        %dma_start3A_48 = arith.constant 0 : i32
        %dma_start3A_49 = tpu.memref_slice %arg4[%multiple_of3A, %dma_start3A_48] : memref<32000x128xi32, #tpu.memory_space<hbm>> -> memref<128x128xi32, #tpu.memory_space<hbm>>
        %dma_start3A_50 = arith.constant 0 : i32
        %dma_start3A_51 = tpu.memref_slice %arg4[%multiple_of3A, %dma_start3A_50] : memref<32000x128xi32, #tpu.memory_space<hbm>> -> memref<128x128xi32, #tpu.memory_space<hbm>>
        tpu.enqueue_dma source(%arg7 : memref<128x128xi32, #tpu.memory_space<vmem>>) target(%dma_start3A_51 : memref<128x128xi32, #tpu.memory_space<hbm>>) target_semaphore(%run_scoped3A : memref<!tpu.dma_semaphore, #tpu.memory_space<semaphore_mem>>)
        %dma_wait3A_52 = arith.constant 0 : i32
        %dma_wait3A_53 = tpu.memref_slice %arg4[%multiple_of3A, %dma_wait3A_52] : memref<32000x128xi32, #tpu.memory_space<hbm>> -> memref<128x128xi32, #tpu.memory_space<hbm>>
        %dma_wait3A_54 = arith.constant 0 : i32
        %dma_wait3A_55 = tpu.memref_slice %arg4[%multiple_of3A, %dma_wait3A_54] : memref<32000x128xi32, #tpu.memory_space<hbm>> -> memref<128x128xi32, #tpu.memory_space<hbm>>
        tpu.wait_dma2 semaphore(%run_scoped3A : memref<!tpu.dma_semaphore, #tpu.memory_space<semaphore_mem>>) src(%arg7 : memref<128x128xi32, #tpu.memory_space<vmem>>) dst(%dma_wait3A_55 : memref<128x128xi32, #tpu.memory_space<hbm>>)
        tpu.yield
      }) : () -> ()
      %dma_wait3A_41 = arith.constant 1 : i32
      %dma_wait3A_42 = arith.constant 0 : i32
      %dma_wait3A_43 = tpu.memref_slice %arg6[%dma_wait3A_41, %dma_wait3A_42] : memref<2x128xi32, #tpu.memory_space<vmem>> -> memref<1x128xi32, #tpu.memory_space<vmem>>
      %dma_wait3A_44 = tpu.memref_squeeze %dma_wait3A_43 : memref<1x128xi32, #tpu.memory_space<vmem>> -> memref<128xi32, #tpu.memory_space<vmem>>
      %dma_wait3A_45 = arith.constant 0 : i32
      %dma_wait3A_46 = arith.constant 0 : i32
      %dma_wait3A_47 = tpu.memref_slice %arg2[%dma_wait3A_45, %dma_wait3A_46] : memref<10000x128xi32, #tpu.memory_space<hbm>> -> memref<10000x128xi32, #tpu.memory_space<hbm>>
      tpu.wait_indirect_dma semaphore(%arg10 : memref<!tpu.dma_semaphore, #tpu.memory_space<semaphore_mem>>) src(%dma_wait3A_47 : memref<10000x128xi32, #tpu.memory_space<hbm>>) dst(%arg8 : memref<128x128xi32, #tpu.memory_space<vmem>>)
      "tpu.region"() ({
        %run_scoped3A = tpu.sem_alloc : memref<!tpu.dma_semaphore, #tpu.memory_space<semaphore_mem>>
        %dma_start3A_48 = arith.constant 0 : i32
        %dma_start3A_49 = tpu.memref_slice %arg5[%multiple_of3A, %dma_start3A_48] : memref<32000x128xi32, #tpu.memory_space<hbm>> -> memref<128x128xi32, #tpu.memory_space<hbm>>
        %dma_start3A_50 = arith.constant 0 : i32
        %dma_start3A_51 = tpu.memref_slice %arg5[%multiple_of3A, %dma_start3A_50] : memref<32000x128xi32, #tpu.memory_space<hbm>> -> memref<128x128xi32, #tpu.memory_space<hbm>>
        tpu.enqueue_dma source(%arg8 : memref<128x128xi32, #tpu.memory_space<vmem>>) target(%dma_start3A_51 : memref<128x128xi32, #tpu.memory_space<hbm>>) target_semaphore(%run_scoped3A : memref<!tpu.dma_semaphore, #tpu.memory_space<semaphore_mem>>)
        %dma_wait3A_52 = arith.constant 0 : i32
        %dma_wait3A_53 = tpu.memref_slice %arg5[%multiple_of3A, %dma_wait3A_52] : memref<32000x128xi32, #tpu.memory_space<hbm>> -> memref<128x128xi32, #tpu.memory_space<hbm>>
        %dma_wait3A_54 = arith.constant 0 : i32
        %dma_wait3A_55 = tpu.memref_slice %arg5[%multiple_of3A, %dma_wait3A_54] : memref<32000x128xi32, #tpu.memory_space<hbm>> -> memref<128x128xi32, #tpu.memory_space<hbm>>
        tpu.wait_dma2 semaphore(%run_scoped3A : memref<!tpu.dma_semaphore, #tpu.memory_space<semaphore_mem>>) src(%arg8 : memref<128x128xi32, #tpu.memory_space<vmem>>) dst(%dma_wait3A_55 : memref<128x128xi32, #tpu.memory_space<hbm>>)
        tpu.yield
      }) : () -> ()
    }
    return
  }
}

#map = affine_map<(d0, d1) -> (0, 0)>
module attributes {stable_mosaic.version = 14 : i64} {
  func.func @edge_gather_64000(%arg0: i32, %arg1: i32, %arg2: memref<10000x128xi32, #tpu.memory_space<hbm>>, %arg3: memref<2x160000xi32, #tpu.memory_space<hbm>>, %arg4: memref<32000x128xi32, #tpu.memory_space<hbm>>, %arg5: memref<32000x128xi32, #tpu.memory_space<hbm>>, %arg6: memref<2x128xi32, #tpu.memory_space<vmem>>, %arg7: memref<128x128xi32, #tpu.memory_space<vmem>>, %arg8: memref<128x128xi32, #tpu.memory_space<vmem>>, %arg9: memref<!tpu.dma_semaphore, #tpu.memory_space<semaphore_mem>>, %arg10: memref<!tpu.dma_semaphore, #tpu.memory_space<semaphore_mem>>) attributes {dimension_semantics = [#tpu.dimension_semantics<core_parallel>, #tpu.dimension_semantics<subcore_parallel>], iteration_bounds = array<i64: 2, 16>, scalar_prefetch = 0 : i64, scratch_operands = 5 : i64, tpu.core_type = #tpu.core_type<sc_vector_subcore>, window_params = [{transform_indices = #map}, {transform_indices = #map}, {transform_indices = #map}, {transform_indices = #map}]} {
    %mul3A = arith.constant 16 : i32
    %mul3A_0 = arith.muli %arg0, %mul3A : i32
    %add3A = arith.addi %mul3A_0, %arg1 : i32
    %mul3A_1 = arith.constant 7 : i32
    %mul3A_2 = arith.muli %add3A, %mul3A_1 : i32
    %min3A = arith.constant 26 : i32
    %min3A_3 = arith.minsi %add3A, %min3A : i32
    %add3A_4 = arith.addi %mul3A_2, %min3A_3 : i32
    %lt3A = arith.constant 26 : i32
    %lt3A_5 = arith.cmpi slt, %add3A, %lt3A : i32
    %jit3A = arith.constant 8 : i32
    %jit3A_6 = arith.constant 7 : i32
    %select_n3A = arith.select %lt3A_5, %jit3A, %jit3A_6 : i32
    %while3A = arith.constant 0 : i32
    %while3A_7 = arith.constant 0 : i32
    %while3A_8 = arith.subi %select_n3A, %while3A_7 : i32
    %while3A_9 = arith.addi %while3A_7, %while3A_8 : i32
    %while3A_10 = arith.constant 1 : i32
    %while3A_11 = arith.divsi %while3A_8, %while3A_10 : i32
    %while3A_12 = arith.muli %while3A_11, %while3A_10 : i32
    %while3A_13 = arith.addi %while3A_7, %while3A_12 : i32
    %while3A_14 = arith.constant 1 : i32
    scf.for %while3A_16 = %while3A_7 to %while3A_13 step %while3A_14  : i32 {
      %add3A_17 = arith.addi %add3A_4, %while3A_16 : i32
      %mul3A_18 = arith.constant 128 : i32
      %mul3A_19 = arith.muli %add3A_17, %mul3A_18 : i32
      %multiple_of3A = tpu.assume_multiple %mul3A_19, 128 : i32
      %add3A_20 = arith.constant 64000 : i32
      %add3A_21 = arith.addi %add3A_20, %multiple_of3A : i32
      "tpu.region"() ({
        %run_scoped3A = tpu.sem_alloc : memref<!tpu.dma_semaphore, #tpu.memory_space<semaphore_mem>>
        %dma_start3A_48 = arith.constant 0 : i32
        %dma_start3A_49 = tpu.memref_slice %arg3[%dma_start3A_48, %add3A_21] : memref<2x160000xi32, #tpu.memory_space<hbm>> -> memref<2x128xi32, #tpu.memory_space<hbm>>
        %dma_start3A_50 = arith.constant 0 : i32
        %dma_start3A_51 = tpu.memref_slice %arg3[%dma_start3A_50, %add3A_21] : memref<2x160000xi32, #tpu.memory_space<hbm>> -> memref<2x128xi32, #tpu.memory_space<hbm>>
        tpu.enqueue_dma source(%dma_start3A_51 : memref<2x128xi32, #tpu.memory_space<hbm>>) target(%arg6 : memref<2x128xi32, #tpu.memory_space<vmem>>) target_semaphore(%run_scoped3A : memref<!tpu.dma_semaphore, #tpu.memory_space<semaphore_mem>>)
        %dma_wait3A_52 = arith.constant 0 : i32
        %dma_wait3A_53 = tpu.memref_slice %arg3[%dma_wait3A_52, %add3A_21] : memref<2x160000xi32, #tpu.memory_space<hbm>> -> memref<2x128xi32, #tpu.memory_space<hbm>>
        %dma_wait3A_54 = arith.constant 0 : i32
        %dma_wait3A_55 = tpu.memref_slice %arg3[%dma_wait3A_54, %add3A_21] : memref<2x160000xi32, #tpu.memory_space<hbm>> -> memref<2x128xi32, #tpu.memory_space<hbm>>
        tpu.wait_dma2 semaphore(%run_scoped3A : memref<!tpu.dma_semaphore, #tpu.memory_space<semaphore_mem>>) src(%dma_wait3A_55 : memref<2x128xi32, #tpu.memory_space<hbm>>) dst(%arg6 : memref<2x128xi32, #tpu.memory_space<vmem>>)
        tpu.yield
      }) : () -> ()
      %dma_start3A = arith.constant 0 : i32
      %dma_start3A_22 = arith.constant 0 : i32
      %dma_start3A_23 = tpu.memref_slice %arg6[%dma_start3A, %dma_start3A_22] : memref<2x128xi32, #tpu.memory_space<vmem>> -> memref<1x128xi32, #tpu.memory_space<vmem>>
      %dma_start3A_24 = tpu.memref_squeeze %dma_start3A_23 : memref<1x128xi32, #tpu.memory_space<vmem>> -> memref<128xi32, #tpu.memory_space<vmem>>
      %dma_start3A_25 = arith.constant 0 : i32
      %dma_start3A_26 = arith.constant 0 : i32
      %dma_start3A_27 = tpu.memref_slice %arg2[%dma_start3A_25, %dma_start3A_26] : memref<10000x128xi32, #tpu.memory_space<hbm>> -> memref<10000x128xi32, #tpu.memory_space<hbm>>
      tpu.enqueue_indirect_dma source(%dma_start3A_27 : memref<10000x128xi32, #tpu.memory_space<hbm>>) target(%arg7 : memref<128x128xi32, #tpu.memory_space<vmem>>) offsets(%dma_start3A_24 : memref<128xi32, #tpu.memory_space<vmem>>) semaphore(%arg9 : memref<!tpu.dma_semaphore, #tpu.memory_space<semaphore_mem>>)
      %dma_start3A_28 = arith.constant 1 : i32
      %dma_start3A_29 = arith.constant 0 : i32
      %dma_start3A_30 = tpu.memref_slice %arg6[%dma_start3A_28, %dma_start3A_29] : memref<2x128xi32, #tpu.memory_space<vmem>> -> memref<1x128xi32, #tpu.memory_space<vmem>>
      %dma_start3A_31 = tpu.memref_squeeze %dma_start3A_30 : memref<1x128xi32, #tpu.memory_space<vmem>> -> memref<128xi32, #tpu.memory_space<vmem>>
      %dma_start3A_32 = arith.constant 0 : i32
      %dma_start3A_33 = arith.constant 0 : i32
      %dma_start3A_34 = tpu.memref_slice %arg2[%dma_start3A_32, %dma_start3A_33] : memref<10000x128xi32, #tpu.memory_space<hbm>> -> memref<10000x128xi32, #tpu.memory_space<hbm>>
      tpu.enqueue_indirect_dma source(%dma_start3A_34 : memref<10000x128xi32, #tpu.memory_space<hbm>>) target(%arg8 : memref<128x128xi32, #tpu.memory_space<vmem>>) offsets(%dma_start3A_31 : memref<128xi32, #tpu.memory_space<vmem>>) semaphore(%arg10 : memref<!tpu.dma_semaphore, #tpu.memory_space<semaphore_mem>>)
      %dma_wait3A = arith.constant 0 : i32
      %dma_wait3A_35 = arith.constant 0 : i32
      %dma_wait3A_36 = tpu.memref_slice %arg6[%dma_wait3A, %dma_wait3A_35] : memref<2x128xi32, #tpu.memory_space<vmem>> -> memref<1x128xi32, #tpu.memory_space<vmem>>
      %dma_wait3A_37 = tpu.memref_squeeze %dma_wait3A_36 : memref<1x128xi32, #tpu.memory_space<vmem>> -> memref<128xi32, #tpu.memory_space<vmem>>
      %dma_wait3A_38 = arith.constant 0 : i32
      %dma_wait3A_39 = arith.constant 0 : i32
      %dma_wait3A_40 = tpu.memref_slice %arg2[%dma_wait3A_38, %dma_wait3A_39] : memref<10000x128xi32, #tpu.memory_space<hbm>> -> memref<10000x128xi32, #tpu.memory_space<hbm>>
      tpu.wait_indirect_dma semaphore(%arg9 : memref<!tpu.dma_semaphore, #tpu.memory_space<semaphore_mem>>) src(%dma_wait3A_40 : memref<10000x128xi32, #tpu.memory_space<hbm>>) dst(%arg7 : memref<128x128xi32, #tpu.memory_space<vmem>>)
      "tpu.region"() ({
        %run_scoped3A = tpu.sem_alloc : memref<!tpu.dma_semaphore, #tpu.memory_space<semaphore_mem>>
        %dma_start3A_48 = arith.constant 0 : i32
        %dma_start3A_49 = tpu.memref_slice %arg4[%multiple_of3A, %dma_start3A_48] : memref<32000x128xi32, #tpu.memory_space<hbm>> -> memref<128x128xi32, #tpu.memory_space<hbm>>
        %dma_start3A_50 = arith.constant 0 : i32
        %dma_start3A_51 = tpu.memref_slice %arg4[%multiple_of3A, %dma_start3A_50] : memref<32000x128xi32, #tpu.memory_space<hbm>> -> memref<128x128xi32, #tpu.memory_space<hbm>>
        tpu.enqueue_dma source(%arg7 : memref<128x128xi32, #tpu.memory_space<vmem>>) target(%dma_start3A_51 : memref<128x128xi32, #tpu.memory_space<hbm>>) target_semaphore(%run_scoped3A : memref<!tpu.dma_semaphore, #tpu.memory_space<semaphore_mem>>)
        %dma_wait3A_52 = arith.constant 0 : i32
        %dma_wait3A_53 = tpu.memref_slice %arg4[%multiple_of3A, %dma_wait3A_52] : memref<32000x128xi32, #tpu.memory_space<hbm>> -> memref<128x128xi32, #tpu.memory_space<hbm>>
        %dma_wait3A_54 = arith.constant 0 : i32
        %dma_wait3A_55 = tpu.memref_slice %arg4[%multiple_of3A, %dma_wait3A_54] : memref<32000x128xi32, #tpu.memory_space<hbm>> -> memref<128x128xi32, #tpu.memory_space<hbm>>
        tpu.wait_dma2 semaphore(%run_scoped3A : memref<!tpu.dma_semaphore, #tpu.memory_space<semaphore_mem>>) src(%arg7 : memref<128x128xi32, #tpu.memory_space<vmem>>) dst(%dma_wait3A_55 : memref<128x128xi32, #tpu.memory_space<hbm>>)
        tpu.yield
      }) : () -> ()
      %dma_wait3A_41 = arith.constant 1 : i32
      %dma_wait3A_42 = arith.constant 0 : i32
      %dma_wait3A_43 = tpu.memref_slice %arg6[%dma_wait3A_41, %dma_wait3A_42] : memref<2x128xi32, #tpu.memory_space<vmem>> -> memref<1x128xi32, #tpu.memory_space<vmem>>
      %dma_wait3A_44 = tpu.memref_squeeze %dma_wait3A_43 : memref<1x128xi32, #tpu.memory_space<vmem>> -> memref<128xi32, #tpu.memory_space<vmem>>
      %dma_wait3A_45 = arith.constant 0 : i32
      %dma_wait3A_46 = arith.constant 0 : i32
      %dma_wait3A_47 = tpu.memref_slice %arg2[%dma_wait3A_45, %dma_wait3A_46] : memref<10000x128xi32, #tpu.memory_space<hbm>> -> memref<10000x128xi32, #tpu.memory_space<hbm>>
      tpu.wait_indirect_dma semaphore(%arg10 : memref<!tpu.dma_semaphore, #tpu.memory_space<semaphore_mem>>) src(%dma_wait3A_47 : memref<10000x128xi32, #tpu.memory_space<hbm>>) dst(%arg8 : memref<128x128xi32, #tpu.memory_space<vmem>>)
      "tpu.region"() ({
        %run_scoped3A = tpu.sem_alloc : memref<!tpu.dma_semaphore, #tpu.memory_space<semaphore_mem>>
        %dma_start3A_48 = arith.constant 0 : i32
        %dma_start3A_49 = tpu.memref_slice %arg5[%multiple_of3A, %dma_start3A_48] : memref<32000x128xi32, #tpu.memory_space<hbm>> -> memref<128x128xi32, #tpu.memory_space<hbm>>
        %dma_start3A_50 = arith.constant 0 : i32
        %dma_start3A_51 = tpu.memref_slice %arg5[%multiple_of3A, %dma_start3A_50] : memref<32000x128xi32, #tpu.memory_space<hbm>> -> memref<128x128xi32, #tpu.memory_space<hbm>>
        tpu.enqueue_dma source(%arg8 : memref<128x128xi32, #tpu.memory_space<vmem>>) target(%dma_start3A_51 : memref<128x128xi32, #tpu.memory_space<hbm>>) target_semaphore(%run_scoped3A : memref<!tpu.dma_semaphore, #tpu.memory_space<semaphore_mem>>)
        %dma_wait3A_52 = arith.constant 0 : i32
        %dma_wait3A_53 = tpu.memref_slice %arg5[%multiple_of3A, %dma_wait3A_52] : memref<32000x128xi32, #tpu.memory_space<hbm>> -> memref<128x128xi32, #tpu.memory_space<hbm>>
        %dma_wait3A_54 = arith.constant 0 : i32
        %dma_wait3A_55 = tpu.memref_slice %arg5[%multiple_of3A, %dma_wait3A_54] : memref<32000x128xi32, #tpu.memory_space<hbm>> -> memref<128x128xi32, #tpu.memory_space<hbm>>
        tpu.wait_dma2 semaphore(%run_scoped3A : memref<!tpu.dma_semaphore, #tpu.memory_space<semaphore_mem>>) src(%arg8 : memref<128x128xi32, #tpu.memory_space<vmem>>) dst(%dma_wait3A_55 : memref<128x128xi32, #tpu.memory_space<hbm>>)
        tpu.yield
      }) : () -> ()
    }
    %while3A_15 = arith.constant 1 : i32
    scf.for %while3A_16 = %while3A_13 to %while3A_9 step %while3A_15  : i32 {
      %add3A_17 = arith.addi %add3A_4, %while3A_16 : i32
      %mul3A_18 = arith.constant 128 : i32
      %mul3A_19 = arith.muli %add3A_17, %mul3A_18 : i32
      %multiple_of3A = tpu.assume_multiple %mul3A_19, 128 : i32
      %add3A_20 = arith.constant 64000 : i32
      %add3A_21 = arith.addi %add3A_20, %multiple_of3A : i32
      "tpu.region"() ({
        %run_scoped3A = tpu.sem_alloc : memref<!tpu.dma_semaphore, #tpu.memory_space<semaphore_mem>>
        %dma_start3A_48 = arith.constant 0 : i32
        %dma_start3A_49 = tpu.memref_slice %arg3[%dma_start3A_48, %add3A_21] : memref<2x160000xi32, #tpu.memory_space<hbm>> -> memref<2x128xi32, #tpu.memory_space<hbm>>
        %dma_start3A_50 = arith.constant 0 : i32
        %dma_start3A_51 = tpu.memref_slice %arg3[%dma_start3A_50, %add3A_21] : memref<2x160000xi32, #tpu.memory_space<hbm>> -> memref<2x128xi32, #tpu.memory_space<hbm>>
        tpu.enqueue_dma source(%dma_start3A_51 : memref<2x128xi32, #tpu.memory_space<hbm>>) target(%arg6 : memref<2x128xi32, #tpu.memory_space<vmem>>) target_semaphore(%run_scoped3A : memref<!tpu.dma_semaphore, #tpu.memory_space<semaphore_mem>>)
        %dma_wait3A_52 = arith.constant 0 : i32
        %dma_wait3A_53 = tpu.memref_slice %arg3[%dma_wait3A_52, %add3A_21] : memref<2x160000xi32, #tpu.memory_space<hbm>> -> memref<2x128xi32, #tpu.memory_space<hbm>>
        %dma_wait3A_54 = arith.constant 0 : i32
        %dma_wait3A_55 = tpu.memref_slice %arg3[%dma_wait3A_54, %add3A_21] : memref<2x160000xi32, #tpu.memory_space<hbm>> -> memref<2x128xi32, #tpu.memory_space<hbm>>
        tpu.wait_dma2 semaphore(%run_scoped3A : memref<!tpu.dma_semaphore, #tpu.memory_space<semaphore_mem>>) src(%dma_wait3A_55 : memref<2x128xi32, #tpu.memory_space<hbm>>) dst(%arg6 : memref<2x128xi32, #tpu.memory_space<vmem>>)
        tpu.yield
      }) : () -> ()
      %dma_start3A = arith.constant 0 : i32
      %dma_start3A_22 = arith.constant 0 : i32
      %dma_start3A_23 = tpu.memref_slice %arg6[%dma_start3A, %dma_start3A_22] : memref<2x128xi32, #tpu.memory_space<vmem>> -> memref<1x128xi32, #tpu.memory_space<vmem>>
      %dma_start3A_24 = tpu.memref_squeeze %dma_start3A_23 : memref<1x128xi32, #tpu.memory_space<vmem>> -> memref<128xi32, #tpu.memory_space<vmem>>
      %dma_start3A_25 = arith.constant 0 : i32
      %dma_start3A_26 = arith.constant 0 : i32
      %dma_start3A_27 = tpu.memref_slice %arg2[%dma_start3A_25, %dma_start3A_26] : memref<10000x128xi32, #tpu.memory_space<hbm>> -> memref<10000x128xi32, #tpu.memory_space<hbm>>
      tpu.enqueue_indirect_dma source(%dma_start3A_27 : memref<10000x128xi32, #tpu.memory_space<hbm>>) target(%arg7 : memref<128x128xi32, #tpu.memory_space<vmem>>) offsets(%dma_start3A_24 : memref<128xi32, #tpu.memory_space<vmem>>) semaphore(%arg9 : memref<!tpu.dma_semaphore, #tpu.memory_space<semaphore_mem>>)
      %dma_start3A_28 = arith.constant 1 : i32
      %dma_start3A_29 = arith.constant 0 : i32
      %dma_start3A_30 = tpu.memref_slice %arg6[%dma_start3A_28, %dma_start3A_29] : memref<2x128xi32, #tpu.memory_space<vmem>> -> memref<1x128xi32, #tpu.memory_space<vmem>>
      %dma_start3A_31 = tpu.memref_squeeze %dma_start3A_30 : memref<1x128xi32, #tpu.memory_space<vmem>> -> memref<128xi32, #tpu.memory_space<vmem>>
      %dma_start3A_32 = arith.constant 0 : i32
      %dma_start3A_33 = arith.constant 0 : i32
      %dma_start3A_34 = tpu.memref_slice %arg2[%dma_start3A_32, %dma_start3A_33] : memref<10000x128xi32, #tpu.memory_space<hbm>> -> memref<10000x128xi32, #tpu.memory_space<hbm>>
      tpu.enqueue_indirect_dma source(%dma_start3A_34 : memref<10000x128xi32, #tpu.memory_space<hbm>>) target(%arg8 : memref<128x128xi32, #tpu.memory_space<vmem>>) offsets(%dma_start3A_31 : memref<128xi32, #tpu.memory_space<vmem>>) semaphore(%arg10 : memref<!tpu.dma_semaphore, #tpu.memory_space<semaphore_mem>>)
      %dma_wait3A = arith.constant 0 : i32
      %dma_wait3A_35 = arith.constant 0 : i32
      %dma_wait3A_36 = tpu.memref_slice %arg6[%dma_wait3A, %dma_wait3A_35] : memref<2x128xi32, #tpu.memory_space<vmem>> -> memref<1x128xi32, #tpu.memory_space<vmem>>
      %dma_wait3A_37 = tpu.memref_squeeze %dma_wait3A_36 : memref<1x128xi32, #tpu.memory_space<vmem>> -> memref<128xi32, #tpu.memory_space<vmem>>
      %dma_wait3A_38 = arith.constant 0 : i32
      %dma_wait3A_39 = arith.constant 0 : i32
      %dma_wait3A_40 = tpu.memref_slice %arg2[%dma_wait3A_38, %dma_wait3A_39] : memref<10000x128xi32, #tpu.memory_space<hbm>> -> memref<10000x128xi32, #tpu.memory_space<hbm>>
      tpu.wait_indirect_dma semaphore(%arg9 : memref<!tpu.dma_semaphore, #tpu.memory_space<semaphore_mem>>) src(%dma_wait3A_40 : memref<10000x128xi32, #tpu.memory_space<hbm>>) dst(%arg7 : memref<128x128xi32, #tpu.memory_space<vmem>>)
      "tpu.region"() ({
        %run_scoped3A = tpu.sem_alloc : memref<!tpu.dma_semaphore, #tpu.memory_space<semaphore_mem>>
        %dma_start3A_48 = arith.constant 0 : i32
        %dma_start3A_49 = tpu.memref_slice %arg4[%multiple_of3A, %dma_start3A_48] : memref<32000x128xi32, #tpu.memory_space<hbm>> -> memref<128x128xi32, #tpu.memory_space<hbm>>
        %dma_start3A_50 = arith.constant 0 : i32
        %dma_start3A_51 = tpu.memref_slice %arg4[%multiple_of3A, %dma_start3A_50] : memref<32000x128xi32, #tpu.memory_space<hbm>> -> memref<128x128xi32, #tpu.memory_space<hbm>>
        tpu.enqueue_dma source(%arg7 : memref<128x128xi32, #tpu.memory_space<vmem>>) target(%dma_start3A_51 : memref<128x128xi32, #tpu.memory_space<hbm>>) target_semaphore(%run_scoped3A : memref<!tpu.dma_semaphore, #tpu.memory_space<semaphore_mem>>)
        %dma_wait3A_52 = arith.constant 0 : i32
        %dma_wait3A_53 = tpu.memref_slice %arg4[%multiple_of3A, %dma_wait3A_52] : memref<32000x128xi32, #tpu.memory_space<hbm>> -> memref<128x128xi32, #tpu.memory_space<hbm>>
        %dma_wait3A_54 = arith.constant 0 : i32
        %dma_wait3A_55 = tpu.memref_slice %arg4[%multiple_of3A, %dma_wait3A_54] : memref<32000x128xi32, #tpu.memory_space<hbm>> -> memref<128x128xi32, #tpu.memory_space<hbm>>
        tpu.wait_dma2 semaphore(%run_scoped3A : memref<!tpu.dma_semaphore, #tpu.memory_space<semaphore_mem>>) src(%arg7 : memref<128x128xi32, #tpu.memory_space<vmem>>) dst(%dma_wait3A_55 : memref<128x128xi32, #tpu.memory_space<hbm>>)
        tpu.yield
      }) : () -> ()
      %dma_wait3A_41 = arith.constant 1 : i32
      %dma_wait3A_42 = arith.constant 0 : i32
      %dma_wait3A_43 = tpu.memref_slice %arg6[%dma_wait3A_41, %dma_wait3A_42] : memref<2x128xi32, #tpu.memory_space<vmem>> -> memref<1x128xi32, #tpu.memory_space<vmem>>
      %dma_wait3A_44 = tpu.memref_squeeze %dma_wait3A_43 : memref<1x128xi32, #tpu.memory_space<vmem>> -> memref<128xi32, #tpu.memory_space<vmem>>
      %dma_wait3A_45 = arith.constant 0 : i32
      %dma_wait3A_46 = arith.constant 0 : i32
      %dma_wait3A_47 = tpu.memref_slice %arg2[%dma_wait3A_45, %dma_wait3A_46] : memref<10000x128xi32, #tpu.memory_space<hbm>> -> memref<10000x128xi32, #tpu.memory_space<hbm>>
      tpu.wait_indirect_dma semaphore(%arg10 : memref<!tpu.dma_semaphore, #tpu.memory_space<semaphore_mem>>) src(%dma_wait3A_47 : memref<10000x128xi32, #tpu.memory_space<hbm>>) dst(%arg8 : memref<128x128xi32, #tpu.memory_space<vmem>>)
      "tpu.region"() ({
        %run_scoped3A = tpu.sem_alloc : memref<!tpu.dma_semaphore, #tpu.memory_space<semaphore_mem>>
        %dma_start3A_48 = arith.constant 0 : i32
        %dma_start3A_49 = tpu.memref_slice %arg5[%multiple_of3A, %dma_start3A_48] : memref<32000x128xi32, #tpu.memory_space<hbm>> -> memref<128x128xi32, #tpu.memory_space<hbm>>
        %dma_start3A_50 = arith.constant 0 : i32
        %dma_start3A_51 = tpu.memref_slice %arg5[%multiple_of3A, %dma_start3A_50] : memref<32000x128xi32, #tpu.memory_space<hbm>> -> memref<128x128xi32, #tpu.memory_space<hbm>>
        tpu.enqueue_dma source(%arg8 : memref<128x128xi32, #tpu.memory_space<vmem>>) target(%dma_start3A_51 : memref<128x128xi32, #tpu.memory_space<hbm>>) target_semaphore(%run_scoped3A : memref<!tpu.dma_semaphore, #tpu.memory_space<semaphore_mem>>)
        %dma_wait3A_52 = arith.constant 0 : i32
        %dma_wait3A_53 = tpu.memref_slice %arg5[%multiple_of3A, %dma_wait3A_52] : memref<32000x128xi32, #tpu.memory_space<hbm>> -> memref<128x128xi32, #tpu.memory_space<hbm>>
        %dma_wait3A_54 = arith.constant 0 : i32
        %dma_wait3A_55 = tpu.memref_slice %arg5[%multiple_of3A, %dma_wait3A_54] : memref<32000x128xi32, #tpu.memory_space<hbm>> -> memref<128x128xi32, #tpu.memory_space<hbm>>
        tpu.wait_dma2 semaphore(%run_scoped3A : memref<!tpu.dma_semaphore, #tpu.memory_space<semaphore_mem>>) src(%arg8 : memref<128x128xi32, #tpu.memory_space<vmem>>) dst(%dma_wait3A_55 : memref<128x128xi32, #tpu.memory_space<hbm>>)
        tpu.yield
      }) : () -> ()
    }
    return
  }
}

#map = affine_map<(d0, d1) -> (0, 0)>
module attributes {stable_mosaic.version = 14 : i64} {
  func.func @edge_gather_0(%arg0: i32, %arg1: i32, %arg2: memref<10000x128xi32, #tpu.memory_space<hbm>>, %arg3: memref<2x160000xi32, #tpu.memory_space<hbm>>, %arg4: memref<32000x128xi32, #tpu.memory_space<hbm>>, %arg5: memref<32000x128xi32, #tpu.memory_space<hbm>>, %arg6: memref<2x128xi32, #tpu.memory_space<vmem>>, %arg7: memref<128x128xi32, #tpu.memory_space<vmem>>, %arg8: memref<128x128xi32, #tpu.memory_space<vmem>>, %arg9: memref<!tpu.dma_semaphore, #tpu.memory_space<semaphore_mem>>, %arg10: memref<!tpu.dma_semaphore, #tpu.memory_space<semaphore_mem>>) attributes {dimension_semantics = [#tpu.dimension_semantics<core_parallel>, #tpu.dimension_semantics<subcore_parallel>], iteration_bounds = array<i64: 2, 16>, scalar_prefetch = 0 : i64, scratch_operands = 5 : i64, tpu.core_type = #tpu.core_type<sc_vector_subcore>, window_params = [{transform_indices = #map}, {transform_indices = #map}, {transform_indices = #map}, {transform_indices = #map}]} {
    %mul3A = arith.constant 16 : i32
    %mul3A_0 = arith.muli %arg0, %mul3A : i32
    %add3A = arith.addi %mul3A_0, %arg1 : i32
    %mul3A_1 = arith.constant 7 : i32
    %mul3A_2 = arith.muli %add3A, %mul3A_1 : i32
    %min3A = arith.constant 26 : i32
    %min3A_3 = arith.minsi %add3A, %min3A : i32
    %add3A_4 = arith.addi %mul3A_2, %min3A_3 : i32
    %lt3A = arith.constant 26 : i32
    %lt3A_5 = arith.cmpi slt, %add3A, %lt3A : i32
    %jit3A = arith.constant 8 : i32
    %jit3A_6 = arith.constant 7 : i32
    %select_n3A = arith.select %lt3A_5, %jit3A, %jit3A_6 : i32
    %while3A = arith.constant 0 : i32
    %while3A_7 = arith.constant 0 : i32
    %while3A_8 = arith.subi %select_n3A, %while3A_7 : i32
    %while3A_9 = arith.addi %while3A_7, %while3A_8 : i32
    %while3A_10 = arith.constant 1 : i32
    %while3A_11 = arith.divsi %while3A_8, %while3A_10 : i32
    %while3A_12 = arith.muli %while3A_11, %while3A_10 : i32
    %while3A_13 = arith.addi %while3A_7, %while3A_12 : i32
    %while3A_14 = arith.constant 1 : i32
    scf.for %while3A_16 = %while3A_7 to %while3A_13 step %while3A_14  : i32 {
      %add3A_17 = arith.addi %add3A_4, %while3A_16 : i32
      %mul3A_18 = arith.constant 128 : i32
      %mul3A_19 = arith.muli %add3A_17, %mul3A_18 : i32
      %multiple_of3A = tpu.assume_multiple %mul3A_19, 128 : i32
      %add3A_20 = arith.constant 0 : i32
      %add3A_21 = arith.addi %add3A_20, %multiple_of3A : i32
      "tpu.region"() ({
        %run_scoped3A = tpu.sem_alloc : memref<!tpu.dma_semaphore, #tpu.memory_space<semaphore_mem>>
        %dma_start3A_48 = arith.constant 0 : i32
        %dma_start3A_49 = tpu.memref_slice %arg3[%dma_start3A_48, %add3A_21] : memref<2x160000xi32, #tpu.memory_space<hbm>> -> memref<2x128xi32, #tpu.memory_space<hbm>>
        %dma_start3A_50 = arith.constant 0 : i32
        %dma_start3A_51 = tpu.memref_slice %arg3[%dma_start3A_50, %add3A_21] : memref<2x160000xi32, #tpu.memory_space<hbm>> -> memref<2x128xi32, #tpu.memory_space<hbm>>
        tpu.enqueue_dma source(%dma_start3A_51 : memref<2x128xi32, #tpu.memory_space<hbm>>) target(%arg6 : memref<2x128xi32, #tpu.memory_space<vmem>>) target_semaphore(%run_scoped3A : memref<!tpu.dma_semaphore, #tpu.memory_space<semaphore_mem>>)
        %dma_wait3A_52 = arith.constant 0 : i32
        %dma_wait3A_53 = tpu.memref_slice %arg3[%dma_wait3A_52, %add3A_21] : memref<2x160000xi32, #tpu.memory_space<hbm>> -> memref<2x128xi32, #tpu.memory_space<hbm>>
        %dma_wait3A_54 = arith.constant 0 : i32
        %dma_wait3A_55 = tpu.memref_slice %arg3[%dma_wait3A_54, %add3A_21] : memref<2x160000xi32, #tpu.memory_space<hbm>> -> memref<2x128xi32, #tpu.memory_space<hbm>>
        tpu.wait_dma2 semaphore(%run_scoped3A : memref<!tpu.dma_semaphore, #tpu.memory_space<semaphore_mem>>) src(%dma_wait3A_55 : memref<2x128xi32, #tpu.memory_space<hbm>>) dst(%arg6 : memref<2x128xi32, #tpu.memory_space<vmem>>)
        tpu.yield
      }) : () -> ()
      %dma_start3A = arith.constant 0 : i32
      %dma_start3A_22 = arith.constant 0 : i32
      %dma_start3A_23 = tpu.memref_slice %arg6[%dma_start3A, %dma_start3A_22] : memref<2x128xi32, #tpu.memory_space<vmem>> -> memref<1x128xi32, #tpu.memory_space<vmem>>
      %dma_start3A_24 = tpu.memref_squeeze %dma_start3A_23 : memref<1x128xi32, #tpu.memory_space<vmem>> -> memref<128xi32, #tpu.memory_space<vmem>>
      %dma_start3A_25 = arith.constant 0 : i32
      %dma_start3A_26 = arith.constant 0 : i32
      %dma_start3A_27 = tpu.memref_slice %arg2[%dma_start3A_25, %dma_start3A_26] : memref<10000x128xi32, #tpu.memory_space<hbm>> -> memref<10000x128xi32, #tpu.memory_space<hbm>>
      tpu.enqueue_indirect_dma source(%dma_start3A_27 : memref<10000x128xi32, #tpu.memory_space<hbm>>) target(%arg7 : memref<128x128xi32, #tpu.memory_space<vmem>>) offsets(%dma_start3A_24 : memref<128xi32, #tpu.memory_space<vmem>>) semaphore(%arg9 : memref<!tpu.dma_semaphore, #tpu.memory_space<semaphore_mem>>)
      %dma_start3A_28 = arith.constant 1 : i32
      %dma_start3A_29 = arith.constant 0 : i32
      %dma_start3A_30 = tpu.memref_slice %arg6[%dma_start3A_28, %dma_start3A_29] : memref<2x128xi32, #tpu.memory_space<vmem>> -> memref<1x128xi32, #tpu.memory_space<vmem>>
      %dma_start3A_31 = tpu.memref_squeeze %dma_start3A_30 : memref<1x128xi32, #tpu.memory_space<vmem>> -> memref<128xi32, #tpu.memory_space<vmem>>
      %dma_start3A_32 = arith.constant 0 : i32
      %dma_start3A_33 = arith.constant 0 : i32
      %dma_start3A_34 = tpu.memref_slice %arg2[%dma_start3A_32, %dma_start3A_33] : memref<10000x128xi32, #tpu.memory_space<hbm>> -> memref<10000x128xi32, #tpu.memory_space<hbm>>
      tpu.enqueue_indirect_dma source(%dma_start3A_34 : memref<10000x128xi32, #tpu.memory_space<hbm>>) target(%arg8 : memref<128x128xi32, #tpu.memory_space<vmem>>) offsets(%dma_start3A_31 : memref<128xi32, #tpu.memory_space<vmem>>) semaphore(%arg10 : memref<!tpu.dma_semaphore, #tpu.memory_space<semaphore_mem>>)
      %dma_wait3A = arith.constant 0 : i32
      %dma_wait3A_35 = arith.constant 0 : i32
      %dma_wait3A_36 = tpu.memref_slice %arg6[%dma_wait3A, %dma_wait3A_35] : memref<2x128xi32, #tpu.memory_space<vmem>> -> memref<1x128xi32, #tpu.memory_space<vmem>>
      %dma_wait3A_37 = tpu.memref_squeeze %dma_wait3A_36 : memref<1x128xi32, #tpu.memory_space<vmem>> -> memref<128xi32, #tpu.memory_space<vmem>>
      %dma_wait3A_38 = arith.constant 0 : i32
      %dma_wait3A_39 = arith.constant 0 : i32
      %dma_wait3A_40 = tpu.memref_slice %arg2[%dma_wait3A_38, %dma_wait3A_39] : memref<10000x128xi32, #tpu.memory_space<hbm>> -> memref<10000x128xi32, #tpu.memory_space<hbm>>
      tpu.wait_indirect_dma semaphore(%arg9 : memref<!tpu.dma_semaphore, #tpu.memory_space<semaphore_mem>>) src(%dma_wait3A_40 : memref<10000x128xi32, #tpu.memory_space<hbm>>) dst(%arg7 : memref<128x128xi32, #tpu.memory_space<vmem>>)
      "tpu.region"() ({
        %run_scoped3A = tpu.sem_alloc : memref<!tpu.dma_semaphore, #tpu.memory_space<semaphore_mem>>
        %dma_start3A_48 = arith.constant 0 : i32
        %dma_start3A_49 = tpu.memref_slice %arg4[%multiple_of3A, %dma_start3A_48] : memref<32000x128xi32, #tpu.memory_space<hbm>> -> memref<128x128xi32, #tpu.memory_space<hbm>>
        %dma_start3A_50 = arith.constant 0 : i32
        %dma_start3A_51 = tpu.memref_slice %arg4[%multiple_of3A, %dma_start3A_50] : memref<32000x128xi32, #tpu.memory_space<hbm>> -> memref<128x128xi32, #tpu.memory_space<hbm>>
        tpu.enqueue_dma source(%arg7 : memref<128x128xi32, #tpu.memory_space<vmem>>) target(%dma_start3A_51 : memref<128x128xi32, #tpu.memory_space<hbm>>) target_semaphore(%run_scoped3A : memref<!tpu.dma_semaphore, #tpu.memory_space<semaphore_mem>>)
        %dma_wait3A_52 = arith.constant 0 : i32
        %dma_wait3A_53 = tpu.memref_slice %arg4[%multiple_of3A, %dma_wait3A_52] : memref<32000x128xi32, #tpu.memory_space<hbm>> -> memref<128x128xi32, #tpu.memory_space<hbm>>
        %dma_wait3A_54 = arith.constant 0 : i32
        %dma_wait3A_55 = tpu.memref_slice %arg4[%multiple_of3A, %dma_wait3A_54] : memref<32000x128xi32, #tpu.memory_space<hbm>> -> memref<128x128xi32, #tpu.memory_space<hbm>>
        tpu.wait_dma2 semaphore(%run_scoped3A : memref<!tpu.dma_semaphore, #tpu.memory_space<semaphore_mem>>) src(%arg7 : memref<128x128xi32, #tpu.memory_space<vmem>>) dst(%dma_wait3A_55 : memref<128x128xi32, #tpu.memory_space<hbm>>)
        tpu.yield
      }) : () -> ()
      %dma_wait3A_41 = arith.constant 1 : i32
      %dma_wait3A_42 = arith.constant 0 : i32
      %dma_wait3A_43 = tpu.memref_slice %arg6[%dma_wait3A_41, %dma_wait3A_42] : memref<2x128xi32, #tpu.memory_space<vmem>> -> memref<1x128xi32, #tpu.memory_space<vmem>>
      %dma_wait3A_44 = tpu.memref_squeeze %dma_wait3A_43 : memref<1x128xi32, #tpu.memory_space<vmem>> -> memref<128xi32, #tpu.memory_space<vmem>>
      %dma_wait3A_45 = arith.constant 0 : i32
      %dma_wait3A_46 = arith.constant 0 : i32
      %dma_wait3A_47 = tpu.memref_slice %arg2[%dma_wait3A_45, %dma_wait3A_46] : memref<10000x128xi32, #tpu.memory_space<hbm>> -> memref<10000x128xi32, #tpu.memory_space<hbm>>
      tpu.wait_indirect_dma semaphore(%arg10 : memref<!tpu.dma_semaphore, #tpu.memory_space<semaphore_mem>>) src(%dma_wait3A_47 : memref<10000x128xi32, #tpu.memory_space<hbm>>) dst(%arg8 : memref<128x128xi32, #tpu.memory_space<vmem>>)
      "tpu.region"() ({
        %run_scoped3A = tpu.sem_alloc : memref<!tpu.dma_semaphore, #tpu.memory_space<semaphore_mem>>
        %dma_start3A_48 = arith.constant 0 : i32
        %dma_start3A_49 = tpu.memref_slice %arg5[%multiple_of3A, %dma_start3A_48] : memref<32000x128xi32, #tpu.memory_space<hbm>> -> memref<128x128xi32, #tpu.memory_space<hbm>>
        %dma_start3A_50 = arith.constant 0 : i32
        %dma_start3A_51 = tpu.memref_slice %arg5[%multiple_of3A, %dma_start3A_50] : memref<32000x128xi32, #tpu.memory_space<hbm>> -> memref<128x128xi32, #tpu.memory_space<hbm>>
        tpu.enqueue_dma source(%arg8 : memref<128x128xi32, #tpu.memory_space<vmem>>) target(%dma_start3A_51 : memref<128x128xi32, #tpu.memory_space<hbm>>) target_semaphore(%run_scoped3A : memref<!tpu.dma_semaphore, #tpu.memory_space<semaphore_mem>>)
        %dma_wait3A_52 = arith.constant 0 : i32
        %dma_wait3A_53 = tpu.memref_slice %arg5[%multiple_of3A, %dma_wait3A_52] : memref<32000x128xi32, #tpu.memory_space<hbm>> -> memref<128x128xi32, #tpu.memory_space<hbm>>
        %dma_wait3A_54 = arith.constant 0 : i32
        %dma_wait3A_55 = tpu.memref_slice %arg5[%multiple_of3A, %dma_wait3A_54] : memref<32000x128xi32, #tpu.memory_space<hbm>> -> memref<128x128xi32, #tpu.memory_space<hbm>>
        tpu.wait_dma2 semaphore(%run_scoped3A : memref<!tpu.dma_semaphore, #tpu.memory_space<semaphore_mem>>) src(%arg8 : memref<128x128xi32, #tpu.memory_space<vmem>>) dst(%dma_wait3A_55 : memref<128x128xi32, #tpu.memory_space<hbm>>)
        tpu.yield
      }) : () -> ()
    }
    %while3A_15 = arith.constant 1 : i32
    scf.for %while3A_16 = %while3A_13 to %while3A_9 step %while3A_15  : i32 {
      %add3A_17 = arith.addi %add3A_4, %while3A_16 : i32
      %mul3A_18 = arith.constant 128 : i32
      %mul3A_19 = arith.muli %add3A_17, %mul3A_18 : i32
      %multiple_of3A = tpu.assume_multiple %mul3A_19, 128 : i32
      %add3A_20 = arith.constant 0 : i32
      %add3A_21 = arith.addi %add3A_20, %multiple_of3A : i32
      "tpu.region"() ({
        %run_scoped3A = tpu.sem_alloc : memref<!tpu.dma_semaphore, #tpu.memory_space<semaphore_mem>>
        %dma_start3A_48 = arith.constant 0 : i32
        %dma_start3A_49 = tpu.memref_slice %arg3[%dma_start3A_48, %add3A_21] : memref<2x160000xi32, #tpu.memory_space<hbm>> -> memref<2x128xi32, #tpu.memory_space<hbm>>
        %dma_start3A_50 = arith.constant 0 : i32
        %dma_start3A_51 = tpu.memref_slice %arg3[%dma_start3A_50, %add3A_21] : memref<2x160000xi32, #tpu.memory_space<hbm>> -> memref<2x128xi32, #tpu.memory_space<hbm>>
        tpu.enqueue_dma source(%dma_start3A_51 : memref<2x128xi32, #tpu.memory_space<hbm>>) target(%arg6 : memref<2x128xi32, #tpu.memory_space<vmem>>) target_semaphore(%run_scoped3A : memref<!tpu.dma_semaphore, #tpu.memory_space<semaphore_mem>>)
        %dma_wait3A_52 = arith.constant 0 : i32
        %dma_wait3A_53 = tpu.memref_slice %arg3[%dma_wait3A_52, %add3A_21] : memref<2x160000xi32, #tpu.memory_space<hbm>> -> memref<2x128xi32, #tpu.memory_space<hbm>>
        %dma_wait3A_54 = arith.constant 0 : i32
        %dma_wait3A_55 = tpu.memref_slice %arg3[%dma_wait3A_54, %add3A_21] : memref<2x160000xi32, #tpu.memory_space<hbm>> -> memref<2x128xi32, #tpu.memory_space<hbm>>
        tpu.wait_dma2 semaphore(%run_scoped3A : memref<!tpu.dma_semaphore, #tpu.memory_space<semaphore_mem>>) src(%dma_wait3A_55 : memref<2x128xi32, #tpu.memory_space<hbm>>) dst(%arg6 : memref<2x128xi32, #tpu.memory_space<vmem>>)
        tpu.yield
      }) : () -> ()
      %dma_start3A = arith.constant 0 : i32
      %dma_start3A_22 = arith.constant 0 : i32
      %dma_start3A_23 = tpu.memref_slice %arg6[%dma_start3A, %dma_start3A_22] : memref<2x128xi32, #tpu.memory_space<vmem>> -> memref<1x128xi32, #tpu.memory_space<vmem>>
      %dma_start3A_24 = tpu.memref_squeeze %dma_start3A_23 : memref<1x128xi32, #tpu.memory_space<vmem>> -> memref<128xi32, #tpu.memory_space<vmem>>
      %dma_start3A_25 = arith.constant 0 : i32
      %dma_start3A_26 = arith.constant 0 : i32
      %dma_start3A_27 = tpu.memref_slice %arg2[%dma_start3A_25, %dma_start3A_26] : memref<10000x128xi32, #tpu.memory_space<hbm>> -> memref<10000x128xi32, #tpu.memory_space<hbm>>
      tpu.enqueue_indirect_dma source(%dma_start3A_27 : memref<10000x128xi32, #tpu.memory_space<hbm>>) target(%arg7 : memref<128x128xi32, #tpu.memory_space<vmem>>) offsets(%dma_start3A_24 : memref<128xi32, #tpu.memory_space<vmem>>) semaphore(%arg9 : memref<!tpu.dma_semaphore, #tpu.memory_space<semaphore_mem>>)
      %dma_start3A_28 = arith.constant 1 : i32
      %dma_start3A_29 = arith.constant 0 : i32
      %dma_start3A_30 = tpu.memref_slice %arg6[%dma_start3A_28, %dma_start3A_29] : memref<2x128xi32, #tpu.memory_space<vmem>> -> memref<1x128xi32, #tpu.memory_space<vmem>>
      %dma_start3A_31 = tpu.memref_squeeze %dma_start3A_30 : memref<1x128xi32, #tpu.memory_space<vmem>> -> memref<128xi32, #tpu.memory_space<vmem>>
      %dma_start3A_32 = arith.constant 0 : i32
      %dma_start3A_33 = arith.constant 0 : i32
      %dma_start3A_34 = tpu.memref_slice %arg2[%dma_start3A_32, %dma_start3A_33] : memref<10000x128xi32, #tpu.memory_space<hbm>> -> memref<10000x128xi32, #tpu.memory_space<hbm>>
      tpu.enqueue_indirect_dma source(%dma_start3A_34 : memref<10000x128xi32, #tpu.memory_space<hbm>>) target(%arg8 : memref<128x128xi32, #tpu.memory_space<vmem>>) offsets(%dma_start3A_31 : memref<128xi32, #tpu.memory_space<vmem>>) semaphore(%arg10 : memref<!tpu.dma_semaphore, #tpu.memory_space<semaphore_mem>>)
      %dma_wait3A = arith.constant 0 : i32
      %dma_wait3A_35 = arith.constant 0 : i32
      %dma_wait3A_36 = tpu.memref_slice %arg6[%dma_wait3A, %dma_wait3A_35] : memref<2x128xi32, #tpu.memory_space<vmem>> -> memref<1x128xi32, #tpu.memory_space<vmem>>
      %dma_wait3A_37 = tpu.memref_squeeze %dma_wait3A_36 : memref<1x128xi32, #tpu.memory_space<vmem>> -> memref<128xi32, #tpu.memory_space<vmem>>
      %dma_wait3A_38 = arith.constant 0 : i32
      %dma_wait3A_39 = arith.constant 0 : i32
      %dma_wait3A_40 = tpu.memref_slice %arg2[%dma_wait3A_38, %dma_wait3A_39] : memref<10000x128xi32, #tpu.memory_space<hbm>> -> memref<10000x128xi32, #tpu.memory_space<hbm>>
      tpu.wait_indirect_dma semaphore(%arg9 : memref<!tpu.dma_semaphore, #tpu.memory_space<semaphore_mem>>) src(%dma_wait3A_40 : memref<10000x128xi32, #tpu.memory_space<hbm>>) dst(%arg7 : memref<128x128xi32, #tpu.memory_space<vmem>>)
      "tpu.region"() ({
        %run_scoped3A = tpu.sem_alloc : memref<!tpu.dma_semaphore, #tpu.memory_space<semaphore_mem>>
        %dma_start3A_48 = arith.constant 0 : i32
        %dma_start3A_49 = tpu.memref_slice %arg4[%multiple_of3A, %dma_start3A_48] : memref<32000x128xi32, #tpu.memory_space<hbm>> -> memref<128x128xi32, #tpu.memory_space<hbm>>
        %dma_start3A_50 = arith.constant 0 : i32
        %dma_start3A_51 = tpu.memref_slice %arg4[%multiple_of3A, %dma_start3A_50] : memref<32000x128xi32, #tpu.memory_space<hbm>> -> memref<128x128xi32, #tpu.memory_space<hbm>>
        tpu.enqueue_dma source(%arg7 : memref<128x128xi32, #tpu.memory_space<vmem>>) target(%dma_start3A_51 : memref<128x128xi32, #tpu.memory_space<hbm>>) target_semaphore(%run_scoped3A : memref<!tpu.dma_semaphore, #tpu.memory_space<semaphore_mem>>)
        %dma_wait3A_52 = arith.constant 0 : i32
        %dma_wait3A_53 = tpu.memref_slice %arg4[%multiple_of3A, %dma_wait3A_52] : memref<32000x128xi32, #tpu.memory_space<hbm>> -> memref<128x128xi32, #tpu.memory_space<hbm>>
        %dma_wait3A_54 = arith.constant 0 : i32
        %dma_wait3A_55 = tpu.memref_slice %arg4[%multiple_of3A, %dma_wait3A_54] : memref<32000x128xi32, #tpu.memory_space<hbm>> -> memref<128x128xi32, #tpu.memory_space<hbm>>
        tpu.wait_dma2 semaphore(%run_scoped3A : memref<!tpu.dma_semaphore, #tpu.memory_space<semaphore_mem>>) src(%arg7 : memref<128x128xi32, #tpu.memory_space<vmem>>) dst(%dma_wait3A_55 : memref<128x128xi32, #tpu.memory_space<hbm>>)
        tpu.yield
      }) : () -> ()
      %dma_wait3A_41 = arith.constant 1 : i32
      %dma_wait3A_42 = arith.constant 0 : i32
      %dma_wait3A_43 = tpu.memref_slice %arg6[%dma_wait3A_41, %dma_wait3A_42] : memref<2x128xi32, #tpu.memory_space<vmem>> -> memref<1x128xi32, #tpu.memory_space<vmem>>
      %dma_wait3A_44 = tpu.memref_squeeze %dma_wait3A_43 : memref<1x128xi32, #tpu.memory_space<vmem>> -> memref<128xi32, #tpu.memory_space<vmem>>
      %dma_wait3A_45 = arith.constant 0 : i32
      %dma_wait3A_46 = arith.constant 0 : i32
      %dma_wait3A_47 = tpu.memref_slice %arg2[%dma_wait3A_45, %dma_wait3A_46] : memref<10000x128xi32, #tpu.memory_space<hbm>> -> memref<10000x128xi32, #tpu.memory_space<hbm>>
      tpu.wait_indirect_dma semaphore(%arg10 : memref<!tpu.dma_semaphore, #tpu.memory_space<semaphore_mem>>) src(%dma_wait3A_47 : memref<10000x128xi32, #tpu.memory_space<hbm>>) dst(%arg8 : memref<128x128xi32, #tpu.memory_space<vmem>>)
      "tpu.region"() ({
        %run_scoped3A = tpu.sem_alloc : memref<!tpu.dma_semaphore, #tpu.memory_space<semaphore_mem>>
        %dma_start3A_48 = arith.constant 0 : i32
        %dma_start3A_49 = tpu.memref_slice %arg5[%multiple_of3A, %dma_start3A_48] : memref<32000x128xi32, #tpu.memory_space<hbm>> -> memref<128x128xi32, #tpu.memory_space<hbm>>
        %dma_start3A_50 = arith.constant 0 : i32
        %dma_start3A_51 = tpu.memref_slice %arg5[%multiple_of3A, %dma_start3A_50] : memref<32000x128xi32, #tpu.memory_space<hbm>> -> memref<128x128xi32, #tpu.memory_space<hbm>>
        tpu.enqueue_dma source(%arg8 : memref<128x128xi32, #tpu.memory_space<vmem>>) target(%dma_start3A_51 : memref<128x128xi32, #tpu.memory_space<hbm>>) target_semaphore(%run_scoped3A : memref<!tpu.dma_semaphore, #tpu.memory_space<semaphore_mem>>)
        %dma_wait3A_52 = arith.constant 0 : i32
        %dma_wait3A_53 = tpu.memref_slice %arg5[%multiple_of3A, %dma_wait3A_52] : memref<32000x128xi32, #tpu.memory_space<hbm>> -> memref<128x128xi32, #tpu.memory_space<hbm>>
        %dma_wait3A_54 = arith.constant 0 : i32
        %dma_wait3A_55 = tpu.memref_slice %arg5[%multiple_of3A, %dma_wait3A_54] : memref<32000x128xi32, #tpu.memory_space<hbm>> -> memref<128x128xi32, #tpu.memory_space<hbm>>
        tpu.wait_dma2 semaphore(%run_scoped3A : memref<!tpu.dma_semaphore, #tpu.memory_space<semaphore_mem>>) src(%arg8 : memref<128x128xi32, #tpu.memory_space<vmem>>) dst(%dma_wait3A_55 : memref<128x128xi32, #tpu.memory_space<hbm>>)
        tpu.yield
      }) : () -> ()
    }
    return
  }
}

#map = affine_map<(d0, d1) -> (0, 0)>
module attributes {stable_mosaic.version = 14 : i64} {
  func.func @edge_gather_96000(%arg0: i32, %arg1: i32, %arg2: memref<10000x128xi32, #tpu.memory_space<hbm>>, %arg3: memref<2x160000xi32, #tpu.memory_space<hbm>>, %arg4: memref<32000x128xi32, #tpu.memory_space<hbm>>, %arg5: memref<32000x128xi32, #tpu.memory_space<hbm>>, %arg6: memref<2x128xi32, #tpu.memory_space<vmem>>, %arg7: memref<128x128xi32, #tpu.memory_space<vmem>>, %arg8: memref<128x128xi32, #tpu.memory_space<vmem>>, %arg9: memref<!tpu.dma_semaphore, #tpu.memory_space<semaphore_mem>>, %arg10: memref<!tpu.dma_semaphore, #tpu.memory_space<semaphore_mem>>) attributes {dimension_semantics = [#tpu.dimension_semantics<core_parallel>, #tpu.dimension_semantics<subcore_parallel>], iteration_bounds = array<i64: 2, 16>, scalar_prefetch = 0 : i64, scratch_operands = 5 : i64, tpu.core_type = #tpu.core_type<sc_vector_subcore>, window_params = [{transform_indices = #map}, {transform_indices = #map}, {transform_indices = #map}, {transform_indices = #map}]} {
    %mul3A = arith.constant 16 : i32
    %mul3A_0 = arith.muli %arg0, %mul3A : i32
    %add3A = arith.addi %mul3A_0, %arg1 : i32
    %mul3A_1 = arith.constant 7 : i32
    %mul3A_2 = arith.muli %add3A, %mul3A_1 : i32
    %min3A = arith.constant 26 : i32
    %min3A_3 = arith.minsi %add3A, %min3A : i32
    %add3A_4 = arith.addi %mul3A_2, %min3A_3 : i32
    %lt3A = arith.constant 26 : i32
    %lt3A_5 = arith.cmpi slt, %add3A, %lt3A : i32
    %jit3A = arith.constant 8 : i32
    %jit3A_6 = arith.constant 7 : i32
    %select_n3A = arith.select %lt3A_5, %jit3A, %jit3A_6 : i32
    %while3A = arith.constant 0 : i32
    %while3A_7 = arith.constant 0 : i32
    %while3A_8 = arith.subi %select_n3A, %while3A_7 : i32
    %while3A_9 = arith.addi %while3A_7, %while3A_8 : i32
    %while3A_10 = arith.constant 1 : i32
    %while3A_11 = arith.divsi %while3A_8, %while3A_10 : i32
    %while3A_12 = arith.muli %while3A_11, %while3A_10 : i32
    %while3A_13 = arith.addi %while3A_7, %while3A_12 : i32
    %while3A_14 = arith.constant 1 : i32
    scf.for %while3A_16 = %while3A_7 to %while3A_13 step %while3A_14  : i32 {
      %add3A_17 = arith.addi %add3A_4, %while3A_16 : i32
      %mul3A_18 = arith.constant 128 : i32
      %mul3A_19 = arith.muli %add3A_17, %mul3A_18 : i32
      %multiple_of3A = tpu.assume_multiple %mul3A_19, 128 : i32
      %add3A_20 = arith.constant 96000 : i32
      %add3A_21 = arith.addi %add3A_20, %multiple_of3A : i32
      "tpu.region"() ({
        %run_scoped3A = tpu.sem_alloc : memref<!tpu.dma_semaphore, #tpu.memory_space<semaphore_mem>>
        %dma_start3A_48 = arith.constant 0 : i32
        %dma_start3A_49 = tpu.memref_slice %arg3[%dma_start3A_48, %add3A_21] : memref<2x160000xi32, #tpu.memory_space<hbm>> -> memref<2x128xi32, #tpu.memory_space<hbm>>
        %dma_start3A_50 = arith.constant 0 : i32
        %dma_start3A_51 = tpu.memref_slice %arg3[%dma_start3A_50, %add3A_21] : memref<2x160000xi32, #tpu.memory_space<hbm>> -> memref<2x128xi32, #tpu.memory_space<hbm>>
        tpu.enqueue_dma source(%dma_start3A_51 : memref<2x128xi32, #tpu.memory_space<hbm>>) target(%arg6 : memref<2x128xi32, #tpu.memory_space<vmem>>) target_semaphore(%run_scoped3A : memref<!tpu.dma_semaphore, #tpu.memory_space<semaphore_mem>>)
        %dma_wait3A_52 = arith.constant 0 : i32
        %dma_wait3A_53 = tpu.memref_slice %arg3[%dma_wait3A_52, %add3A_21] : memref<2x160000xi32, #tpu.memory_space<hbm>> -> memref<2x128xi32, #tpu.memory_space<hbm>>
        %dma_wait3A_54 = arith.constant 0 : i32
        %dma_wait3A_55 = tpu.memref_slice %arg3[%dma_wait3A_54, %add3A_21] : memref<2x160000xi32, #tpu.memory_space<hbm>> -> memref<2x128xi32, #tpu.memory_space<hbm>>
        tpu.wait_dma2 semaphore(%run_scoped3A : memref<!tpu.dma_semaphore, #tpu.memory_space<semaphore_mem>>) src(%dma_wait3A_55 : memref<2x128xi32, #tpu.memory_space<hbm>>) dst(%arg6 : memref<2x128xi32, #tpu.memory_space<vmem>>)
        tpu.yield
      }) : () -> ()
      %dma_start3A = arith.constant 0 : i32
      %dma_start3A_22 = arith.constant 0 : i32
      %dma_start3A_23 = tpu.memref_slice %arg6[%dma_start3A, %dma_start3A_22] : memref<2x128xi32, #tpu.memory_space<vmem>> -> memref<1x128xi32, #tpu.memory_space<vmem>>
      %dma_start3A_24 = tpu.memref_squeeze %dma_start3A_23 : memref<1x128xi32, #tpu.memory_space<vmem>> -> memref<128xi32, #tpu.memory_space<vmem>>
      %dma_start3A_25 = arith.constant 0 : i32
      %dma_start3A_26 = arith.constant 0 : i32
      %dma_start3A_27 = tpu.memref_slice %arg2[%dma_start3A_25, %dma_start3A_26] : memref<10000x128xi32, #tpu.memory_space<hbm>> -> memref<10000x128xi32, #tpu.memory_space<hbm>>
      tpu.enqueue_indirect_dma source(%dma_start3A_27 : memref<10000x128xi32, #tpu.memory_space<hbm>>) target(%arg7 : memref<128x128xi32, #tpu.memory_space<vmem>>) offsets(%dma_start3A_24 : memref<128xi32, #tpu.memory_space<vmem>>) semaphore(%arg9 : memref<!tpu.dma_semaphore, #tpu.memory_space<semaphore_mem>>)
      %dma_start3A_28 = arith.constant 1 : i32
      %dma_start3A_29 = arith.constant 0 : i32
      %dma_start3A_30 = tpu.memref_slice %arg6[%dma_start3A_28, %dma_start3A_29] : memref<2x128xi32, #tpu.memory_space<vmem>> -> memref<1x128xi32, #tpu.memory_space<vmem>>
      %dma_start3A_31 = tpu.memref_squeeze %dma_start3A_30 : memref<1x128xi32, #tpu.memory_space<vmem>> -> memref<128xi32, #tpu.memory_space<vmem>>
      %dma_start3A_32 = arith.constant 0 : i32
      %dma_start3A_33 = arith.constant 0 : i32
      %dma_start3A_34 = tpu.memref_slice %arg2[%dma_start3A_32, %dma_start3A_33] : memref<10000x128xi32, #tpu.memory_space<hbm>> -> memref<10000x128xi32, #tpu.memory_space<hbm>>
      tpu.enqueue_indirect_dma source(%dma_start3A_34 : memref<10000x128xi32, #tpu.memory_space<hbm>>) target(%arg8 : memref<128x128xi32, #tpu.memory_space<vmem>>) offsets(%dma_start3A_31 : memref<128xi32, #tpu.memory_space<vmem>>) semaphore(%arg10 : memref<!tpu.dma_semaphore, #tpu.memory_space<semaphore_mem>>)
      %dma_wait3A = arith.constant 0 : i32
      %dma_wait3A_35 = arith.constant 0 : i32
      %dma_wait3A_36 = tpu.memref_slice %arg6[%dma_wait3A, %dma_wait3A_35] : memref<2x128xi32, #tpu.memory_space<vmem>> -> memref<1x128xi32, #tpu.memory_space<vmem>>
      %dma_wait3A_37 = tpu.memref_squeeze %dma_wait3A_36 : memref<1x128xi32, #tpu.memory_space<vmem>> -> memref<128xi32, #tpu.memory_space<vmem>>
      %dma_wait3A_38 = arith.constant 0 : i32
      %dma_wait3A_39 = arith.constant 0 : i32
      %dma_wait3A_40 = tpu.memref_slice %arg2[%dma_wait3A_38, %dma_wait3A_39] : memref<10000x128xi32, #tpu.memory_space<hbm>> -> memref<10000x128xi32, #tpu.memory_space<hbm>>
      tpu.wait_indirect_dma semaphore(%arg9 : memref<!tpu.dma_semaphore, #tpu.memory_space<semaphore_mem>>) src(%dma_wait3A_40 : memref<10000x128xi32, #tpu.memory_space<hbm>>) dst(%arg7 : memref<128x128xi32, #tpu.memory_space<vmem>>)
      "tpu.region"() ({
        %run_scoped3A = tpu.sem_alloc : memref<!tpu.dma_semaphore, #tpu.memory_space<semaphore_mem>>
        %dma_start3A_48 = arith.constant 0 : i32
        %dma_start3A_49 = tpu.memref_slice %arg4[%multiple_of3A, %dma_start3A_48] : memref<32000x128xi32, #tpu.memory_space<hbm>> -> memref<128x128xi32, #tpu.memory_space<hbm>>
        %dma_start3A_50 = arith.constant 0 : i32
        %dma_start3A_51 = tpu.memref_slice %arg4[%multiple_of3A, %dma_start3A_50] : memref<32000x128xi32, #tpu.memory_space<hbm>> -> memref<128x128xi32, #tpu.memory_space<hbm>>
        tpu.enqueue_dma source(%arg7 : memref<128x128xi32, #tpu.memory_space<vmem>>) target(%dma_start3A_51 : memref<128x128xi32, #tpu.memory_space<hbm>>) target_semaphore(%run_scoped3A : memref<!tpu.dma_semaphore, #tpu.memory_space<semaphore_mem>>)
        %dma_wait3A_52 = arith.constant 0 : i32
        %dma_wait3A_53 = tpu.memref_slice %arg4[%multiple_of3A, %dma_wait3A_52] : memref<32000x128xi32, #tpu.memory_space<hbm>> -> memref<128x128xi32, #tpu.memory_space<hbm>>
        %dma_wait3A_54 = arith.constant 0 : i32
        %dma_wait3A_55 = tpu.memref_slice %arg4[%multiple_of3A, %dma_wait3A_54] : memref<32000x128xi32, #tpu.memory_space<hbm>> -> memref<128x128xi32, #tpu.memory_space<hbm>>
        tpu.wait_dma2 semaphore(%run_scoped3A : memref<!tpu.dma_semaphore, #tpu.memory_space<semaphore_mem>>) src(%arg7 : memref<128x128xi32, #tpu.memory_space<vmem>>) dst(%dma_wait3A_55 : memref<128x128xi32, #tpu.memory_space<hbm>>)
        tpu.yield
      }) : () -> ()
      %dma_wait3A_41 = arith.constant 1 : i32
      %dma_wait3A_42 = arith.constant 0 : i32
      %dma_wait3A_43 = tpu.memref_slice %arg6[%dma_wait3A_41, %dma_wait3A_42] : memref<2x128xi32, #tpu.memory_space<vmem>> -> memref<1x128xi32, #tpu.memory_space<vmem>>
      %dma_wait3A_44 = tpu.memref_squeeze %dma_wait3A_43 : memref<1x128xi32, #tpu.memory_space<vmem>> -> memref<128xi32, #tpu.memory_space<vmem>>
      %dma_wait3A_45 = arith.constant 0 : i32
      %dma_wait3A_46 = arith.constant 0 : i32
      %dma_wait3A_47 = tpu.memref_slice %arg2[%dma_wait3A_45, %dma_wait3A_46] : memref<10000x128xi32, #tpu.memory_space<hbm>> -> memref<10000x128xi32, #tpu.memory_space<hbm>>
      tpu.wait_indirect_dma semaphore(%arg10 : memref<!tpu.dma_semaphore, #tpu.memory_space<semaphore_mem>>) src(%dma_wait3A_47 : memref<10000x128xi32, #tpu.memory_space<hbm>>) dst(%arg8 : memref<128x128xi32, #tpu.memory_space<vmem>>)
      "tpu.region"() ({
        %run_scoped3A = tpu.sem_alloc : memref<!tpu.dma_semaphore, #tpu.memory_space<semaphore_mem>>
        %dma_start3A_48 = arith.constant 0 : i32
        %dma_start3A_49 = tpu.memref_slice %arg5[%multiple_of3A, %dma_start3A_48] : memref<32000x128xi32, #tpu.memory_space<hbm>> -> memref<128x128xi32, #tpu.memory_space<hbm>>
        %dma_start3A_50 = arith.constant 0 : i32
        %dma_start3A_51 = tpu.memref_slice %arg5[%multiple_of3A, %dma_start3A_50] : memref<32000x128xi32, #tpu.memory_space<hbm>> -> memref<128x128xi32, #tpu.memory_space<hbm>>
        tpu.enqueue_dma source(%arg8 : memref<128x128xi32, #tpu.memory_space<vmem>>) target(%dma_start3A_51 : memref<128x128xi32, #tpu.memory_space<hbm>>) target_semaphore(%run_scoped3A : memref<!tpu.dma_semaphore, #tpu.memory_space<semaphore_mem>>)
        %dma_wait3A_52 = arith.constant 0 : i32
        %dma_wait3A_53 = tpu.memref_slice %arg5[%multiple_of3A, %dma_wait3A_52] : memref<32000x128xi32, #tpu.memory_space<hbm>> -> memref<128x128xi32, #tpu.memory_space<hbm>>
        %dma_wait3A_54 = arith.constant 0 : i32
        %dma_wait3A_55 = tpu.memref_slice %arg5[%multiple_of3A, %dma_wait3A_54] : memref<32000x128xi32, #tpu.memory_space<hbm>> -> memref<128x128xi32, #tpu.memory_space<hbm>>
        tpu.wait_dma2 semaphore(%run_scoped3A : memref<!tpu.dma_semaphore, #tpu.memory_space<semaphore_mem>>) src(%arg8 : memref<128x128xi32, #tpu.memory_space<vmem>>) dst(%dma_wait3A_55 : memref<128x128xi32, #tpu.memory_space<hbm>>)
        tpu.yield
      }) : () -> ()
    }
    %while3A_15 = arith.constant 1 : i32
    scf.for %while3A_16 = %while3A_13 to %while3A_9 step %while3A_15  : i32 {
      %add3A_17 = arith.addi %add3A_4, %while3A_16 : i32
      %mul3A_18 = arith.constant 128 : i32
      %mul3A_19 = arith.muli %add3A_17, %mul3A_18 : i32
      %multiple_of3A = tpu.assume_multiple %mul3A_19, 128 : i32
      %add3A_20 = arith.constant 96000 : i32
      %add3A_21 = arith.addi %add3A_20, %multiple_of3A : i32
      "tpu.region"() ({
        %run_scoped3A = tpu.sem_alloc : memref<!tpu.dma_semaphore, #tpu.memory_space<semaphore_mem>>
        %dma_start3A_48 = arith.constant 0 : i32
        %dma_start3A_49 = tpu.memref_slice %arg3[%dma_start3A_48, %add3A_21] : memref<2x160000xi32, #tpu.memory_space<hbm>> -> memref<2x128xi32, #tpu.memory_space<hbm>>
        %dma_start3A_50 = arith.constant 0 : i32
        %dma_start3A_51 = tpu.memref_slice %arg3[%dma_start3A_50, %add3A_21] : memref<2x160000xi32, #tpu.memory_space<hbm>> -> memref<2x128xi32, #tpu.memory_space<hbm>>
        tpu.enqueue_dma source(%dma_start3A_51 : memref<2x128xi32, #tpu.memory_space<hbm>>) target(%arg6 : memref<2x128xi32, #tpu.memory_space<vmem>>) target_semaphore(%run_scoped3A : memref<!tpu.dma_semaphore, #tpu.memory_space<semaphore_mem>>)
        %dma_wait3A_52 = arith.constant 0 : i32
        %dma_wait3A_53 = tpu.memref_slice %arg3[%dma_wait3A_52, %add3A_21] : memref<2x160000xi32, #tpu.memory_space<hbm>> -> memref<2x128xi32, #tpu.memory_space<hbm>>
        %dma_wait3A_54 = arith.constant 0 : i32
        %dma_wait3A_55 = tpu.memref_slice %arg3[%dma_wait3A_54, %add3A_21] : memref<2x160000xi32, #tpu.memory_space<hbm>> -> memref<2x128xi32, #tpu.memory_space<hbm>>
        tpu.wait_dma2 semaphore(%run_scoped3A : memref<!tpu.dma_semaphore, #tpu.memory_space<semaphore_mem>>) src(%dma_wait3A_55 : memref<2x128xi32, #tpu.memory_space<hbm>>) dst(%arg6 : memref<2x128xi32, #tpu.memory_space<vmem>>)
        tpu.yield
      }) : () -> ()
      %dma_start3A = arith.constant 0 : i32
      %dma_start3A_22 = arith.constant 0 : i32
      %dma_start3A_23 = tpu.memref_slice %arg6[%dma_start3A, %dma_start3A_22] : memref<2x128xi32, #tpu.memory_space<vmem>> -> memref<1x128xi32, #tpu.memory_space<vmem>>
      %dma_start3A_24 = tpu.memref_squeeze %dma_start3A_23 : memref<1x128xi32, #tpu.memory_space<vmem>> -> memref<128xi32, #tpu.memory_space<vmem>>
      %dma_start3A_25 = arith.constant 0 : i32
      %dma_start3A_26 = arith.constant 0 : i32
      %dma_start3A_27 = tpu.memref_slice %arg2[%dma_start3A_25, %dma_start3A_26] : memref<10000x128xi32, #tpu.memory_space<hbm>> -> memref<10000x128xi32, #tpu.memory_space<hbm>>
      tpu.enqueue_indirect_dma source(%dma_start3A_27 : memref<10000x128xi32, #tpu.memory_space<hbm>>) target(%arg7 : memref<128x128xi32, #tpu.memory_space<vmem>>) offsets(%dma_start3A_24 : memref<128xi32, #tpu.memory_space<vmem>>) semaphore(%arg9 : memref<!tpu.dma_semaphore, #tpu.memory_space<semaphore_mem>>)
      %dma_start3A_28 = arith.constant 1 : i32
      %dma_start3A_29 = arith.constant 0 : i32
      %dma_start3A_30 = tpu.memref_slice %arg6[%dma_start3A_28, %dma_start3A_29] : memref<2x128xi32, #tpu.memory_space<vmem>> -> memref<1x128xi32, #tpu.memory_space<vmem>>
      %dma_start3A_31 = tpu.memref_squeeze %dma_start3A_30 : memref<1x128xi32, #tpu.memory_space<vmem>> -> memref<128xi32, #tpu.memory_space<vmem>>
      %dma_start3A_32 = arith.constant 0 : i32
      %dma_start3A_33 = arith.constant 0 : i32
      %dma_start3A_34 = tpu.memref_slice %arg2[%dma_start3A_32, %dma_start3A_33] : memref<10000x128xi32, #tpu.memory_space<hbm>> -> memref<10000x128xi32, #tpu.memory_space<hbm>>
      tpu.enqueue_indirect_dma source(%dma_start3A_34 : memref<10000x128xi32, #tpu.memory_space<hbm>>) target(%arg8 : memref<128x128xi32, #tpu.memory_space<vmem>>) offsets(%dma_start3A_31 : memref<128xi32, #tpu.memory_space<vmem>>) semaphore(%arg10 : memref<!tpu.dma_semaphore, #tpu.memory_space<semaphore_mem>>)
      %dma_wait3A = arith.constant 0 : i32
      %dma_wait3A_35 = arith.constant 0 : i32
      %dma_wait3A_36 = tpu.memref_slice %arg6[%dma_wait3A, %dma_wait3A_35] : memref<2x128xi32, #tpu.memory_space<vmem>> -> memref<1x128xi32, #tpu.memory_space<vmem>>
      %dma_wait3A_37 = tpu.memref_squeeze %dma_wait3A_36 : memref<1x128xi32, #tpu.memory_space<vmem>> -> memref<128xi32, #tpu.memory_space<vmem>>
      %dma_wait3A_38 = arith.constant 0 : i32
      %dma_wait3A_39 = arith.constant 0 : i32
      %dma_wait3A_40 = tpu.memref_slice %arg2[%dma_wait3A_38, %dma_wait3A_39] : memref<10000x128xi32, #tpu.memory_space<hbm>> -> memref<10000x128xi32, #tpu.memory_space<hbm>>
      tpu.wait_indirect_dma semaphore(%arg9 : memref<!tpu.dma_semaphore, #tpu.memory_space<semaphore_mem>>) src(%dma_wait3A_40 : memref<10000x128xi32, #tpu.memory_space<hbm>>) dst(%arg7 : memref<128x128xi32, #tpu.memory_space<vmem>>)
      "tpu.region"() ({
        %run_scoped3A = tpu.sem_alloc : memref<!tpu.dma_semaphore, #tpu.memory_space<semaphore_mem>>
        %dma_start3A_48 = arith.constant 0 : i32
        %dma_start3A_49 = tpu.memref_slice %arg4[%multiple_of3A, %dma_start3A_48] : memref<32000x128xi32, #tpu.memory_space<hbm>> -> memref<128x128xi32, #tpu.memory_space<hbm>>
        %dma_start3A_50 = arith.constant 0 : i32
        %dma_start3A_51 = tpu.memref_slice %arg4[%multiple_of3A, %dma_start3A_50] : memref<32000x128xi32, #tpu.memory_space<hbm>> -> memref<128x128xi32, #tpu.memory_space<hbm>>
        tpu.enqueue_dma source(%arg7 : memref<128x128xi32, #tpu.memory_space<vmem>>) target(%dma_start3A_51 : memref<128x128xi32, #tpu.memory_space<hbm>>) target_semaphore(%run_scoped3A : memref<!tpu.dma_semaphore, #tpu.memory_space<semaphore_mem>>)
        %dma_wait3A_52 = arith.constant 0 : i32
        %dma_wait3A_53 = tpu.memref_slice %arg4[%multiple_of3A, %dma_wait3A_52] : memref<32000x128xi32, #tpu.memory_space<hbm>> -> memref<128x128xi32, #tpu.memory_space<hbm>>
        %dma_wait3A_54 = arith.constant 0 : i32
        %dma_wait3A_55 = tpu.memref_slice %arg4[%multiple_of3A, %dma_wait3A_54] : memref<32000x128xi32, #tpu.memory_space<hbm>> -> memref<128x128xi32, #tpu.memory_space<hbm>>
        tpu.wait_dma2 semaphore(%run_scoped3A : memref<!tpu.dma_semaphore, #tpu.memory_space<semaphore_mem>>) src(%arg7 : memref<128x128xi32, #tpu.memory_space<vmem>>) dst(%dma_wait3A_55 : memref<128x128xi32, #tpu.memory_space<hbm>>)
        tpu.yield
      }) : () -> ()
      %dma_wait3A_41 = arith.constant 1 : i32
      %dma_wait3A_42 = arith.constant 0 : i32
      %dma_wait3A_43 = tpu.memref_slice %arg6[%dma_wait3A_41, %dma_wait3A_42] : memref<2x128xi32, #tpu.memory_space<vmem>> -> memref<1x128xi32, #tpu.memory_space<vmem>>
      %dma_wait3A_44 = tpu.memref_squeeze %dma_wait3A_43 : memref<1x128xi32, #tpu.memory_space<vmem>> -> memref<128xi32, #tpu.memory_space<vmem>>
      %dma_wait3A_45 = arith.constant 0 : i32
      %dma_wait3A_46 = arith.constant 0 : i32
      %dma_wait3A_47 = tpu.memref_slice %arg2[%dma_wait3A_45, %dma_wait3A_46] : memref<10000x128xi32, #tpu.memory_space<hbm>> -> memref<10000x128xi32, #tpu.memory_space<hbm>>
      tpu.wait_indirect_dma semaphore(%arg10 : memref<!tpu.dma_semaphore, #tpu.memory_space<semaphore_mem>>) src(%dma_wait3A_47 : memref<10000x128xi32, #tpu.memory_space<hbm>>) dst(%arg8 : memref<128x128xi32, #tpu.memory_space<vmem>>)
      "tpu.region"() ({
        %run_scoped3A = tpu.sem_alloc : memref<!tpu.dma_semaphore, #tpu.memory_space<semaphore_mem>>
        %dma_start3A_48 = arith.constant 0 : i32
        %dma_start3A_49 = tpu.memref_slice %arg5[%multiple_of3A, %dma_start3A_48] : memref<32000x128xi32, #tpu.memory_space<hbm>> -> memref<128x128xi32, #tpu.memory_space<hbm>>
        %dma_start3A_50 = arith.constant 0 : i32
        %dma_start3A_51 = tpu.memref_slice %arg5[%multiple_of3A, %dma_start3A_50] : memref<32000x128xi32, #tpu.memory_space<hbm>> -> memref<128x128xi32, #tpu.memory_space<hbm>>
        tpu.enqueue_dma source(%arg8 : memref<128x128xi32, #tpu.memory_space<vmem>>) target(%dma_start3A_51 : memref<128x128xi32, #tpu.memory_space<hbm>>) target_semaphore(%run_scoped3A : memref<!tpu.dma_semaphore, #tpu.memory_space<semaphore_mem>>)
        %dma_wait3A_52 = arith.constant 0 : i32
        %dma_wait3A_53 = tpu.memref_slice %arg5[%multiple_of3A, %dma_wait3A_52] : memref<32000x128xi32, #tpu.memory_space<hbm>> -> memref<128x128xi32, #tpu.memory_space<hbm>>
        %dma_wait3A_54 = arith.constant 0 : i32
        %dma_wait3A_55 = tpu.memref_slice %arg5[%multiple_of3A, %dma_wait3A_54] : memref<32000x128xi32, #tpu.memory_space<hbm>> -> memref<128x128xi32, #tpu.memory_space<hbm>>
        tpu.wait_dma2 semaphore(%run_scoped3A : memref<!tpu.dma_semaphore, #tpu.memory_space<semaphore_mem>>) src(%arg8 : memref<128x128xi32, #tpu.memory_space<vmem>>) dst(%dma_wait3A_55 : memref<128x128xi32, #tpu.memory_space<hbm>>)
        tpu.yield
      }) : () -> ()
    }
    return
  }
}

#map = affine_map<(d0, d1) -> (0, 0)>
module attributes {stable_mosaic.version = 14 : i64} {
  func.func @edge_gather_128000(%arg0: i32, %arg1: i32, %arg2: memref<10000x128xi32, #tpu.memory_space<hbm>>, %arg3: memref<2x160000xi32, #tpu.memory_space<hbm>>, %arg4: memref<32000x128xi32, #tpu.memory_space<hbm>>, %arg5: memref<32000x128xi32, #tpu.memory_space<hbm>>, %arg6: memref<2x128xi32, #tpu.memory_space<vmem>>, %arg7: memref<128x128xi32, #tpu.memory_space<vmem>>, %arg8: memref<128x128xi32, #tpu.memory_space<vmem>>, %arg9: memref<!tpu.dma_semaphore, #tpu.memory_space<semaphore_mem>>, %arg10: memref<!tpu.dma_semaphore, #tpu.memory_space<semaphore_mem>>) attributes {dimension_semantics = [#tpu.dimension_semantics<core_parallel>, #tpu.dimension_semantics<subcore_parallel>], iteration_bounds = array<i64: 2, 16>, scalar_prefetch = 0 : i64, scratch_operands = 5 : i64, tpu.core_type = #tpu.core_type<sc_vector_subcore>, window_params = [{transform_indices = #map}, {transform_indices = #map}, {transform_indices = #map}, {transform_indices = #map}]} {
    %mul3A = arith.constant 16 : i32
    %mul3A_0 = arith.muli %arg0, %mul3A : i32
    %add3A = arith.addi %mul3A_0, %arg1 : i32
    %mul3A_1 = arith.constant 7 : i32
    %mul3A_2 = arith.muli %add3A, %mul3A_1 : i32
    %min3A = arith.constant 26 : i32
    %min3A_3 = arith.minsi %add3A, %min3A : i32
    %add3A_4 = arith.addi %mul3A_2, %min3A_3 : i32
    %lt3A = arith.constant 26 : i32
    %lt3A_5 = arith.cmpi slt, %add3A, %lt3A : i32
    %jit3A = arith.constant 8 : i32
    %jit3A_6 = arith.constant 7 : i32
    %select_n3A = arith.select %lt3A_5, %jit3A, %jit3A_6 : i32
    %while3A = arith.constant 0 : i32
    %while3A_7 = arith.constant 0 : i32
    %while3A_8 = arith.subi %select_n3A, %while3A_7 : i32
    %while3A_9 = arith.addi %while3A_7, %while3A_8 : i32
    %while3A_10 = arith.constant 1 : i32
    %while3A_11 = arith.divsi %while3A_8, %while3A_10 : i32
    %while3A_12 = arith.muli %while3A_11, %while3A_10 : i32
    %while3A_13 = arith.addi %while3A_7, %while3A_12 : i32
    %while3A_14 = arith.constant 1 : i32
    scf.for %while3A_16 = %while3A_7 to %while3A_13 step %while3A_14  : i32 {
      %add3A_17 = arith.addi %add3A_4, %while3A_16 : i32
      %mul3A_18 = arith.constant 128 : i32
      %mul3A_19 = arith.muli %add3A_17, %mul3A_18 : i32
      %multiple_of3A = tpu.assume_multiple %mul3A_19, 128 : i32
      %add3A_20 = arith.constant 128000 : i32
      %add3A_21 = arith.addi %add3A_20, %multiple_of3A : i32
      "tpu.region"() ({
        %run_scoped3A = tpu.sem_alloc : memref<!tpu.dma_semaphore, #tpu.memory_space<semaphore_mem>>
        %dma_start3A_48 = arith.constant 0 : i32
        %dma_start3A_49 = tpu.memref_slice %arg3[%dma_start3A_48, %add3A_21] : memref<2x160000xi32, #tpu.memory_space<hbm>> -> memref<2x128xi32, #tpu.memory_space<hbm>>
        %dma_start3A_50 = arith.constant 0 : i32
        %dma_start3A_51 = tpu.memref_slice %arg3[%dma_start3A_50, %add3A_21] : memref<2x160000xi32, #tpu.memory_space<hbm>> -> memref<2x128xi32, #tpu.memory_space<hbm>>
        tpu.enqueue_dma source(%dma_start3A_51 : memref<2x128xi32, #tpu.memory_space<hbm>>) target(%arg6 : memref<2x128xi32, #tpu.memory_space<vmem>>) target_semaphore(%run_scoped3A : memref<!tpu.dma_semaphore, #tpu.memory_space<semaphore_mem>>)
        %dma_wait3A_52 = arith.constant 0 : i32
        %dma_wait3A_53 = tpu.memref_slice %arg3[%dma_wait3A_52, %add3A_21] : memref<2x160000xi32, #tpu.memory_space<hbm>> -> memref<2x128xi32, #tpu.memory_space<hbm>>
        %dma_wait3A_54 = arith.constant 0 : i32
        %dma_wait3A_55 = tpu.memref_slice %arg3[%dma_wait3A_54, %add3A_21] : memref<2x160000xi32, #tpu.memory_space<hbm>> -> memref<2x128xi32, #tpu.memory_space<hbm>>
        tpu.wait_dma2 semaphore(%run_scoped3A : memref<!tpu.dma_semaphore, #tpu.memory_space<semaphore_mem>>) src(%dma_wait3A_55 : memref<2x128xi32, #tpu.memory_space<hbm>>) dst(%arg6 : memref<2x128xi32, #tpu.memory_space<vmem>>)
        tpu.yield
      }) : () -> ()
      %dma_start3A = arith.constant 0 : i32
      %dma_start3A_22 = arith.constant 0 : i32
      %dma_start3A_23 = tpu.memref_slice %arg6[%dma_start3A, %dma_start3A_22] : memref<2x128xi32, #tpu.memory_space<vmem>> -> memref<1x128xi32, #tpu.memory_space<vmem>>
      %dma_start3A_24 = tpu.memref_squeeze %dma_start3A_23 : memref<1x128xi32, #tpu.memory_space<vmem>> -> memref<128xi32, #tpu.memory_space<vmem>>
      %dma_start3A_25 = arith.constant 0 : i32
      %dma_start3A_26 = arith.constant 0 : i32
      %dma_start3A_27 = tpu.memref_slice %arg2[%dma_start3A_25, %dma_start3A_26] : memref<10000x128xi32, #tpu.memory_space<hbm>> -> memref<10000x128xi32, #tpu.memory_space<hbm>>
      tpu.enqueue_indirect_dma source(%dma_start3A_27 : memref<10000x128xi32, #tpu.memory_space<hbm>>) target(%arg7 : memref<128x128xi32, #tpu.memory_space<vmem>>) offsets(%dma_start3A_24 : memref<128xi32, #tpu.memory_space<vmem>>) semaphore(%arg9 : memref<!tpu.dma_semaphore, #tpu.memory_space<semaphore_mem>>)
      %dma_start3A_28 = arith.constant 1 : i32
      %dma_start3A_29 = arith.constant 0 : i32
      %dma_start3A_30 = tpu.memref_slice %arg6[%dma_start3A_28, %dma_start3A_29] : memref<2x128xi32, #tpu.memory_space<vmem>> -> memref<1x128xi32, #tpu.memory_space<vmem>>
      %dma_start3A_31 = tpu.memref_squeeze %dma_start3A_30 : memref<1x128xi32, #tpu.memory_space<vmem>> -> memref<128xi32, #tpu.memory_space<vmem>>
      %dma_start3A_32 = arith.constant 0 : i32
      %dma_start3A_33 = arith.constant 0 : i32
      %dma_start3A_34 = tpu.memref_slice %arg2[%dma_start3A_32, %dma_start3A_33] : memref<10000x128xi32, #tpu.memory_space<hbm>> -> memref<10000x128xi32, #tpu.memory_space<hbm>>
      tpu.enqueue_indirect_dma source(%dma_start3A_34 : memref<10000x128xi32, #tpu.memory_space<hbm>>) target(%arg8 : memref<128x128xi32, #tpu.memory_space<vmem>>) offsets(%dma_start3A_31 : memref<128xi32, #tpu.memory_space<vmem>>) semaphore(%arg10 : memref<!tpu.dma_semaphore, #tpu.memory_space<semaphore_mem>>)
      %dma_wait3A = arith.constant 0 : i32
      %dma_wait3A_35 = arith.constant 0 : i32
      %dma_wait3A_36 = tpu.memref_slice %arg6[%dma_wait3A, %dma_wait3A_35] : memref<2x128xi32, #tpu.memory_space<vmem>> -> memref<1x128xi32, #tpu.memory_space<vmem>>
      %dma_wait3A_37 = tpu.memref_squeeze %dma_wait3A_36 : memref<1x128xi32, #tpu.memory_space<vmem>> -> memref<128xi32, #tpu.memory_space<vmem>>
      %dma_wait3A_38 = arith.constant 0 : i32
      %dma_wait3A_39 = arith.constant 0 : i32
      %dma_wait3A_40 = tpu.memref_slice %arg2[%dma_wait3A_38, %dma_wait3A_39] : memref<10000x128xi32, #tpu.memory_space<hbm>> -> memref<10000x128xi32, #tpu.memory_space<hbm>>
      tpu.wait_indirect_dma semaphore(%arg9 : memref<!tpu.dma_semaphore, #tpu.memory_space<semaphore_mem>>) src(%dma_wait3A_40 : memref<10000x128xi32, #tpu.memory_space<hbm>>) dst(%arg7 : memref<128x128xi32, #tpu.memory_space<vmem>>)
      "tpu.region"() ({
        %run_scoped3A = tpu.sem_alloc : memref<!tpu.dma_semaphore, #tpu.memory_space<semaphore_mem>>
        %dma_start3A_48 = arith.constant 0 : i32
        %dma_start3A_49 = tpu.memref_slice %arg4[%multiple_of3A, %dma_start3A_48] : memref<32000x128xi32, #tpu.memory_space<hbm>> -> memref<128x128xi32, #tpu.memory_space<hbm>>
        %dma_start3A_50 = arith.constant 0 : i32
        %dma_start3A_51 = tpu.memref_slice %arg4[%multiple_of3A, %dma_start3A_50] : memref<32000x128xi32, #tpu.memory_space<hbm>> -> memref<128x128xi32, #tpu.memory_space<hbm>>
        tpu.enqueue_dma source(%arg7 : memref<128x128xi32, #tpu.memory_space<vmem>>) target(%dma_start3A_51 : memref<128x128xi32, #tpu.memory_space<hbm>>) target_semaphore(%run_scoped3A : memref<!tpu.dma_semaphore, #tpu.memory_space<semaphore_mem>>)
        %dma_wait3A_52 = arith.constant 0 : i32
        %dma_wait3A_53 = tpu.memref_slice %arg4[%multiple_of3A, %dma_wait3A_52] : memref<32000x128xi32, #tpu.memory_space<hbm>> -> memref<128x128xi32, #tpu.memory_space<hbm>>
        %dma_wait3A_54 = arith.constant 0 : i32
        %dma_wait3A_55 = tpu.memref_slice %arg4[%multiple_of3A, %dma_wait3A_54] : memref<32000x128xi32, #tpu.memory_space<hbm>> -> memref<128x128xi32, #tpu.memory_space<hbm>>
        tpu.wait_dma2 semaphore(%run_scoped3A : memref<!tpu.dma_semaphore, #tpu.memory_space<semaphore_mem>>) src(%arg7 : memref<128x128xi32, #tpu.memory_space<vmem>>) dst(%dma_wait3A_55 : memref<128x128xi32, #tpu.memory_space<hbm>>)
        tpu.yield
      }) : () -> ()
      %dma_wait3A_41 = arith.constant 1 : i32
      %dma_wait3A_42 = arith.constant 0 : i32
      %dma_wait3A_43 = tpu.memref_slice %arg6[%dma_wait3A_41, %dma_wait3A_42] : memref<2x128xi32, #tpu.memory_space<vmem>> -> memref<1x128xi32, #tpu.memory_space<vmem>>
      %dma_wait3A_44 = tpu.memref_squeeze %dma_wait3A_43 : memref<1x128xi32, #tpu.memory_space<vmem>> -> memref<128xi32, #tpu.memory_space<vmem>>
      %dma_wait3A_45 = arith.constant 0 : i32
      %dma_wait3A_46 = arith.constant 0 : i32
      %dma_wait3A_47 = tpu.memref_slice %arg2[%dma_wait3A_45, %dma_wait3A_46] : memref<10000x128xi32, #tpu.memory_space<hbm>> -> memref<10000x128xi32, #tpu.memory_space<hbm>>
      tpu.wait_indirect_dma semaphore(%arg10 : memref<!tpu.dma_semaphore, #tpu.memory_space<semaphore_mem>>) src(%dma_wait3A_47 : memref<10000x128xi32, #tpu.memory_space<hbm>>) dst(%arg8 : memref<128x128xi32, #tpu.memory_space<vmem>>)
      "tpu.region"() ({
        %run_scoped3A = tpu.sem_alloc : memref<!tpu.dma_semaphore, #tpu.memory_space<semaphore_mem>>
        %dma_start3A_48 = arith.constant 0 : i32
        %dma_start3A_49 = tpu.memref_slice %arg5[%multiple_of3A, %dma_start3A_48] : memref<32000x128xi32, #tpu.memory_space<hbm>> -> memref<128x128xi32, #tpu.memory_space<hbm>>
        %dma_start3A_50 = arith.constant 0 : i32
        %dma_start3A_51 = tpu.memref_slice %arg5[%multiple_of3A, %dma_start3A_50] : memref<32000x128xi32, #tpu.memory_space<hbm>> -> memref<128x128xi32, #tpu.memory_space<hbm>>
        tpu.enqueue_dma source(%arg8 : memref<128x128xi32, #tpu.memory_space<vmem>>) target(%dma_start3A_51 : memref<128x128xi32, #tpu.memory_space<hbm>>) target_semaphore(%run_scoped3A : memref<!tpu.dma_semaphore, #tpu.memory_space<semaphore_mem>>)
        %dma_wait3A_52 = arith.constant 0 : i32
        %dma_wait3A_53 = tpu.memref_slice %arg5[%multiple_of3A, %dma_wait3A_52] : memref<32000x128xi32, #tpu.memory_space<hbm>> -> memref<128x128xi32, #tpu.memory_space<hbm>>
        %dma_wait3A_54 = arith.constant 0 : i32
        %dma_wait3A_55 = tpu.memref_slice %arg5[%multiple_of3A, %dma_wait3A_54] : memref<32000x128xi32, #tpu.memory_space<hbm>> -> memref<128x128xi32, #tpu.memory_space<hbm>>
        tpu.wait_dma2 semaphore(%run_scoped3A : memref<!tpu.dma_semaphore, #tpu.memory_space<semaphore_mem>>) src(%arg8 : memref<128x128xi32, #tpu.memory_space<vmem>>) dst(%dma_wait3A_55 : memref<128x128xi32, #tpu.memory_space<hbm>>)
        tpu.yield
      }) : () -> ()
    }
    %while3A_15 = arith.constant 1 : i32
    scf.for %while3A_16 = %while3A_13 to %while3A_9 step %while3A_15  : i32 {
      %add3A_17 = arith.addi %add3A_4, %while3A_16 : i32
      %mul3A_18 = arith.constant 128 : i32
      %mul3A_19 = arith.muli %add3A_17, %mul3A_18 : i32
      %multiple_of3A = tpu.assume_multiple %mul3A_19, 128 : i32
      %add3A_20 = arith.constant 128000 : i32
      %add3A_21 = arith.addi %add3A_20, %multiple_of3A : i32
      "tpu.region"() ({
        %run_scoped3A = tpu.sem_alloc : memref<!tpu.dma_semaphore, #tpu.memory_space<semaphore_mem>>
        %dma_start3A_48 = arith.constant 0 : i32
        %dma_start3A_49 = tpu.memref_slice %arg3[%dma_start3A_48, %add3A_21] : memref<2x160000xi32, #tpu.memory_space<hbm>> -> memref<2x128xi32, #tpu.memory_space<hbm>>
        %dma_start3A_50 = arith.constant 0 : i32
        %dma_start3A_51 = tpu.memref_slice %arg3[%dma_start3A_50, %add3A_21] : memref<2x160000xi32, #tpu.memory_space<hbm>> -> memref<2x128xi32, #tpu.memory_space<hbm>>
        tpu.enqueue_dma source(%dma_start3A_51 : memref<2x128xi32, #tpu.memory_space<hbm>>) target(%arg6 : memref<2x128xi32, #tpu.memory_space<vmem>>) target_semaphore(%run_scoped3A : memref<!tpu.dma_semaphore, #tpu.memory_space<semaphore_mem>>)
        %dma_wait3A_52 = arith.constant 0 : i32
        %dma_wait3A_53 = tpu.memref_slice %arg3[%dma_wait3A_52, %add3A_21] : memref<2x160000xi32, #tpu.memory_space<hbm>> -> memref<2x128xi32, #tpu.memory_space<hbm>>
        %dma_wait3A_54 = arith.constant 0 : i32
        %dma_wait3A_55 = tpu.memref_slice %arg3[%dma_wait3A_54, %add3A_21] : memref<2x160000xi32, #tpu.memory_space<hbm>> -> memref<2x128xi32, #tpu.memory_space<hbm>>
        tpu.wait_dma2 semaphore(%run_scoped3A : memref<!tpu.dma_semaphore, #tpu.memory_space<semaphore_mem>>) src(%dma_wait3A_55 : memref<2x128xi32, #tpu.memory_space<hbm>>) dst(%arg6 : memref<2x128xi32, #tpu.memory_space<vmem>>)
        tpu.yield
      }) : () -> ()
      %dma_start3A = arith.constant 0 : i32
      %dma_start3A_22 = arith.constant 0 : i32
      %dma_start3A_23 = tpu.memref_slice %arg6[%dma_start3A, %dma_start3A_22] : memref<2x128xi32, #tpu.memory_space<vmem>> -> memref<1x128xi32, #tpu.memory_space<vmem>>
      %dma_start3A_24 = tpu.memref_squeeze %dma_start3A_23 : memref<1x128xi32, #tpu.memory_space<vmem>> -> memref<128xi32, #tpu.memory_space<vmem>>
      %dma_start3A_25 = arith.constant 0 : i32
      %dma_start3A_26 = arith.constant 0 : i32
      %dma_start3A_27 = tpu.memref_slice %arg2[%dma_start3A_25, %dma_start3A_26] : memref<10000x128xi32, #tpu.memory_space<hbm>> -> memref<10000x128xi32, #tpu.memory_space<hbm>>
      tpu.enqueue_indirect_dma source(%dma_start3A_27 : memref<10000x128xi32, #tpu.memory_space<hbm>>) target(%arg7 : memref<128x128xi32, #tpu.memory_space<vmem>>) offsets(%dma_start3A_24 : memref<128xi32, #tpu.memory_space<vmem>>) semaphore(%arg9 : memref<!tpu.dma_semaphore, #tpu.memory_space<semaphore_mem>>)
      %dma_start3A_28 = arith.constant 1 : i32
      %dma_start3A_29 = arith.constant 0 : i32
      %dma_start3A_30 = tpu.memref_slice %arg6[%dma_start3A_28, %dma_start3A_29] : memref<2x128xi32, #tpu.memory_space<vmem>> -> memref<1x128xi32, #tpu.memory_space<vmem>>
      %dma_start3A_31 = tpu.memref_squeeze %dma_start3A_30 : memref<1x128xi32, #tpu.memory_space<vmem>> -> memref<128xi32, #tpu.memory_space<vmem>>
      %dma_start3A_32 = arith.constant 0 : i32
      %dma_start3A_33 = arith.constant 0 : i32
      %dma_start3A_34 = tpu.memref_slice %arg2[%dma_start3A_32, %dma_start3A_33] : memref<10000x128xi32, #tpu.memory_space<hbm>> -> memref<10000x128xi32, #tpu.memory_space<hbm>>
      tpu.enqueue_indirect_dma source(%dma_start3A_34 : memref<10000x128xi32, #tpu.memory_space<hbm>>) target(%arg8 : memref<128x128xi32, #tpu.memory_space<vmem>>) offsets(%dma_start3A_31 : memref<128xi32, #tpu.memory_space<vmem>>) semaphore(%arg10 : memref<!tpu.dma_semaphore, #tpu.memory_space<semaphore_mem>>)
      %dma_wait3A = arith.constant 0 : i32
      %dma_wait3A_35 = arith.constant 0 : i32
      %dma_wait3A_36 = tpu.memref_slice %arg6[%dma_wait3A, %dma_wait3A_35] : memref<2x128xi32, #tpu.memory_space<vmem>> -> memref<1x128xi32, #tpu.memory_space<vmem>>
      %dma_wait3A_37 = tpu.memref_squeeze %dma_wait3A_36 : memref<1x128xi32, #tpu.memory_space<vmem>> -> memref<128xi32, #tpu.memory_space<vmem>>
      %dma_wait3A_38 = arith.constant 0 : i32
      %dma_wait3A_39 = arith.constant 0 : i32
      %dma_wait3A_40 = tpu.memref_slice %arg2[%dma_wait3A_38, %dma_wait3A_39] : memref<10000x128xi32, #tpu.memory_space<hbm>> -> memref<10000x128xi32, #tpu.memory_space<hbm>>
      tpu.wait_indirect_dma semaphore(%arg9 : memref<!tpu.dma_semaphore, #tpu.memory_space<semaphore_mem>>) src(%dma_wait3A_40 : memref<10000x128xi32, #tpu.memory_space<hbm>>) dst(%arg7 : memref<128x128xi32, #tpu.memory_space<vmem>>)
      "tpu.region"() ({
        %run_scoped3A = tpu.sem_alloc : memref<!tpu.dma_semaphore, #tpu.memory_space<semaphore_mem>>
        %dma_start3A_48 = arith.constant 0 : i32
        %dma_start3A_49 = tpu.memref_slice %arg4[%multiple_of3A, %dma_start3A_48] : memref<32000x128xi32, #tpu.memory_space<hbm>> -> memref<128x128xi32, #tpu.memory_space<hbm>>
        %dma_start3A_50 = arith.constant 0 : i32
        %dma_start3A_51 = tpu.memref_slice %arg4[%multiple_of3A, %dma_start3A_50] : memref<32000x128xi32, #tpu.memory_space<hbm>> -> memref<128x128xi32, #tpu.memory_space<hbm>>
        tpu.enqueue_dma source(%arg7 : memref<128x128xi32, #tpu.memory_space<vmem>>) target(%dma_start3A_51 : memref<128x128xi32, #tpu.memory_space<hbm>>) target_semaphore(%run_scoped3A : memref<!tpu.dma_semaphore, #tpu.memory_space<semaphore_mem>>)
        %dma_wait3A_52 = arith.constant 0 : i32
        %dma_wait3A_53 = tpu.memref_slice %arg4[%multiple_of3A, %dma_wait3A_52] : memref<32000x128xi32, #tpu.memory_space<hbm>> -> memref<128x128xi32, #tpu.memory_space<hbm>>
        %dma_wait3A_54 = arith.constant 0 : i32
        %dma_wait3A_55 = tpu.memref_slice %arg4[%multiple_of3A, %dma_wait3A_54] : memref<32000x128xi32, #tpu.memory_space<hbm>> -> memref<128x128xi32, #tpu.memory_space<hbm>>
        tpu.wait_dma2 semaphore(%run_scoped3A : memref<!tpu.dma_semaphore, #tpu.memory_space<semaphore_mem>>) src(%arg7 : memref<128x128xi32, #tpu.memory_space<vmem>>) dst(%dma_wait3A_55 : memref<128x128xi32, #tpu.memory_space<hbm>>)
        tpu.yield
      }) : () -> ()
      %dma_wait3A_41 = arith.constant 1 : i32
      %dma_wait3A_42 = arith.constant 0 : i32
      %dma_wait3A_43 = tpu.memref_slice %arg6[%dma_wait3A_41, %dma_wait3A_42] : memref<2x128xi32, #tpu.memory_space<vmem>> -> memref<1x128xi32, #tpu.memory_space<vmem>>
      %dma_wait3A_44 = tpu.memref_squeeze %dma_wait3A_43 : memref<1x128xi32, #tpu.memory_space<vmem>> -> memref<128xi32, #tpu.memory_space<vmem>>
      %dma_wait3A_45 = arith.constant 0 : i32
      %dma_wait3A_46 = arith.constant 0 : i32
      %dma_wait3A_47 = tpu.memref_slice %arg2[%dma_wait3A_45, %dma_wait3A_46] : memref<10000x128xi32, #tpu.memory_space<hbm>> -> memref<10000x128xi32, #tpu.memory_space<hbm>>
      tpu.wait_indirect_dma semaphore(%arg10 : memref<!tpu.dma_semaphore, #tpu.memory_space<semaphore_mem>>) src(%dma_wait3A_47 : memref<10000x128xi32, #tpu.memory_space<hbm>>) dst(%arg8 : memref<128x128xi32, #tpu.memory_space<vmem>>)
      "tpu.region"() ({
        %run_scoped3A = tpu.sem_alloc : memref<!tpu.dma_semaphore, #tpu.memory_space<semaphore_mem>>
        %dma_start3A_48 = arith.constant 0 : i32
        %dma_start3A_49 = tpu.memref_slice %arg5[%multiple_of3A, %dma_start3A_48] : memref<32000x128xi32, #tpu.memory_space<hbm>> -> memref<128x128xi32, #tpu.memory_space<hbm>>
        %dma_start3A_50 = arith.constant 0 : i32
        %dma_start3A_51 = tpu.memref_slice %arg5[%multiple_of3A, %dma_start3A_50] : memref<32000x128xi32, #tpu.memory_space<hbm>> -> memref<128x128xi32, #tpu.memory_space<hbm>>
        tpu.enqueue_dma source(%arg8 : memref<128x128xi32, #tpu.memory_space<vmem>>) target(%dma_start3A_51 : memref<128x128xi32, #tpu.memory_space<hbm>>) target_semaphore(%run_scoped3A : memref<!tpu.dma_semaphore, #tpu.memory_space<semaphore_mem>>)
        %dma_wait3A_52 = arith.constant 0 : i32
        %dma_wait3A_53 = tpu.memref_slice %arg5[%multiple_of3A, %dma_wait3A_52] : memref<32000x128xi32, #tpu.memory_space<hbm>> -> memref<128x128xi32, #tpu.memory_space<hbm>>
        %dma_wait3A_54 = arith.constant 0 : i32
        %dma_wait3A_55 = tpu.memref_slice %arg5[%multiple_of3A, %dma_wait3A_54] : memref<32000x128xi32, #tpu.memory_space<hbm>> -> memref<128x128xi32, #tpu.memory_space<hbm>>
        tpu.wait_dma2 semaphore(%run_scoped3A : memref<!tpu.dma_semaphore, #tpu.memory_space<semaphore_mem>>) src(%arg8 : memref<128x128xi32, #tpu.memory_space<vmem>>) dst(%dma_wait3A_55 : memref<128x128xi32, #tpu.memory_space<hbm>>)
        tpu.yield
      }) : () -> ()
    }
    return
  }
}

module attributes {stable_mosaic.version = 14 : i64} {
  func.func @_node_emb_body(%arg0: i32, %arg1: memref<1000x1024xf32, #tpu.memory_space<vmem>>, %arg2: memref<4xf32, #tpu.memory_space<smem>>, %arg3: memref<1xf32, #tpu.memory_space<smem>>, %arg4: memref<1000x128xi32, #tpu.memory_space<vmem>>) attributes {dimension_semantics = [#tpu.dimension_semantics<arbitrary>], iteration_bounds = array<i64: 10>, scalar_prefetch = 0 : i64, scratch_operands = 0 : i64, tpu.core_type = #tpu.core_type<tc>, window_params = [{transform_indices = @transform_0, window_bounds = array<i64: 1000, 1024>}, {transform_indices = @transform_1, window_bounds = array<i64: 4>}, {transform_indices = @transform_2, window_bounds = array<i64: 1>}, {transform_indices = @transform_3, window_bounds = array<i64: 1000, 128>}]} {
    %get3A = arith.constant 0 : index
    %get3A_0 = arith.constant 0 : index
    %get3A_1 = vector.load %arg1[%get3A, %get3A_0] : memref<1000x1024xf32, #tpu.memory_space<vmem>>, vector<1000x1024xf32>
    %slice3A = vector.extract_strided_slice %get3A_1 {offsets = [0, 0], sizes = [1000, 256], strides = [1, 1]} : vector<1000x1024xf32> to vector<1000x256xf32>
    %get3A_2 = arith.constant 0 : index
    %get3A_3 = memref.load %arg2[%get3A_2] : memref<4xf32, #tpu.memory_space<smem>>
    %mul3A = vector.broadcast %get3A_3 : f32 to vector<1000x256xf32>
    %mul3A_4 = arith.mulf %slice3A, %mul3A : vector<1000x256xf32>
    %slice3A_5 = vector.extract_strided_slice %get3A_1 {offsets = [0, 256], sizes = [1000, 256], strides = [1, 1]} : vector<1000x1024xf32> to vector<1000x256xf32>
    %get3A_6 = arith.constant 1 : index
    %get3A_7 = memref.load %arg2[%get3A_6] : memref<4xf32, #tpu.memory_space<smem>>
    %mul3A_8 = vector.broadcast %get3A_7 : f32 to vector<1000x256xf32>
    %mul3A_9 = arith.mulf %slice3A_5, %mul3A_8 : vector<1000x256xf32>
    %add3A = arith.addf %mul3A_4, %mul3A_9 : vector<1000x256xf32>
    %slice3A_10 = vector.extract_strided_slice %get3A_1 {offsets = [0, 512], sizes = [1000, 256], strides = [1, 1]} : vector<1000x1024xf32> to vector<1000x256xf32>
    %get3A_11 = arith.constant 2 : index
    %get3A_12 = memref.load %arg2[%get3A_11] : memref<4xf32, #tpu.memory_space<smem>>
    %mul3A_13 = vector.broadcast %get3A_12 : f32 to vector<1000x256xf32>
    %mul3A_14 = arith.mulf %slice3A_10, %mul3A_13 : vector<1000x256xf32>
    %add3A_15 = arith.addf %add3A, %mul3A_14 : vector<1000x256xf32>
    %slice3A_16 = vector.extract_strided_slice %get3A_1 {offsets = [0, 768], sizes = [1000, 256], strides = [1, 1]} : vector<1000x1024xf32> to vector<1000x256xf32>
    %get3A_17 = arith.constant 3 : index
    %get3A_18 = memref.load %arg2[%get3A_17] : memref<4xf32, #tpu.memory_space<smem>>
    %mul3A_19 = vector.broadcast %get3A_18 : f32 to vector<1000x256xf32>
    %mul3A_20 = arith.mulf %slice3A_16, %mul3A_19 : vector<1000x256xf32>
    %add3A_21 = arith.addf %add3A_15, %mul3A_20 : vector<1000x256xf32>
    %get3A_22 = arith.constant 0 : index
    %get3A_23 = memref.load %arg3[%get3A_22] : memref<1xf32, #tpu.memory_space<smem>>
    %add3A_24 = vector.broadcast %get3A_23 : f32 to vector<1000x256xf32>
    %add3A_25 = arith.addf %add3A_21, %add3A_24 : vector<1000x256xf32>
    %slice3A_26 = vector.extract_strided_slice %add3A_25 {offsets = [0, 0], sizes = [1000, 128], strides = [1, 1]} : vector<1000x256xf32> to vector<1000x128xf32>
    %convert_element_type3A = arith.truncf %slice3A_26 : vector<1000x128xf32> to vector<1000x128xbf16>
    %convert_element_type3A_27 = arith.extf %convert_element_type3A : vector<1000x128xbf16> to vector<1000x128xf32>
    %bitcast_convert_type3A = tpu.bitcast %convert_element_type3A_27 : vector<1000x128xf32> -> vector<1000x128xi32>
    %shift_right_logical3A = arith.constant 16 : i32
    %shift_right_logical3A_28 = vector.broadcast %shift_right_logical3A : i32 to vector<1000x128xi32>
    %shift_right_logical3A_29 = arith.shrui %bitcast_convert_type3A, %shift_right_logical3A_28 : vector<1000x128xi32>
    %slice3A_30 = vector.extract_strided_slice %add3A_25 {offsets = [0, 128], sizes = [1000, 128], strides = [1, 1]} : vector<1000x256xf32> to vector<1000x128xf32>
    %convert_element_type3A_31 = arith.truncf %slice3A_30 : vector<1000x128xf32> to vector<1000x128xbf16>
    %convert_element_type3A_32 = arith.extf %convert_element_type3A_31 : vector<1000x128xbf16> to vector<1000x128xf32>
    %bitcast_convert_type3A_33 = tpu.bitcast %convert_element_type3A_32 : vector<1000x128xf32> -> vector<1000x128xi32>
    %and3A = arith.constant -65536 : i32
    %and3A_34 = vector.broadcast %and3A : i32 to vector<1000x128xi32>
    %and3A_35 = arith.andi %bitcast_convert_type3A_33, %and3A_34 : vector<1000x128xi32>
    %or3A = arith.ori %shift_right_logical3A_29, %and3A_35 : vector<1000x128xi32>
    %swap3A = arith.constant 0 : index
    %swap3A_36 = arith.constant 0 : index
    %swap3A_37 = vector.load %arg4[%swap3A, %swap3A_36] : memref<1000x128xi32, #tpu.memory_space<vmem>>, vector<1000x128xi32>
    tpu.vector_store %arg4[%swap3A, %swap3A_36], %or3A {strides = array<i32>} : memref<1000x128xi32, #tpu.memory_space<vmem>>, vector<1000x128xi32>,
    return
  }
  func.func @transform_0(%arg0: i32) -> (i32, i32) {
    %c0_i32 = arith.constant 0 : i32
    %c0_i32_0 = arith.constant 0 : i32
    return %arg0, %c0_i32 : i32, i32
  }
  func.func @transform_1(%arg0: i32) -> i32 {
    %c0_i32 = arith.constant 0 : i32
    %c0_i32_0 = arith.constant 0 : i32
    return %c0_i32 : i32
  }
  func.func @transform_2(%arg0: i32) -> i32 {
    %c0_i32 = arith.constant 0 : i32
    %c0_i32_0 = arith.constant 0 : i32
    return %c0_i32 : i32
  }
  func.func @transform_3(%arg0: i32) -> (i32, i32) {
    %c0_i32 = arith.constant 0 : i32
    %c0_i32_0 = arith.constant 0 : i32
    return %arg0, %c0_i32 : i32, i32
  }
}

module attributes {stable_mosaic.version = 14 : i64} {
  func.func @edge_mlp_0(%arg0: i32, %arg1: memref<2000x128xi32, #tpu.memory_space<vmem>>, %arg2: memref<2000x128xi32, #tpu.memory_space<vmem>>, %arg3: memref<2000x256xf32, #tpu.memory_space<vmem>>, %arg4: memref<768x768xbf16, #tpu.memory_space<vmem>>, %arg5: memref<1x768xf32, #tpu.memory_space<vmem>>, %arg6: memref<768x512xbf16, #tpu.memory_space<vmem>>, %arg7: memref<1x512xf32, #tpu.memory_space<vmem>>, %arg8: memref<512x256xbf16, #tpu.memory_space<vmem>>, %arg9: memref<1x256xf32, #tpu.memory_space<vmem>>, %arg10: memref<2000x256xf32, #tpu.memory_space<vmem>>) attributes {dimension_semantics = [#tpu.dimension_semantics<arbitrary>], iteration_bounds = array<i64: 16>, scalar_prefetch = 0 : i64, scratch_operands = 0 : i64, tpu.core_type = #tpu.core_type<tc>, window_params = [{transform_indices = @transform_0, window_bounds = array<i64: 2000, 128>}, {transform_indices = @transform_1, window_bounds = array<i64: 2000, 128>}, {transform_indices = @transform_2, window_bounds = array<i64: 2000, 256>}, {pipeline_mode = #tpu.pipeline_mode<synchronous>, transform_indices = @transform_3, window_bounds = array<i64: 768, 768>}, {pipeline_mode = #tpu.pipeline_mode<synchronous>, transform_indices = @transform_4, window_bounds = array<i64: 1, 768>}, {pipeline_mode = #tpu.pipeline_mode<synchronous>, transform_indices = @transform_5, window_bounds = array<i64: 768, 512>}, {pipeline_mode = #tpu.pipeline_mode<synchronous>, transform_indices = @transform_6, window_bounds = array<i64: 1, 512>}, {pipeline_mode = #tpu.pipeline_mode<synchronous>, transform_indices = @transform_7, window_bounds = array<i64: 512, 256>}, {pipeline_mode = #tpu.pipeline_mode<synchronous>, transform_indices = @transform_8, window_bounds = array<i64: 1, 256>}, {transform_indices = @transform_9, window_bounds = array<i64: 2000, 256>}]} {
    %get3A = arith.constant 0 : index
    %get3A_0 = arith.constant 0 : index
    %get3A_1 = vector.load %arg1[%get3A, %get3A_0] : memref<2000x128xi32, #tpu.memory_space<vmem>>, vector<2000x128xi32>
    %shift_left3A = arith.constant 16 : i32
    %shift_left3A_2 = vector.broadcast %shift_left3A : i32 to vector<2000x128xi32>
    %shift_left3A_3 = arith.shli %get3A_1, %shift_left3A_2 : vector<2000x128xi32>
    %bitcast_convert_type3A = tpu.bitcast %shift_left3A_3 : vector<2000x128xi32> -> vector<2000x128xf32>
    %and3A = arith.constant -65536 : i32
    %and3A_4 = vector.broadcast %and3A : i32 to vector<2000x128xi32>
    %and3A_5 = arith.andi %get3A_1, %and3A_4 : vector<2000x128xi32>
    %bitcast_convert_type3A_6 = tpu.bitcast %and3A_5 : vector<2000x128xi32> -> vector<2000x128xf32>
    %get3A_7 = arith.constant 0 : index
    %get3A_8 = arith.constant 0 : index
    %get3A_9 = vector.load %arg2[%get3A_7, %get3A_8] : memref<2000x128xi32, #tpu.memory_space<vmem>>, vector<2000x128xi32>
    %shift_left3A_10 = arith.constant 16 : i32
    %shift_left3A_11 = vector.broadcast %shift_left3A_10 : i32 to vector<2000x128xi32>
    %shift_left3A_12 = arith.shli %get3A_9, %shift_left3A_11 : vector<2000x128xi32>
    %bitcast_convert_type3A_13 = tpu.bitcast %shift_left3A_12 : vector<2000x128xi32> -> vector<2000x128xf32>
    %and3A_14 = arith.constant -65536 : i32
    %and3A_15 = vector.broadcast %and3A_14 : i32 to vector<2000x128xi32>
    %and3A_16 = arith.andi %get3A_9, %and3A_15 : vector<2000x128xi32>
    %bitcast_convert_type3A_17 = tpu.bitcast %and3A_16 : vector<2000x128xi32> -> vector<2000x128xf32>
    %get3A_18 = arith.constant 0 : index
    %get3A_19 = arith.constant 0 : index
    %get3A_20 = vector.load %arg3[%get3A_18, %get3A_19] : memref<2000x256xf32, #tpu.memory_space<vmem>>, vector<2000x256xf32>
    %concatenate3A = tpu.concatenate %bitcast_convert_type3A, %bitcast_convert_type3A_6, %bitcast_convert_type3A_13, %bitcast_convert_type3A_17, %get3A_20 in 1 : vector<2000x128xf32>, vector<2000x128xf32>, vector<2000x128xf32>, vector<2000x128xf32>, vector<2000x256xf32> -> vector<2000x768xf32>
    %convert_element_type3A = arith.truncf %concatenate3A : vector<2000x768xf32> to vector<2000x768xbf16>
    %get3A_21 = arith.constant 0 : index
    %get3A_22 = arith.constant 0 : index
    %get3A_23 = vector.load %arg4[%get3A_21, %get3A_22] : memref<768x768xbf16, #tpu.memory_space<vmem>>, vector<768x768xbf16>
    %dot_general3A = arith.constant dense<0.000000e+00> : vector<2000x768xf32>
    %dot_general3A_24 = tpu.matmul %convert_element_type3A, %get3A_23, %dot_general3A {dimension_numbers = #tpu.dot_dimension_numbers<[1], [0], [0], [1], [0, 0, 1, 1], [], []>, transpose_lhs_hint = false} : vector<2000x768xbf16>, vector<768x768xbf16>, vector<2000x768xf32> -> vector<2000x768xf32>
    %get3A_25 = arith.constant 0 : index
    %get3A_26 = arith.constant 0 : index
    %get3A_27 = vector.load %arg5[%get3A_25, %get3A_26] : memref<1x768xf32, #tpu.memory_space<vmem>>, vector<1x768xf32>
    %add3A = vector.broadcast %get3A_27 : vector<1x768xf32> to vector<2000x768xf32>
    %add3A_28 = arith.addf %dot_general3A_24, %add3A : vector<2000x768xf32>
    %max3A = arith.constant 0.000000e+00 : f32
    %max3A_29 = vector.broadcast %max3A : f32 to vector<2000x768xf32>
    %max3A_30 = arith.maximumf %add3A_28, %max3A_29 : vector<2000x768xf32>
    %convert_element_type3A_31 = arith.truncf %max3A_30 : vector<2000x768xf32> to vector<2000x768xbf16>
    %get3A_32 = arith.constant 0 : index
    %get3A_33 = arith.constant 0 : index
    %get3A_34 = vector.load %arg6[%get3A_32, %get3A_33] : memref<768x512xbf16, #tpu.memory_space<vmem>>, vector<768x512xbf16>
    %dot_general3A_35 = arith.constant dense<0.000000e+00> : vector<2000x512xf32>
    %dot_general3A_36 = tpu.matmul %convert_element_type3A_31, %get3A_34, %dot_general3A_35 {dimension_numbers = #tpu.dot_dimension_numbers<[1], [0], [0], [1], [0, 0, 1, 1], [], []>, transpose_lhs_hint = false} : vector<2000x768xbf16>, vector<768x512xbf16>, vector<2000x512xf32> -> vector<2000x512xf32>
    %get3A_37 = arith.constant 0 : index
    %get3A_38 = arith.constant 0 : index
    %get3A_39 = vector.load %arg7[%get3A_37, %get3A_38] : memref<1x512xf32, #tpu.memory_space<vmem>>, vector<1x512xf32>
    %add3A_40 = vector.broadcast %get3A_39 : vector<1x512xf32> to vector<2000x512xf32>
    %add3A_41 = arith.addf %dot_general3A_36, %add3A_40 : vector<2000x512xf32>
    %max3A_42 = arith.constant 0.000000e+00 : f32
    %max3A_43 = vector.broadcast %max3A_42 : f32 to vector<2000x512xf32>
    %max3A_44 = arith.maximumf %add3A_41, %max3A_43 : vector<2000x512xf32>
    %convert_element_type3A_45 = arith.truncf %max3A_44 : vector<2000x512xf32> to vector<2000x512xbf16>
    %get3A_46 = arith.constant 0 : index
    %get3A_47 = arith.constant 0 : index
    %get3A_48 = vector.load %arg8[%get3A_46, %get3A_47] : memref<512x256xbf16, #tpu.memory_space<vmem>>, vector<512x256xbf16>
    %dot_general3A_49 = arith.constant dense<0.000000e+00> : vector<2000x256xf32>
    %dot_general3A_50 = tpu.matmul %convert_element_type3A_45, %get3A_48, %dot_general3A_49 {dimension_numbers = #tpu.dot_dimension_numbers<[1], [0], [0], [1], [0, 0, 1, 1], [], []>, transpose_lhs_hint = false} : vector<2000x512xbf16>, vector<512x256xbf16>, vector<2000x256xf32> -> vector<2000x256xf32>
    %get3A_51 = arith.constant 0 : index
    %get3A_52 = arith.constant 0 : index
    %get3A_53 = vector.load %arg9[%get3A_51, %get3A_52] : memref<1x256xf32, #tpu.memory_space<vmem>>, vector<1x256xf32>
    %add3A_54 = vector.broadcast %get3A_53 : vector<1x256xf32> to vector<2000x256xf32>
    %add3A_55 = arith.addf %dot_general3A_50, %add3A_54 : vector<2000x256xf32>
    %swap3A = arith.constant 0 : index
    %swap3A_56 = arith.constant 0 : index
    %swap3A_57 = vector.load %arg10[%swap3A, %swap3A_56] : memref<2000x256xf32, #tpu.memory_space<vmem>>, vector<2000x256xf32>
    tpu.vector_store %arg10[%swap3A, %swap3A_56], %add3A_55 {strides = array<i32>} : memref<2000x256xf32, #tpu.memory_space<vmem>>, vector<2000x256xf32>,
    return
  }
  func.func @transform_0(%arg0: i32) -> (i32, i32) {
    %c0_i32 = arith.constant 0 : i32
    %c0_i32_0 = arith.constant 0 : i32
    return %arg0, %c0_i32 : i32, i32
  }
  func.func @transform_1(%arg0: i32) -> (i32, i32) {
    %c0_i32 = arith.constant 0 : i32
    %c0_i32_0 = arith.constant 0 : i32
    return %arg0, %c0_i32 : i32, i32
  }
  func.func @transform_2(%arg0: i32) -> (i32, i32) {
    %add3A = arith.constant 0 : i32
    %add3A_0 = arith.addi %arg0, %add3A : i32
    %c0_i32 = arith.constant 0 : i32
    %c0_i32_1 = arith.constant 0 : i32
    return %add3A_0, %c0_i32 : i32, i32
  }
  func.func @transform_3(%arg0: i32) -> (i32, i32) {
    %c0_i32 = arith.constant 0 : i32
    %c0_i32_0 = arith.constant 0 : i32
    %c0_i32_1 = arith.constant 0 : i32
    return %c0_i32, %c0_i32_0 : i32, i32
  }
  func.func @transform_4(%arg0: i32) -> (i32, i32) {
    %c0_i32 = arith.constant 0 : i32
    %c0_i32_0 = arith.constant 0 : i32
    %c0_i32_1 = arith.constant 0 : i32
    return %c0_i32, %c0_i32_0 : i32, i32
  }
  func.func @transform_5(%arg0: i32) -> (i32, i32) {
    %c0_i32 = arith.constant 0 : i32
    %c0_i32_0 = arith.constant 0 : i32
    %c0_i32_1 = arith.constant 0 : i32
    return %c0_i32, %c0_i32_0 : i32, i32
  }
  func.func @transform_6(%arg0: i32) -> (i32, i32) {
    %c0_i32 = arith.constant 0 : i32
    %c0_i32_0 = arith.constant 0 : i32
    %c0_i32_1 = arith.constant 0 : i32
    return %c0_i32, %c0_i32_0 : i32, i32
  }
  func.func @transform_7(%arg0: i32) -> (i32, i32) {
    %c0_i32 = arith.constant 0 : i32
    %c0_i32_0 = arith.constant 0 : i32
    %c0_i32_1 = arith.constant 0 : i32
    return %c0_i32, %c0_i32_0 : i32, i32
  }
  func.func @transform_8(%arg0: i32) -> (i32, i32) {
    %c0_i32 = arith.constant 0 : i32
    %c0_i32_0 = arith.constant 0 : i32
    %c0_i32_1 = arith.constant 0 : i32
    return %c0_i32, %c0_i32_0 : i32, i32
  }
  func.func @transform_9(%arg0: i32) -> (i32, i32) {
    %c0_i32 = arith.constant 0 : i32
    %c0_i32_0 = arith.constant 0 : i32
    return %arg0, %c0_i32 : i32, i32
  }
}

module attributes {stable_mosaic.version = 14 : i64} {
  func.func @edge_mlp_32000(%arg0: i32, %arg1: memref<2000x128xi32, #tpu.memory_space<vmem>>, %arg2: memref<2000x128xi32, #tpu.memory_space<vmem>>, %arg3: memref<2000x256xf32, #tpu.memory_space<vmem>>, %arg4: memref<768x768xbf16, #tpu.memory_space<vmem>>, %arg5: memref<1x768xf32, #tpu.memory_space<vmem>>, %arg6: memref<768x512xbf16, #tpu.memory_space<vmem>>, %arg7: memref<1x512xf32, #tpu.memory_space<vmem>>, %arg8: memref<512x256xbf16, #tpu.memory_space<vmem>>, %arg9: memref<1x256xf32, #tpu.memory_space<vmem>>, %arg10: memref<2000x256xf32, #tpu.memory_space<vmem>>) attributes {dimension_semantics = [#tpu.dimension_semantics<arbitrary>], iteration_bounds = array<i64: 16>, scalar_prefetch = 0 : i64, scratch_operands = 0 : i64, tpu.core_type = #tpu.core_type<tc>, window_params = [{transform_indices = @transform_0, window_bounds = array<i64: 2000, 128>}, {transform_indices = @transform_1, window_bounds = array<i64: 2000, 128>}, {transform_indices = @transform_2, window_bounds = array<i64: 2000, 256>}, {pipeline_mode = #tpu.pipeline_mode<synchronous>, transform_indices = @transform_3, window_bounds = array<i64: 768, 768>}, {pipeline_mode = #tpu.pipeline_mode<synchronous>, transform_indices = @transform_4, window_bounds = array<i64: 1, 768>}, {pipeline_mode = #tpu.pipeline_mode<synchronous>, transform_indices = @transform_5, window_bounds = array<i64: 768, 512>}, {pipeline_mode = #tpu.pipeline_mode<synchronous>, transform_indices = @transform_6, window_bounds = array<i64: 1, 512>}, {pipeline_mode = #tpu.pipeline_mode<synchronous>, transform_indices = @transform_7, window_bounds = array<i64: 512, 256>}, {pipeline_mode = #tpu.pipeline_mode<synchronous>, transform_indices = @transform_8, window_bounds = array<i64: 1, 256>}, {transform_indices = @transform_9, window_bounds = array<i64: 2000, 256>}]} {
    %get3A = arith.constant 0 : index
    %get3A_0 = arith.constant 0 : index
    %get3A_1 = vector.load %arg1[%get3A, %get3A_0] : memref<2000x128xi32, #tpu.memory_space<vmem>>, vector<2000x128xi32>
    %shift_left3A = arith.constant 16 : i32
    %shift_left3A_2 = vector.broadcast %shift_left3A : i32 to vector<2000x128xi32>
    %shift_left3A_3 = arith.shli %get3A_1, %shift_left3A_2 : vector<2000x128xi32>
    %bitcast_convert_type3A = tpu.bitcast %shift_left3A_3 : vector<2000x128xi32> -> vector<2000x128xf32>
    %and3A = arith.constant -65536 : i32
    %and3A_4 = vector.broadcast %and3A : i32 to vector<2000x128xi32>
    %and3A_5 = arith.andi %get3A_1, %and3A_4 : vector<2000x128xi32>
    %bitcast_convert_type3A_6 = tpu.bitcast %and3A_5 : vector<2000x128xi32> -> vector<2000x128xf32>
    %get3A_7 = arith.constant 0 : index
    %get3A_8 = arith.constant 0 : index
    %get3A_9 = vector.load %arg2[%get3A_7, %get3A_8] : memref<2000x128xi32, #tpu.memory_space<vmem>>, vector<2000x128xi32>
    %shift_left3A_10 = arith.constant 16 : i32
    %shift_left3A_11 = vector.broadcast %shift_left3A_10 : i32 to vector<2000x128xi32>
    %shift_left3A_12 = arith.shli %get3A_9, %shift_left3A_11 : vector<2000x128xi32>
    %bitcast_convert_type3A_13 = tpu.bitcast %shift_left3A_12 : vector<2000x128xi32> -> vector<2000x128xf32>
    %and3A_14 = arith.constant -65536 : i32
    %and3A_15 = vector.broadcast %and3A_14 : i32 to vector<2000x128xi32>
    %and3A_16 = arith.andi %get3A_9, %and3A_15 : vector<2000x128xi32>
    %bitcast_convert_type3A_17 = tpu.bitcast %and3A_16 : vector<2000x128xi32> -> vector<2000x128xf32>
    %get3A_18 = arith.constant 0 : index
    %get3A_19 = arith.constant 0 : index
    %get3A_20 = vector.load %arg3[%get3A_18, %get3A_19] : memref<2000x256xf32, #tpu.memory_space<vmem>>, vector<2000x256xf32>
    %concatenate3A = tpu.concatenate %bitcast_convert_type3A, %bitcast_convert_type3A_6, %bitcast_convert_type3A_13, %bitcast_convert_type3A_17, %get3A_20 in 1 : vector<2000x128xf32>, vector<2000x128xf32>, vector<2000x128xf32>, vector<2000x128xf32>, vector<2000x256xf32> -> vector<2000x768xf32>
    %convert_element_type3A = arith.truncf %concatenate3A : vector<2000x768xf32> to vector<2000x768xbf16>
    %get3A_21 = arith.constant 0 : index
    %get3A_22 = arith.constant 0 : index
    %get3A_23 = vector.load %arg4[%get3A_21, %get3A_22] : memref<768x768xbf16, #tpu.memory_space<vmem>>, vector<768x768xbf16>
    %dot_general3A = arith.constant dense<0.000000e+00> : vector<2000x768xf32>
    %dot_general3A_24 = tpu.matmul %convert_element_type3A, %get3A_23, %dot_general3A {dimension_numbers = #tpu.dot_dimension_numbers<[1], [0], [0], [1], [0, 0, 1, 1], [], []>, transpose_lhs_hint = false} : vector<2000x768xbf16>, vector<768x768xbf16>, vector<2000x768xf32> -> vector<2000x768xf32>
    %get3A_25 = arith.constant 0 : index
    %get3A_26 = arith.constant 0 : index
    %get3A_27 = vector.load %arg5[%get3A_25, %get3A_26] : memref<1x768xf32, #tpu.memory_space<vmem>>, vector<1x768xf32>
    %add3A = vector.broadcast %get3A_27 : vector<1x768xf32> to vector<2000x768xf32>
    %add3A_28 = arith.addf %dot_general3A_24, %add3A : vector<2000x768xf32>
    %max3A = arith.constant 0.000000e+00 : f32
    %max3A_29 = vector.broadcast %max3A : f32 to vector<2000x768xf32>
    %max3A_30 = arith.maximumf %add3A_28, %max3A_29 : vector<2000x768xf32>
    %convert_element_type3A_31 = arith.truncf %max3A_30 : vector<2000x768xf32> to vector<2000x768xbf16>
    %get3A_32 = arith.constant 0 : index
    %get3A_33 = arith.constant 0 : index
    %get3A_34 = vector.load %arg6[%get3A_32, %get3A_33] : memref<768x512xbf16, #tpu.memory_space<vmem>>, vector<768x512xbf16>
    %dot_general3A_35 = arith.constant dense<0.000000e+00> : vector<2000x512xf32>
    %dot_general3A_36 = tpu.matmul %convert_element_type3A_31, %get3A_34, %dot_general3A_35 {dimension_numbers = #tpu.dot_dimension_numbers<[1], [0], [0], [1], [0, 0, 1, 1], [], []>, transpose_lhs_hint = false} : vector<2000x768xbf16>, vector<768x512xbf16>, vector<2000x512xf32> -> vector<2000x512xf32>
    %get3A_37 = arith.constant 0 : index
    %get3A_38 = arith.constant 0 : index
    %get3A_39 = vector.load %arg7[%get3A_37, %get3A_38] : memref<1x512xf32, #tpu.memory_space<vmem>>, vector<1x512xf32>
    %add3A_40 = vector.broadcast %get3A_39 : vector<1x512xf32> to vector<2000x512xf32>
    %add3A_41 = arith.addf %dot_general3A_36, %add3A_40 : vector<2000x512xf32>
    %max3A_42 = arith.constant 0.000000e+00 : f32
    %max3A_43 = vector.broadcast %max3A_42 : f32 to vector<2000x512xf32>
    %max3A_44 = arith.maximumf %add3A_41, %max3A_43 : vector<2000x512xf32>
    %convert_element_type3A_45 = arith.truncf %max3A_44 : vector<2000x512xf32> to vector<2000x512xbf16>
    %get3A_46 = arith.constant 0 : index
    %get3A_47 = arith.constant 0 : index
    %get3A_48 = vector.load %arg8[%get3A_46, %get3A_47] : memref<512x256xbf16, #tpu.memory_space<vmem>>, vector<512x256xbf16>
    %dot_general3A_49 = arith.constant dense<0.000000e+00> : vector<2000x256xf32>
    %dot_general3A_50 = tpu.matmul %convert_element_type3A_45, %get3A_48, %dot_general3A_49 {dimension_numbers = #tpu.dot_dimension_numbers<[1], [0], [0], [1], [0, 0, 1, 1], [], []>, transpose_lhs_hint = false} : vector<2000x512xbf16>, vector<512x256xbf16>, vector<2000x256xf32> -> vector<2000x256xf32>
    %get3A_51 = arith.constant 0 : index
    %get3A_52 = arith.constant 0 : index
    %get3A_53 = vector.load %arg9[%get3A_51, %get3A_52] : memref<1x256xf32, #tpu.memory_space<vmem>>, vector<1x256xf32>
    %add3A_54 = vector.broadcast %get3A_53 : vector<1x256xf32> to vector<2000x256xf32>
    %add3A_55 = arith.addf %dot_general3A_50, %add3A_54 : vector<2000x256xf32>
    %swap3A = arith.constant 0 : index
    %swap3A_56 = arith.constant 0 : index
    %swap3A_57 = vector.load %arg10[%swap3A, %swap3A_56] : memref<2000x256xf32, #tpu.memory_space<vmem>>, vector<2000x256xf32>
    tpu.vector_store %arg10[%swap3A, %swap3A_56], %add3A_55 {strides = array<i32>} : memref<2000x256xf32, #tpu.memory_space<vmem>>, vector<2000x256xf32>,
    return
  }
  func.func @transform_0(%arg0: i32) -> (i32, i32) {
    %c0_i32 = arith.constant 0 : i32
    %c0_i32_0 = arith.constant 0 : i32
    return %arg0, %c0_i32 : i32, i32
  }
  func.func @transform_1(%arg0: i32) -> (i32, i32) {
    %c0_i32 = arith.constant 0 : i32
    %c0_i32_0 = arith.constant 0 : i32
    return %arg0, %c0_i32 : i32, i32
  }
  func.func @transform_2(%arg0: i32) -> (i32, i32) {
    %add3A = arith.constant 16 : i32
    %add3A_0 = arith.addi %arg0, %add3A : i32
    %c0_i32 = arith.constant 0 : i32
    %c0_i32_1 = arith.constant 0 : i32
    return %add3A_0, %c0_i32 : i32, i32
  }
  func.func @transform_3(%arg0: i32) -> (i32, i32) {
    %c0_i32 = arith.constant 0 : i32
    %c0_i32_0 = arith.constant 0 : i32
    %c0_i32_1 = arith.constant 0 : i32
    return %c0_i32, %c0_i32_0 : i32, i32
  }
  func.func @transform_4(%arg0: i32) -> (i32, i32) {
    %c0_i32 = arith.constant 0 : i32
    %c0_i32_0 = arith.constant 0 : i32
    %c0_i32_1 = arith.constant 0 : i32
    return %c0_i32, %c0_i32_0 : i32, i32
  }
  func.func @transform_5(%arg0: i32) -> (i32, i32) {
    %c0_i32 = arith.constant 0 : i32
    %c0_i32_0 = arith.constant 0 : i32
    %c0_i32_1 = arith.constant 0 : i32
    return %c0_i32, %c0_i32_0 : i32, i32
  }
  func.func @transform_6(%arg0: i32) -> (i32, i32) {
    %c0_i32 = arith.constant 0 : i32
    %c0_i32_0 = arith.constant 0 : i32
    %c0_i32_1 = arith.constant 0 : i32
    return %c0_i32, %c0_i32_0 : i32, i32
  }
  func.func @transform_7(%arg0: i32) -> (i32, i32) {
    %c0_i32 = arith.constant 0 : i32
    %c0_i32_0 = arith.constant 0 : i32
    %c0_i32_1 = arith.constant 0 : i32
    return %c0_i32, %c0_i32_0 : i32, i32
  }
  func.func @transform_8(%arg0: i32) -> (i32, i32) {
    %c0_i32 = arith.constant 0 : i32
    %c0_i32_0 = arith.constant 0 : i32
    %c0_i32_1 = arith.constant 0 : i32
    return %c0_i32, %c0_i32_0 : i32, i32
  }
  func.func @transform_9(%arg0: i32) -> (i32, i32) {
    %c0_i32 = arith.constant 0 : i32
    %c0_i32_0 = arith.constant 0 : i32
    return %arg0, %c0_i32 : i32, i32
  }
}

module attributes {stable_mosaic.version = 14 : i64} {
  func.func @edge_mlp_64000(%arg0: i32, %arg1: memref<2000x128xi32, #tpu.memory_space<vmem>>, %arg2: memref<2000x128xi32, #tpu.memory_space<vmem>>, %arg3: memref<2000x256xf32, #tpu.memory_space<vmem>>, %arg4: memref<768x768xbf16, #tpu.memory_space<vmem>>, %arg5: memref<1x768xf32, #tpu.memory_space<vmem>>, %arg6: memref<768x512xbf16, #tpu.memory_space<vmem>>, %arg7: memref<1x512xf32, #tpu.memory_space<vmem>>, %arg8: memref<512x256xbf16, #tpu.memory_space<vmem>>, %arg9: memref<1x256xf32, #tpu.memory_space<vmem>>, %arg10: memref<2000x256xf32, #tpu.memory_space<vmem>>) attributes {dimension_semantics = [#tpu.dimension_semantics<arbitrary>], iteration_bounds = array<i64: 16>, scalar_prefetch = 0 : i64, scratch_operands = 0 : i64, tpu.core_type = #tpu.core_type<tc>, window_params = [{transform_indices = @transform_0, window_bounds = array<i64: 2000, 128>}, {transform_indices = @transform_1, window_bounds = array<i64: 2000, 128>}, {transform_indices = @transform_2, window_bounds = array<i64: 2000, 256>}, {pipeline_mode = #tpu.pipeline_mode<synchronous>, transform_indices = @transform_3, window_bounds = array<i64: 768, 768>}, {pipeline_mode = #tpu.pipeline_mode<synchronous>, transform_indices = @transform_4, window_bounds = array<i64: 1, 768>}, {pipeline_mode = #tpu.pipeline_mode<synchronous>, transform_indices = @transform_5, window_bounds = array<i64: 768, 512>}, {pipeline_mode = #tpu.pipeline_mode<synchronous>, transform_indices = @transform_6, window_bounds = array<i64: 1, 512>}, {pipeline_mode = #tpu.pipeline_mode<synchronous>, transform_indices = @transform_7, window_bounds = array<i64: 512, 256>}, {pipeline_mode = #tpu.pipeline_mode<synchronous>, transform_indices = @transform_8, window_bounds = array<i64: 1, 256>}, {transform_indices = @transform_9, window_bounds = array<i64: 2000, 256>}]} {
    %get3A = arith.constant 0 : index
    %get3A_0 = arith.constant 0 : index
    %get3A_1 = vector.load %arg1[%get3A, %get3A_0] : memref<2000x128xi32, #tpu.memory_space<vmem>>, vector<2000x128xi32>
    %shift_left3A = arith.constant 16 : i32
    %shift_left3A_2 = vector.broadcast %shift_left3A : i32 to vector<2000x128xi32>
    %shift_left3A_3 = arith.shli %get3A_1, %shift_left3A_2 : vector<2000x128xi32>
    %bitcast_convert_type3A = tpu.bitcast %shift_left3A_3 : vector<2000x128xi32> -> vector<2000x128xf32>
    %and3A = arith.constant -65536 : i32
    %and3A_4 = vector.broadcast %and3A : i32 to vector<2000x128xi32>
    %and3A_5 = arith.andi %get3A_1, %and3A_4 : vector<2000x128xi32>
    %bitcast_convert_type3A_6 = tpu.bitcast %and3A_5 : vector<2000x128xi32> -> vector<2000x128xf32>
    %get3A_7 = arith.constant 0 : index
    %get3A_8 = arith.constant 0 : index
    %get3A_9 = vector.load %arg2[%get3A_7, %get3A_8] : memref<2000x128xi32, #tpu.memory_space<vmem>>, vector<2000x128xi32>
    %shift_left3A_10 = arith.constant 16 : i32
    %shift_left3A_11 = vector.broadcast %shift_left3A_10 : i32 to vector<2000x128xi32>
    %shift_left3A_12 = arith.shli %get3A_9, %shift_left3A_11 : vector<2000x128xi32>
    %bitcast_convert_type3A_13 = tpu.bitcast %shift_left3A_12 : vector<2000x128xi32> -> vector<2000x128xf32>
    %and3A_14 = arith.constant -65536 : i32
    %and3A_15 = vector.broadcast %and3A_14 : i32 to vector<2000x128xi32>
    %and3A_16 = arith.andi %get3A_9, %and3A_15 : vector<2000x128xi32>
    %bitcast_convert_type3A_17 = tpu.bitcast %and3A_16 : vector<2000x128xi32> -> vector<2000x128xf32>
    %get3A_18 = arith.constant 0 : index
    %get3A_19 = arith.constant 0 : index
    %get3A_20 = vector.load %arg3[%get3A_18, %get3A_19] : memref<2000x256xf32, #tpu.memory_space<vmem>>, vector<2000x256xf32>
    %concatenate3A = tpu.concatenate %bitcast_convert_type3A, %bitcast_convert_type3A_6, %bitcast_convert_type3A_13, %bitcast_convert_type3A_17, %get3A_20 in 1 : vector<2000x128xf32>, vector<2000x128xf32>, vector<2000x128xf32>, vector<2000x128xf32>, vector<2000x256xf32> -> vector<2000x768xf32>
    %convert_element_type3A = arith.truncf %concatenate3A : vector<2000x768xf32> to vector<2000x768xbf16>
    %get3A_21 = arith.constant 0 : index
    %get3A_22 = arith.constant 0 : index
    %get3A_23 = vector.load %arg4[%get3A_21, %get3A_22] : memref<768x768xbf16, #tpu.memory_space<vmem>>, vector<768x768xbf16>
    %dot_general3A = arith.constant dense<0.000000e+00> : vector<2000x768xf32>
    %dot_general3A_24 = tpu.matmul %convert_element_type3A, %get3A_23, %dot_general3A {dimension_numbers = #tpu.dot_dimension_numbers<[1], [0], [0], [1], [0, 0, 1, 1], [], []>, transpose_lhs_hint = false} : vector<2000x768xbf16>, vector<768x768xbf16>, vector<2000x768xf32> -> vector<2000x768xf32>
    %get3A_25 = arith.constant 0 : index
    %get3A_26 = arith.constant 0 : index
    %get3A_27 = vector.load %arg5[%get3A_25, %get3A_26] : memref<1x768xf32, #tpu.memory_space<vmem>>, vector<1x768xf32>
    %add3A = vector.broadcast %get3A_27 : vector<1x768xf32> to vector<2000x768xf32>
    %add3A_28 = arith.addf %dot_general3A_24, %add3A : vector<2000x768xf32>
    %max3A = arith.constant 0.000000e+00 : f32
    %max3A_29 = vector.broadcast %max3A : f32 to vector<2000x768xf32>
    %max3A_30 = arith.maximumf %add3A_28, %max3A_29 : vector<2000x768xf32>
    %convert_element_type3A_31 = arith.truncf %max3A_30 : vector<2000x768xf32> to vector<2000x768xbf16>
    %get3A_32 = arith.constant 0 : index
    %get3A_33 = arith.constant 0 : index
    %get3A_34 = vector.load %arg6[%get3A_32, %get3A_33] : memref<768x512xbf16, #tpu.memory_space<vmem>>, vector<768x512xbf16>
    %dot_general3A_35 = arith.constant dense<0.000000e+00> : vector<2000x512xf32>
    %dot_general3A_36 = tpu.matmul %convert_element_type3A_31, %get3A_34, %dot_general3A_35 {dimension_numbers = #tpu.dot_dimension_numbers<[1], [0], [0], [1], [0, 0, 1, 1], [], []>, transpose_lhs_hint = false} : vector<2000x768xbf16>, vector<768x512xbf16>, vector<2000x512xf32> -> vector<2000x512xf32>
    %get3A_37 = arith.constant 0 : index
    %get3A_38 = arith.constant 0 : index
    %get3A_39 = vector.load %arg7[%get3A_37, %get3A_38] : memref<1x512xf32, #tpu.memory_space<vmem>>, vector<1x512xf32>
    %add3A_40 = vector.broadcast %get3A_39 : vector<1x512xf32> to vector<2000x512xf32>
    %add3A_41 = arith.addf %dot_general3A_36, %add3A_40 : vector<2000x512xf32>
    %max3A_42 = arith.constant 0.000000e+00 : f32
    %max3A_43 = vector.broadcast %max3A_42 : f32 to vector<2000x512xf32>
    %max3A_44 = arith.maximumf %add3A_41, %max3A_43 : vector<2000x512xf32>
    %convert_element_type3A_45 = arith.truncf %max3A_44 : vector<2000x512xf32> to vector<2000x512xbf16>
    %get3A_46 = arith.constant 0 : index
    %get3A_47 = arith.constant 0 : index
    %get3A_48 = vector.load %arg8[%get3A_46, %get3A_47] : memref<512x256xbf16, #tpu.memory_space<vmem>>, vector<512x256xbf16>
    %dot_general3A_49 = arith.constant dense<0.000000e+00> : vector<2000x256xf32>
    %dot_general3A_50 = tpu.matmul %convert_element_type3A_45, %get3A_48, %dot_general3A_49 {dimension_numbers = #tpu.dot_dimension_numbers<[1], [0], [0], [1], [0, 0, 1, 1], [], []>, transpose_lhs_hint = false} : vector<2000x512xbf16>, vector<512x256xbf16>, vector<2000x256xf32> -> vector<2000x256xf32>
    %get3A_51 = arith.constant 0 : index
    %get3A_52 = arith.constant 0 : index
    %get3A_53 = vector.load %arg9[%get3A_51, %get3A_52] : memref<1x256xf32, #tpu.memory_space<vmem>>, vector<1x256xf32>
    %add3A_54 = vector.broadcast %get3A_53 : vector<1x256xf32> to vector<2000x256xf32>
    %add3A_55 = arith.addf %dot_general3A_50, %add3A_54 : vector<2000x256xf32>
    %swap3A = arith.constant 0 : index
    %swap3A_56 = arith.constant 0 : index
    %swap3A_57 = vector.load %arg10[%swap3A, %swap3A_56] : memref<2000x256xf32, #tpu.memory_space<vmem>>, vector<2000x256xf32>
    tpu.vector_store %arg10[%swap3A, %swap3A_56], %add3A_55 {strides = array<i32>} : memref<2000x256xf32, #tpu.memory_space<vmem>>, vector<2000x256xf32>,
    return
  }
  func.func @transform_0(%arg0: i32) -> (i32, i32) {
    %c0_i32 = arith.constant 0 : i32
    %c0_i32_0 = arith.constant 0 : i32
    return %arg0, %c0_i32 : i32, i32
  }
  func.func @transform_1(%arg0: i32) -> (i32, i32) {
    %c0_i32 = arith.constant 0 : i32
    %c0_i32_0 = arith.constant 0 : i32
    return %arg0, %c0_i32 : i32, i32
  }
  func.func @transform_2(%arg0: i32) -> (i32, i32) {
    %add3A = arith.constant 32 : i32
    %add3A_0 = arith.addi %arg0, %add3A : i32
    %c0_i32 = arith.constant 0 : i32
    %c0_i32_1 = arith.constant 0 : i32
    return %add3A_0, %c0_i32 : i32, i32
  }
  func.func @transform_3(%arg0: i32) -> (i32, i32) {
    %c0_i32 = arith.constant 0 : i32
    %c0_i32_0 = arith.constant 0 : i32
    %c0_i32_1 = arith.constant 0 : i32
    return %c0_i32, %c0_i32_0 : i32, i32
  }
  func.func @transform_4(%arg0: i32) -> (i32, i32) {
    %c0_i32 = arith.constant 0 : i32
    %c0_i32_0 = arith.constant 0 : i32
    %c0_i32_1 = arith.constant 0 : i32
    return %c0_i32, %c0_i32_0 : i32, i32
  }
  func.func @transform_5(%arg0: i32) -> (i32, i32) {
    %c0_i32 = arith.constant 0 : i32
    %c0_i32_0 = arith.constant 0 : i32
    %c0_i32_1 = arith.constant 0 : i32
    return %c0_i32, %c0_i32_0 : i32, i32
  }
  func.func @transform_6(%arg0: i32) -> (i32, i32) {
    %c0_i32 = arith.constant 0 : i32
    %c0_i32_0 = arith.constant 0 : i32
    %c0_i32_1 = arith.constant 0 : i32
    return %c0_i32, %c0_i32_0 : i32, i32
  }
  func.func @transform_7(%arg0: i32) -> (i32, i32) {
    %c0_i32 = arith.constant 0 : i32
    %c0_i32_0 = arith.constant 0 : i32
    %c0_i32_1 = arith.constant 0 : i32
    return %c0_i32, %c0_i32_0 : i32, i32
  }
  func.func @transform_8(%arg0: i32) -> (i32, i32) {
    %c0_i32 = arith.constant 0 : i32
    %c0_i32_0 = arith.constant 0 : i32
    %c0_i32_1 = arith.constant 0 : i32
    return %c0_i32, %c0_i32_0 : i32, i32
  }
  func.func @transform_9(%arg0: i32) -> (i32, i32) {
    %c0_i32 = arith.constant 0 : i32
    %c0_i32_0 = arith.constant 0 : i32
    return %arg0, %c0_i32 : i32, i32
  }
}

module attributes {stable_mosaic.version = 14 : i64} {
  func.func @edge_mlp_96000(%arg0: i32, %arg1: memref<2000x128xi32, #tpu.memory_space<vmem>>, %arg2: memref<2000x128xi32, #tpu.memory_space<vmem>>, %arg3: memref<2000x256xf32, #tpu.memory_space<vmem>>, %arg4: memref<768x768xbf16, #tpu.memory_space<vmem>>, %arg5: memref<1x768xf32, #tpu.memory_space<vmem>>, %arg6: memref<768x512xbf16, #tpu.memory_space<vmem>>, %arg7: memref<1x512xf32, #tpu.memory_space<vmem>>, %arg8: memref<512x256xbf16, #tpu.memory_space<vmem>>, %arg9: memref<1x256xf32, #tpu.memory_space<vmem>>, %arg10: memref<2000x256xf32, #tpu.memory_space<vmem>>) attributes {dimension_semantics = [#tpu.dimension_semantics<arbitrary>], iteration_bounds = array<i64: 16>, scalar_prefetch = 0 : i64, scratch_operands = 0 : i64, tpu.core_type = #tpu.core_type<tc>, window_params = [{transform_indices = @transform_0, window_bounds = array<i64: 2000, 128>}, {transform_indices = @transform_1, window_bounds = array<i64: 2000, 128>}, {transform_indices = @transform_2, window_bounds = array<i64: 2000, 256>}, {pipeline_mode = #tpu.pipeline_mode<synchronous>, transform_indices = @transform_3, window_bounds = array<i64: 768, 768>}, {pipeline_mode = #tpu.pipeline_mode<synchronous>, transform_indices = @transform_4, window_bounds = array<i64: 1, 768>}, {pipeline_mode = #tpu.pipeline_mode<synchronous>, transform_indices = @transform_5, window_bounds = array<i64: 768, 512>}, {pipeline_mode = #tpu.pipeline_mode<synchronous>, transform_indices = @transform_6, window_bounds = array<i64: 1, 512>}, {pipeline_mode = #tpu.pipeline_mode<synchronous>, transform_indices = @transform_7, window_bounds = array<i64: 512, 256>}, {pipeline_mode = #tpu.pipeline_mode<synchronous>, transform_indices = @transform_8, window_bounds = array<i64: 1, 256>}, {transform_indices = @transform_9, window_bounds = array<i64: 2000, 256>}]} {
    %get3A = arith.constant 0 : index
    %get3A_0 = arith.constant 0 : index
    %get3A_1 = vector.load %arg1[%get3A, %get3A_0] : memref<2000x128xi32, #tpu.memory_space<vmem>>, vector<2000x128xi32>
    %shift_left3A = arith.constant 16 : i32
    %shift_left3A_2 = vector.broadcast %shift_left3A : i32 to vector<2000x128xi32>
    %shift_left3A_3 = arith.shli %get3A_1, %shift_left3A_2 : vector<2000x128xi32>
    %bitcast_convert_type3A = tpu.bitcast %shift_left3A_3 : vector<2000x128xi32> -> vector<2000x128xf32>
    %and3A = arith.constant -65536 : i32
    %and3A_4 = vector.broadcast %and3A : i32 to vector<2000x128xi32>
    %and3A_5 = arith.andi %get3A_1, %and3A_4 : vector<2000x128xi32>
    %bitcast_convert_type3A_6 = tpu.bitcast %and3A_5 : vector<2000x128xi32> -> vector<2000x128xf32>
    %get3A_7 = arith.constant 0 : index
    %get3A_8 = arith.constant 0 : index
    %get3A_9 = vector.load %arg2[%get3A_7, %get3A_8] : memref<2000x128xi32, #tpu.memory_space<vmem>>, vector<2000x128xi32>
    %shift_left3A_10 = arith.constant 16 : i32
    %shift_left3A_11 = vector.broadcast %shift_left3A_10 : i32 to vector<2000x128xi32>
    %shift_left3A_12 = arith.shli %get3A_9, %shift_left3A_11 : vector<2000x128xi32>
    %bitcast_convert_type3A_13 = tpu.bitcast %shift_left3A_12 : vector<2000x128xi32> -> vector<2000x128xf32>
    %and3A_14 = arith.constant -65536 : i32
    %and3A_15 = vector.broadcast %and3A_14 : i32 to vector<2000x128xi32>
    %and3A_16 = arith.andi %get3A_9, %and3A_15 : vector<2000x128xi32>
    %bitcast_convert_type3A_17 = tpu.bitcast %and3A_16 : vector<2000x128xi32> -> vector<2000x128xf32>
    %get3A_18 = arith.constant 0 : index
    %get3A_19 = arith.constant 0 : index
    %get3A_20 = vector.load %arg3[%get3A_18, %get3A_19] : memref<2000x256xf32, #tpu.memory_space<vmem>>, vector<2000x256xf32>
    %concatenate3A = tpu.concatenate %bitcast_convert_type3A, %bitcast_convert_type3A_6, %bitcast_convert_type3A_13, %bitcast_convert_type3A_17, %get3A_20 in 1 : vector<2000x128xf32>, vector<2000x128xf32>, vector<2000x128xf32>, vector<2000x128xf32>, vector<2000x256xf32> -> vector<2000x768xf32>
    %convert_element_type3A = arith.truncf %concatenate3A : vector<2000x768xf32> to vector<2000x768xbf16>
    %get3A_21 = arith.constant 0 : index
    %get3A_22 = arith.constant 0 : index
    %get3A_23 = vector.load %arg4[%get3A_21, %get3A_22] : memref<768x768xbf16, #tpu.memory_space<vmem>>, vector<768x768xbf16>
    %dot_general3A = arith.constant dense<0.000000e+00> : vector<2000x768xf32>
    %dot_general3A_24 = tpu.matmul %convert_element_type3A, %get3A_23, %dot_general3A {dimension_numbers = #tpu.dot_dimension_numbers<[1], [0], [0], [1], [0, 0, 1, 1], [], []>, transpose_lhs_hint = false} : vector<2000x768xbf16>, vector<768x768xbf16>, vector<2000x768xf32> -> vector<2000x768xf32>
    %get3A_25 = arith.constant 0 : index
    %get3A_26 = arith.constant 0 : index
    %get3A_27 = vector.load %arg5[%get3A_25, %get3A_26] : memref<1x768xf32, #tpu.memory_space<vmem>>, vector<1x768xf32>
    %add3A = vector.broadcast %get3A_27 : vector<1x768xf32> to vector<2000x768xf32>
    %add3A_28 = arith.addf %dot_general3A_24, %add3A : vector<2000x768xf32>
    %max3A = arith.constant 0.000000e+00 : f32
    %max3A_29 = vector.broadcast %max3A : f32 to vector<2000x768xf32>
    %max3A_30 = arith.maximumf %add3A_28, %max3A_29 : vector<2000x768xf32>
    %convert_element_type3A_31 = arith.truncf %max3A_30 : vector<2000x768xf32> to vector<2000x768xbf16>
    %get3A_32 = arith.constant 0 : index
    %get3A_33 = arith.constant 0 : index
    %get3A_34 = vector.load %arg6[%get3A_32, %get3A_33] : memref<768x512xbf16, #tpu.memory_space<vmem>>, vector<768x512xbf16>
    %dot_general3A_35 = arith.constant dense<0.000000e+00> : vector<2000x512xf32>
    %dot_general3A_36 = tpu.matmul %convert_element_type3A_31, %get3A_34, %dot_general3A_35 {dimension_numbers = #tpu.dot_dimension_numbers<[1], [0], [0], [1], [0, 0, 1, 1], [], []>, transpose_lhs_hint = false} : vector<2000x768xbf16>, vector<768x512xbf16>, vector<2000x512xf32> -> vector<2000x512xf32>
    %get3A_37 = arith.constant 0 : index
    %get3A_38 = arith.constant 0 : index
    %get3A_39 = vector.load %arg7[%get3A_37, %get3A_38] : memref<1x512xf32, #tpu.memory_space<vmem>>, vector<1x512xf32>
    %add3A_40 = vector.broadcast %get3A_39 : vector<1x512xf32> to vector<2000x512xf32>
    %add3A_41 = arith.addf %dot_general3A_36, %add3A_40 : vector<2000x512xf32>
    %max3A_42 = arith.constant 0.000000e+00 : f32
    %max3A_43 = vector.broadcast %max3A_42 : f32 to vector<2000x512xf32>
    %max3A_44 = arith.maximumf %add3A_41, %max3A_43 : vector<2000x512xf32>
    %convert_element_type3A_45 = arith.truncf %max3A_44 : vector<2000x512xf32> to vector<2000x512xbf16>
    %get3A_46 = arith.constant 0 : index
    %get3A_47 = arith.constant 0 : index
    %get3A_48 = vector.load %arg8[%get3A_46, %get3A_47] : memref<512x256xbf16, #tpu.memory_space<vmem>>, vector<512x256xbf16>
    %dot_general3A_49 = arith.constant dense<0.000000e+00> : vector<2000x256xf32>
    %dot_general3A_50 = tpu.matmul %convert_element_type3A_45, %get3A_48, %dot_general3A_49 {dimension_numbers = #tpu.dot_dimension_numbers<[1], [0], [0], [1], [0, 0, 1, 1], [], []>, transpose_lhs_hint = false} : vector<2000x512xbf16>, vector<512x256xbf16>, vector<2000x256xf32> -> vector<2000x256xf32>
    %get3A_51 = arith.constant 0 : index
    %get3A_52 = arith.constant 0 : index
    %get3A_53 = vector.load %arg9[%get3A_51, %get3A_52] : memref<1x256xf32, #tpu.memory_space<vmem>>, vector<1x256xf32>
    %add3A_54 = vector.broadcast %get3A_53 : vector<1x256xf32> to vector<2000x256xf32>
    %add3A_55 = arith.addf %dot_general3A_50, %add3A_54 : vector<2000x256xf32>
    %swap3A = arith.constant 0 : index
    %swap3A_56 = arith.constant 0 : index
    %swap3A_57 = vector.load %arg10[%swap3A, %swap3A_56] : memref<2000x256xf32, #tpu.memory_space<vmem>>, vector<2000x256xf32>
    tpu.vector_store %arg10[%swap3A, %swap3A_56], %add3A_55 {strides = array<i32>} : memref<2000x256xf32, #tpu.memory_space<vmem>>, vector<2000x256xf32>,
    return
  }
  func.func @transform_0(%arg0: i32) -> (i32, i32) {
    %c0_i32 = arith.constant 0 : i32
    %c0_i32_0 = arith.constant 0 : i32
    return %arg0, %c0_i32 : i32, i32
  }
  func.func @transform_1(%arg0: i32) -> (i32, i32) {
    %c0_i32 = arith.constant 0 : i32
    %c0_i32_0 = arith.constant 0 : i32
    return %arg0, %c0_i32 : i32, i32
  }
  func.func @transform_2(%arg0: i32) -> (i32, i32) {
    %add3A = arith.constant 48 : i32
    %add3A_0 = arith.addi %arg0, %add3A : i32
    %c0_i32 = arith.constant 0 : i32
    %c0_i32_1 = arith.constant 0 : i32
    return %add3A_0, %c0_i32 : i32, i32
  }
  func.func @transform_3(%arg0: i32) -> (i32, i32) {
    %c0_i32 = arith.constant 0 : i32
    %c0_i32_0 = arith.constant 0 : i32
    %c0_i32_1 = arith.constant 0 : i32
    return %c0_i32, %c0_i32_0 : i32, i32
  }
  func.func @transform_4(%arg0: i32) -> (i32, i32) {
    %c0_i32 = arith.constant 0 : i32
    %c0_i32_0 = arith.constant 0 : i32
    %c0_i32_1 = arith.constant 0 : i32
    return %c0_i32, %c0_i32_0 : i32, i32
  }
  func.func @transform_5(%arg0: i32) -> (i32, i32) {
    %c0_i32 = arith.constant 0 : i32
    %c0_i32_0 = arith.constant 0 : i32
    %c0_i32_1 = arith.constant 0 : i32
    return %c0_i32, %c0_i32_0 : i32, i32
  }
  func.func @transform_6(%arg0: i32) -> (i32, i32) {
    %c0_i32 = arith.constant 0 : i32
    %c0_i32_0 = arith.constant 0 : i32
    %c0_i32_1 = arith.constant 0 : i32
    return %c0_i32, %c0_i32_0 : i32, i32
  }
  func.func @transform_7(%arg0: i32) -> (i32, i32) {
    %c0_i32 = arith.constant 0 : i32
    %c0_i32_0 = arith.constant 0 : i32
    %c0_i32_1 = arith.constant 0 : i32
    return %c0_i32, %c0_i32_0 : i32, i32
  }
  func.func @transform_8(%arg0: i32) -> (i32, i32) {
    %c0_i32 = arith.constant 0 : i32
    %c0_i32_0 = arith.constant 0 : i32
    %c0_i32_1 = arith.constant 0 : i32
    return %c0_i32, %c0_i32_0 : i32, i32
  }
  func.func @transform_9(%arg0: i32) -> (i32, i32) {
    %c0_i32 = arith.constant 0 : i32
    %c0_i32_0 = arith.constant 0 : i32
    return %arg0, %c0_i32 : i32, i32
  }
}

module attributes {stable_mosaic.version = 14 : i64} {
  func.func @edge_mlp_128000(%arg0: i32, %arg1: memref<2000x128xi32, #tpu.memory_space<vmem>>, %arg2: memref<2000x128xi32, #tpu.memory_space<vmem>>, %arg3: memref<2000x256xf32, #tpu.memory_space<vmem>>, %arg4: memref<768x768xbf16, #tpu.memory_space<vmem>>, %arg5: memref<1x768xf32, #tpu.memory_space<vmem>>, %arg6: memref<768x512xbf16, #tpu.memory_space<vmem>>, %arg7: memref<1x512xf32, #tpu.memory_space<vmem>>, %arg8: memref<512x256xbf16, #tpu.memory_space<vmem>>, %arg9: memref<1x256xf32, #tpu.memory_space<vmem>>, %arg10: memref<2000x256xf32, #tpu.memory_space<vmem>>) attributes {dimension_semantics = [#tpu.dimension_semantics<arbitrary>], iteration_bounds = array<i64: 16>, scalar_prefetch = 0 : i64, scratch_operands = 0 : i64, tpu.core_type = #tpu.core_type<tc>, window_params = [{transform_indices = @transform_0, window_bounds = array<i64: 2000, 128>}, {transform_indices = @transform_1, window_bounds = array<i64: 2000, 128>}, {transform_indices = @transform_2, window_bounds = array<i64: 2000, 256>}, {pipeline_mode = #tpu.pipeline_mode<synchronous>, transform_indices = @transform_3, window_bounds = array<i64: 768, 768>}, {pipeline_mode = #tpu.pipeline_mode<synchronous>, transform_indices = @transform_4, window_bounds = array<i64: 1, 768>}, {pipeline_mode = #tpu.pipeline_mode<synchronous>, transform_indices = @transform_5, window_bounds = array<i64: 768, 512>}, {pipeline_mode = #tpu.pipeline_mode<synchronous>, transform_indices = @transform_6, window_bounds = array<i64: 1, 512>}, {pipeline_mode = #tpu.pipeline_mode<synchronous>, transform_indices = @transform_7, window_bounds = array<i64: 512, 256>}, {pipeline_mode = #tpu.pipeline_mode<synchronous>, transform_indices = @transform_8, window_bounds = array<i64: 1, 256>}, {transform_indices = @transform_9, window_bounds = array<i64: 2000, 256>}]} {
    %get3A = arith.constant 0 : index
    %get3A_0 = arith.constant 0 : index
    %get3A_1 = vector.load %arg1[%get3A, %get3A_0] : memref<2000x128xi32, #tpu.memory_space<vmem>>, vector<2000x128xi32>
    %shift_left3A = arith.constant 16 : i32
    %shift_left3A_2 = vector.broadcast %shift_left3A : i32 to vector<2000x128xi32>
    %shift_left3A_3 = arith.shli %get3A_1, %shift_left3A_2 : vector<2000x128xi32>
    %bitcast_convert_type3A = tpu.bitcast %shift_left3A_3 : vector<2000x128xi32> -> vector<2000x128xf32>
    %and3A = arith.constant -65536 : i32
    %and3A_4 = vector.broadcast %and3A : i32 to vector<2000x128xi32>
    %and3A_5 = arith.andi %get3A_1, %and3A_4 : vector<2000x128xi32>
    %bitcast_convert_type3A_6 = tpu.bitcast %and3A_5 : vector<2000x128xi32> -> vector<2000x128xf32>
    %get3A_7 = arith.constant 0 : index
    %get3A_8 = arith.constant 0 : index
    %get3A_9 = vector.load %arg2[%get3A_7, %get3A_8] : memref<2000x128xi32, #tpu.memory_space<vmem>>, vector<2000x128xi32>
    %shift_left3A_10 = arith.constant 16 : i32
    %shift_left3A_11 = vector.broadcast %shift_left3A_10 : i32 to vector<2000x128xi32>
    %shift_left3A_12 = arith.shli %get3A_9, %shift_left3A_11 : vector<2000x128xi32>
    %bitcast_convert_type3A_13 = tpu.bitcast %shift_left3A_12 : vector<2000x128xi32> -> vector<2000x128xf32>
    %and3A_14 = arith.constant -65536 : i32
    %and3A_15 = vector.broadcast %and3A_14 : i32 to vector<2000x128xi32>
    %and3A_16 = arith.andi %get3A_9, %and3A_15 : vector<2000x128xi32>
    %bitcast_convert_type3A_17 = tpu.bitcast %and3A_16 : vector<2000x128xi32> -> vector<2000x128xf32>
    %get3A_18 = arith.constant 0 : index
    %get3A_19 = arith.constant 0 : index
    %get3A_20 = vector.load %arg3[%get3A_18, %get3A_19] : memref<2000x256xf32, #tpu.memory_space<vmem>>, vector<2000x256xf32>
    %concatenate3A = tpu.concatenate %bitcast_convert_type3A, %bitcast_convert_type3A_6, %bitcast_convert_type3A_13, %bitcast_convert_type3A_17, %get3A_20 in 1 : vector<2000x128xf32>, vector<2000x128xf32>, vector<2000x128xf32>, vector<2000x128xf32>, vector<2000x256xf32> -> vector<2000x768xf32>
    %convert_element_type3A = arith.truncf %concatenate3A : vector<2000x768xf32> to vector<2000x768xbf16>
    %get3A_21 = arith.constant 0 : index
    %get3A_22 = arith.constant 0 : index
    %get3A_23 = vector.load %arg4[%get3A_21, %get3A_22] : memref<768x768xbf16, #tpu.memory_space<vmem>>, vector<768x768xbf16>
    %dot_general3A = arith.constant dense<0.000000e+00> : vector<2000x768xf32>
    %dot_general3A_24 = tpu.matmul %convert_element_type3A, %get3A_23, %dot_general3A {dimension_numbers = #tpu.dot_dimension_numbers<[1], [0], [0], [1], [0, 0, 1, 1], [], []>, transpose_lhs_hint = false} : vector<2000x768xbf16>, vector<768x768xbf16>, vector<2000x768xf32> -> vector<2000x768xf32>
    %get3A_25 = arith.constant 0 : index
    %get3A_26 = arith.constant 0 : index
    %get3A_27 = vector.load %arg5[%get3A_25, %get3A_26] : memref<1x768xf32, #tpu.memory_space<vmem>>, vector<1x768xf32>
    %add3A = vector.broadcast %get3A_27 : vector<1x768xf32> to vector<2000x768xf32>
    %add3A_28 = arith.addf %dot_general3A_24, %add3A : vector<2000x768xf32>
    %max3A = arith.constant 0.000000e+00 : f32
    %max3A_29 = vector.broadcast %max3A : f32 to vector<2000x768xf32>
    %max3A_30 = arith.maximumf %add3A_28, %max3A_29 : vector<2000x768xf32>
    %convert_element_type3A_31 = arith.truncf %max3A_30 : vector<2000x768xf32> to vector<2000x768xbf16>
    %get3A_32 = arith.constant 0 : index
    %get3A_33 = arith.constant 0 : index
    %get3A_34 = vector.load %arg6[%get3A_32, %get3A_33] : memref<768x512xbf16, #tpu.memory_space<vmem>>, vector<768x512xbf16>
    %dot_general3A_35 = arith.constant dense<0.000000e+00> : vector<2000x512xf32>
    %dot_general3A_36 = tpu.matmul %convert_element_type3A_31, %get3A_34, %dot_general3A_35 {dimension_numbers = #tpu.dot_dimension_numbers<[1], [0], [0], [1], [0, 0, 1, 1], [], []>, transpose_lhs_hint = false} : vector<2000x768xbf16>, vector<768x512xbf16>, vector<2000x512xf32> -> vector<2000x512xf32>
    %get3A_37 = arith.constant 0 : index
    %get3A_38 = arith.constant 0 : index
    %get3A_39 = vector.load %arg7[%get3A_37, %get3A_38] : memref<1x512xf32, #tpu.memory_space<vmem>>, vector<1x512xf32>
    %add3A_40 = vector.broadcast %get3A_39 : vector<1x512xf32> to vector<2000x512xf32>
    %add3A_41 = arith.addf %dot_general3A_36, %add3A_40 : vector<2000x512xf32>
    %max3A_42 = arith.constant 0.000000e+00 : f32
    %max3A_43 = vector.broadcast %max3A_42 : f32 to vector<2000x512xf32>
    %max3A_44 = arith.maximumf %add3A_41, %max3A_43 : vector<2000x512xf32>
    %convert_element_type3A_45 = arith.truncf %max3A_44 : vector<2000x512xf32> to vector<2000x512xbf16>
    %get3A_46 = arith.constant 0 : index
    %get3A_47 = arith.constant 0 : index
    %get3A_48 = vector.load %arg8[%get3A_46, %get3A_47] : memref<512x256xbf16, #tpu.memory_space<vmem>>, vector<512x256xbf16>
    %dot_general3A_49 = arith.constant dense<0.000000e+00> : vector<2000x256xf32>
    %dot_general3A_50 = tpu.matmul %convert_element_type3A_45, %get3A_48, %dot_general3A_49 {dimension_numbers = #tpu.dot_dimension_numbers<[1], [0], [0], [1], [0, 0, 1, 1], [], []>, transpose_lhs_hint = false} : vector<2000x512xbf16>, vector<512x256xbf16>, vector<2000x256xf32> -> vector<2000x256xf32>
    %get3A_51 = arith.constant 0 : index
    %get3A_52 = arith.constant 0 : index
    %get3A_53 = vector.load %arg9[%get3A_51, %get3A_52] : memref<1x256xf32, #tpu.memory_space<vmem>>, vector<1x256xf32>
    %add3A_54 = vector.broadcast %get3A_53 : vector<1x256xf32> to vector<2000x256xf32>
    %add3A_55 = arith.addf %dot_general3A_50, %add3A_54 : vector<2000x256xf32>
    %swap3A = arith.constant 0 : index
    %swap3A_56 = arith.constant 0 : index
    %swap3A_57 = vector.load %arg10[%swap3A, %swap3A_56] : memref<2000x256xf32, #tpu.memory_space<vmem>>, vector<2000x256xf32>
    tpu.vector_store %arg10[%swap3A, %swap3A_56], %add3A_55 {strides = array<i32>} : memref<2000x256xf32, #tpu.memory_space<vmem>>, vector<2000x256xf32>,
    return
  }
  func.func @transform_0(%arg0: i32) -> (i32, i32) {
    %c0_i32 = arith.constant 0 : i32
    %c0_i32_0 = arith.constant 0 : i32
    return %arg0, %c0_i32 : i32, i32
  }
  func.func @transform_1(%arg0: i32) -> (i32, i32) {
    %c0_i32 = arith.constant 0 : i32
    %c0_i32_0 = arith.constant 0 : i32
    return %arg0, %c0_i32 : i32, i32
  }
  func.func @transform_2(%arg0: i32) -> (i32, i32) {
    %add3A = arith.constant 64 : i32
    %add3A_0 = arith.addi %arg0, %add3A : i32
    %c0_i32 = arith.constant 0 : i32
    %c0_i32_1 = arith.constant 0 : i32
    return %add3A_0, %c0_i32 : i32, i32
  }
  func.func @transform_3(%arg0: i32) -> (i32, i32) {
    %c0_i32 = arith.constant 0 : i32
    %c0_i32_0 = arith.constant 0 : i32
    %c0_i32_1 = arith.constant 0 : i32
    return %c0_i32, %c0_i32_0 : i32, i32
  }
  func.func @transform_4(%arg0: i32) -> (i32, i32) {
    %c0_i32 = arith.constant 0 : i32
    %c0_i32_0 = arith.constant 0 : i32
    %c0_i32_1 = arith.constant 0 : i32
    return %c0_i32, %c0_i32_0 : i32, i32
  }
  func.func @transform_5(%arg0: i32) -> (i32, i32) {
    %c0_i32 = arith.constant 0 : i32
    %c0_i32_0 = arith.constant 0 : i32
    %c0_i32_1 = arith.constant 0 : i32
    return %c0_i32, %c0_i32_0 : i32, i32
  }
  func.func @transform_6(%arg0: i32) -> (i32, i32) {
    %c0_i32 = arith.constant 0 : i32
    %c0_i32_0 = arith.constant 0 : i32
    %c0_i32_1 = arith.constant 0 : i32
    return %c0_i32, %c0_i32_0 : i32, i32
  }
  func.func @transform_7(%arg0: i32) -> (i32, i32) {
    %c0_i32 = arith.constant 0 : i32
    %c0_i32_0 = arith.constant 0 : i32
    %c0_i32_1 = arith.constant 0 : i32
    return %c0_i32, %c0_i32_0 : i32, i32
  }
  func.func @transform_8(%arg0: i32) -> (i32, i32) {
    %c0_i32 = arith.constant 0 : i32
    %c0_i32_0 = arith.constant 0 : i32
    %c0_i32_1 = arith.constant 0 : i32
    return %c0_i32, %c0_i32_0 : i32, i32
  }
  func.func @transform_9(%arg0: i32) -> (i32, i32) {
    %c0_i32 = arith.constant 0 : i32
    %c0_i32_0 = arith.constant 0 : i32
    return %arg0, %c0_i32 : i32, i32
  }
}

</mosaic_0001>

<sc_bundles>
// kernel: edge_gather_0.3.cloned.1.call-start
scs
__scs_entry_jumppad:
0x0: {  	(pc) =	sbr.rel $0x88, $3  }
0x1: {  	(tag) =	ssettag $0x0;
	lr =	simm.s32 $0x1  }
0x2: {  	[smem:$0x3F96] =	sst lr;
	_ =	strace $0xD0000000  }
0x3: {  	_ = 	snop  }
0x4: {  	_ = 	snop  }
0x5: {  	_ = 	snop  }
0x6: {  	_ = 	snop  }
0x7: {  	_ = 	snop  }
__scs_overlays_trampoline_lowered:
0x8: {  	[smem:$0x3FA5] =	sst s0  }
0x9: {  	[smem:$0x3FA6] =	sst s1  }
0xa: {  	[smem:$0x3FA7] =	sst s2  }
0xb: {  	[smem:$0x3FA8] =	sst s3  }
0xc: {  	[smem:$0x3FA9] =	sst s4  }
0xd: {  	[smem:$0x3FAA] =	sst s5  }
0xe: {  	[smem:$0x3FAB] =	sst s6  }
0xf: {  	[smem:$0x3FAC] =	sst s7  }
0x10: {  	[smem:$0x3FAD] =	sst s8  }
0x11: {  	[smem:$0x3FAE] =	sst s9;
	s0 =	simm.s32 @!p0 $0x0  }
0x12: {  	s1 =	sld [smem:$0x3F94];
	s0 =	simm.s32 @p0 $0x1  }
0x13: {  	[smem:$0x3FAF] =	sst s0;
	s0 =	simm.s32 @!p1 $0x0  }
0x14: {  	s2 =	sld [smem:$0x3F93];
	s0 =	simm.s32 @p1 $0x1  }
0x15: {  	[smem:$0x3FB0] =	sst s0;
	s0 =	simm.s32 @!p2 $0x0  }
0x16: {  	s3 =	sld [smem:$0x3FDB];
	s0 =	simm.s32 @p2 $0x1  }
0x17: {  	s4 =	simm.s32 $0x1BF5;
	[smem:$0x3FB2] =	sst s0  }
0x18: {  	s0 =	sld [smem:$0x3F95];
	_ =	swait.ge [sflag:s4], $0x0  }
0x19: {  	s7 =	sld [smem:$0x3F96]  }
0x1a: {  	s8 =	sadd.s32 $0xFFFFE003, lr  }
0x1b: {  	s9 =	sadd.s32 $0xFFFFFEF7, lr;
	s5 =	simm.s32 $0xFFFFFFFF;
	p2 =	slt.u32 s8, $0xFFFFF086  }
0x1c: {  	p1 =	slt.u32 s9, $0xF7A;
	s5 =	simm.s32 @!p2 $0x0  }
0x1d: {  	s5 =	simm.s32 @p1 $0x1;
	p0 =	seq.s32 s7, s2  }
0x1e: {  	s7 =	smul.u32 @!p0 $0xF7A, s2;
	p2 =	seq.s32 @!p0 s5, $0x0  }
0x1f: {  	s9 =	smul.u32 $0xF7A, s1;
	s8 =	simm.s32 @!p0 $0x1BF5;
	p2 =	por !p2, p0  }
0x20: {  	[sflag:s8] =	ssyncset.s32 @!p0 $0xFFFFF086;
	s6 =	sadd.s32 @!p0 s3, s7;
	s7 =	simm.s32 @!p0 $0x108  }
0x21: {  	s3 =	sadd.s32 s3, s9;
	s6 =	sadd.s32 @!p0 $0x88, s6;
	s7 =	simm.s32 @p2 $0x1082  }
0x22: {  	[simem:s7], [sflag:s8] =	dma.local @!p0 [hbm:s6], $0xF7A  }
0x23: {  	s9 =	sor.u32 $0xD0000000, s2;
	s6 =	simm.s32 $0x108;
	_ =	swait.ge @!p0 [sflag:s8], $0x0  }
0x24: {  	s3 =	sadd.s32 $0x88, s3;
	s6 =	simm.s32 @!p1 $0x1082;
	[sflag:s4] =	ssyncset.s32 $0xFFFFF086  }
0x25: {  	[simem:s6], [sflag:s4] =	dma.local [hbm:s3], $0xF7A  }
0x26: {  	[smem:$0x3F96] =	sst s1;
	(tag) =	ssettag s2;
	_ =	strace s9  }
0x27: {  	s1 =	sld [smem:$0x3FA6]  }
0x28: {  	s2 =	sld [smem:$0x3FA7]  }
0x29: {  	s4 =	sld [smem:$0x3FA9]  }
0x2a: {  	p0 =	seq.s32 s5, $0x0;
	s5 =	sld [smem:$0x3FAA]  }
0x2b: {  	s6 =	sld [smem:$0x3FAB]  }
0x2c: {  	s7 =	sld [smem:$0x3FAC]  }
0x2d: {  	s3 =	simm.s32 $0x108;
	s8 =	sld [smem:$0x3FAD]  }
0x2e: {  	s3 =	simm.s32 @!p0 $0x1082;
	s9 =	sld [smem:$0x3FAE]  }
0x2f: {  	lr =	sadd.s32 s0, s3;
	s0 =	sld [smem:$0x3FA5]  }
0x30: {  	s3 =	sld [smem:$0x3FA8]  }
0x31: {  	[smem:$0x3FB1] =	sst s10  }
0x32: {  	s10 =	sld [smem:$0x3FAF];
	_ =	sdelay $0x3  }
0x33: {  	p0 =	seq.s32 s10, $0x1;
	s10 =	sld [smem:$0x3FB1];
	_ =	sdelay $0x3  }
0x34: {  	[smem:$0x3FB1] =	sst s10  }
0x35: {  	s10 =	sld [smem:$0x3FB0];
	_ =	sdelay $0x3  }
0x36: {  	p1 =	seq.s32 s10, $0x1;
	s10 =	sld [smem:$0x3FB1];
	_ =	sdelay $0x3  }
0x37: {  	[smem:$0x3FB1] =	sst s10  }
0x38: {  	s10 =	sld [smem:$0x3FB2]  }
0x39: {  	_ = 	snop;
	(pc) =	sbr.ind lr, $3  }
0x3a: {  	_ = 	snop  }
0x3b: {  	_ = 	snop  }
0x3c: {  	p2 =	seq.s32 s10, $0x1;
	s10 =	sld [smem:$0x3FB1]  }
0x3d: {  	_ =	shalt  }
0x3e: {  	_ =	shalt  }
0x3f: {  	_ =	shalt  }
0x40: {  	_ =	shalt  }
0x41: {  	_ =	shalt  }
0x42: {  	_ =	shalt  }
0x43: {  	_ =	shalt  }
0x44: {  	_ =	shalt  }
0x45: {  	_ =	shalt  }
0x46: {  	_ =	shalt  }
0x47: {  	_ =	shalt  }
0x48: {  	_ =	shalt  }
0x49: {  	_ =	shalt  }
0x4a: {  	_ =	shalt  }
0x4b: {  	_ =	shalt  }
0x4c: {  	_ =	shalt  }
0x4d: {  	_ =	shalt  }
0x4e: {  	_ =	shalt  }
0x4f: {  	_ =	shalt  }
0x50: {  	_ =	shalt  }
0x51: {  	_ =	shalt  }
0x52: {  	_ =	shalt  }
0x53: {  	_ =	shalt  }
0x54: {  	_ =	shalt  }
0x55: {  	_ =	shalt  }
0x56: {  	_ =	shalt  }
0x57: {  	_ =	shalt  }
0x58: {  	_ =	shalt  }
0x59: {  	_ =	shalt  }
0x5a: {  	_ =	shalt  }
0x5b: {  	_ =	shalt  }
0x5c: {  	_ =	shalt  }
0x5d: {  	_ =	shalt  }
0x5e: {  	_ =	shalt  }
0x5f: {  	_ =	shalt  }
0x60: {  	_ =	shalt  }
0x61: {  	_ =	shalt  }
0x62: {  	_ =	shalt  }
0x63: {  	_ =	shalt  }
0x64: {  	_ =	shalt  }
0x65: {  	_ =	shalt  }
0x66: {  	_ =	shalt  }
0x67: {  	_ =	shalt  }
0x68: {  	_ =	shalt  }
0x69: {  	_ =	shalt  }
0x6a: {  	_ =	shalt  }
0x6b: {  	_ =	shalt  }
0x6c: {  	_ =	shalt  }
0x6d: {  	_ =	shalt  }
0x6e: {  	_ =	shalt  }
0x6f: {  	_ =	shalt  }
0x70: {  	_ =	shalt  }
0x71: {  	_ =	shalt  }
0x72: {  	_ =	shalt  }
0x73: {  	_ =	shalt  }
0x74: {  	_ =	shalt  }
0x75: {  	_ =	shalt  }
0x76: {  	_ =	shalt  }
0x77: {  	_ =	shalt  }
0x78: {  	_ =	shalt  }
0x79: {  	_ =	shalt  }
0x7a: {  	_ =	shalt  }
0x7b: {  	_ =	shalt  }
0x7c: {  	_ =	shalt  }
0x7d: {  	_ =	shalt  }
0x7e: {  	_ =	shalt  }
0x7f: {  	_ =	shalt  }
0x80: {  	_ =	shalt  }
0x81: {  	_ =	shalt  }
0x82: {  	_ =	shalt  }
0x83: {  	_ =	shalt  }
0x84: {  	_ =	shalt  }
0x85: {  	_ =	shalt  }
0x86: {  	_ =	shalt  }
0x87: {  	_ =	shalt  }
.Lfunc_end0:
.L_simem_size_0:
called_computation.1_lowered:
.L_overlay_start_0:
0x88: {  	s2 =	sld [smem:$0x3FD9]  }
0x89: {  	s3 =	sld [smem:$0x3FFE];
	_ =	sdelay $0x1  }
0x8a: {  	s1 =	srdreg.scid  }
0x8b: {  	s0 =	sand.u32 $0x1, s1  }
0x8c: {  	s17 =	sshll.u32 s0, $0xA;
	s2 =	sadd.s32 s3, s2  }
0x8d: {  	s2 =	sadd.s32 s2, s17  }
0x8e: {  	[smem:$0x3FBD] =	sst s2  }
0x8f: {  	_ = 	snop  }
0x90: {  	s2 =	sld [smem:$0x3FC7];
	(tm) =	ssettm $0x1  }
0x91: {  	s18 =	sld [smem:$0x3FFB];
	_ =	sdelay $0x3  }
0x92: {  	_ =	strace s18  }
0x93: {  	s3 =	sld [smem:$0x3FFC];
	_ =	sdelay $0x3  }
0x94: {  	_ =	strace s3  }
0x95: {  	s3 =	sld [smem:$0x3FFD];
	_ =	sdelay $0x3  }
0x96: {  	_ =	strace s3  }
0x97: {  	_ =	strace $0x8FFFFFFF  }
0x98: {  	s19 =	sld [smem:$0x3FDB];
	_ =	sdelay $0x1  }
0x99: {  	s4 =	simm.s32 $_scs_section_size  }
0x9a: {  	s5 =	simm.s32 $_size__tile_overlayer_lowered;
	s6 =	simm.s32 $_tile_overlayer_lowered  }
0x9b: {  	s22 =	simm.s32 $0x1BFF;
	s21 =	sshll.u32 s6, $0x1;
	s3 =	sadd.s32 s4, s19  }
0x9c: {  	s7 =	simm.s32 $0x0;
	s20 =	sshll.u32 s5, $0x1;
	s5 =	sadd.s32 s21, s3  }
0x9d: {  	[timem:s7], [sflag:s22] =	dma.local [hbm:s5], s20  }
0x9e: {  	_ =	swait.ge [sflag:s22], s20  }
0x9f: {  	s4 =	ssub.s32 $0x0, s20;
	[sflag:s22] =	ssyncset.done $0x0  }
0xa0: {  	[sflag:s22] =	ssyncadd.s32 s4;
	_ =	sdelay $0x1  }
0xa1: {  	s23 =	simm.s32 $0x1B8B  }
0xa2: {  	_ =	swait.ge [sflag:s23], $0x1  }
0xa3: {  	[sflag:s23] =	ssyncset.done $0x0  }
0xa4: {  	s25 =	simm.s32 $0x1B8E;
	s24 =	sld [smem:$0x3FFE];
	[sflag:s23] =	ssyncadd.s32 $0xFFFFFFFF  }
0xa5: {  	s26 =	simm.s32 $execute0_lowered;
	[smem:$0x3FD2] =	sst s25  }
0xa6: {  	s5 =	sshll.u32 s26, $0x1;
	_ =	strace $0x80000049;
	[dreg:$0x1] =	wrdreg $0xFFFFFFFF  }
0xa7: {  	s28 =	simm.s32 $_size_execute0_lowered;
	s3 =	sadd.s32 s3, s5;
	[dreg:$0x0] =	wrdreg $0x0  }
0xa8: {  	s5 =	sshll.u32 s28, $0x1;
	[dreg:$0x2] =	wrdreg s3  }
0xa9: {  	[dreg:$0x3] =	wrdreg s5  }
0xaa: {  	[dreg:$0x4] =	wrdreg $0xC0  }
0xab: {  	_ =	task [dreg:s7], $0x5FFFF  }
0xac: {  	[dreg:$0x1] =	wrdreg $0xFFFFFFFF  }
0xad: {  	[dreg:$0x0] =	wrdreg $0x60  }
0xae: {  	[dreg:$0x2] =	wrdreg s24  }
0xaf: {  	[dreg:$0x3] =	wrdreg s2  }
0xb0: {  	[dreg:$0x4] =	wrdreg $0x9  }
0xb1: {  	_ =	task.clear_ibuf [dreg:s7], $0x5FFFF;
	_ =	strace $0x90000049  }
0xb2: {  	s29 =	simm.s32 $0x9;
	_ =	strace $0x8000004B  }
0xb3: {  	_ =	swait.ge [sflag:s29], $0x1  }
0xb4: {  	[sflag:s29] =	ssyncadd.s32 $0xFFFFFFFF  }
0xb5: {  	_ =	strace $0x9000004B  }
0xb6: {  	_ =	sfence  }
0xb7: {  	s30 =	sld [smem:$0x0];
	_ =	sdelay $0x2  }
0xb8: {  	s31 =	sshll.u32 s1, $0xD;
	s1 =	sshrl.u32 s1, $0x2  }
0xb9: {  	s3 =	sand.u32 $0x4000, s31;
	s1 =	sadd.s32 s1, s30  }
0xba: {  	s0 =	sor.u32 s3, s0;
	s1 =	sshll.u32 s1, $0x11  }
0xbb: {  	s0 =	sor.u32 s1, s0  }
0xbc: {  	s0 =	sadd.s32 $0x8F2B, s0  }
0xbd: {  	[sflag:s0] =	ssyncadd.remote.s32 $0x1  }
0xbe: {  	_ =	sfence.sel $0xFFFF  }
0xbf: {  	[dreg:$0x0] =	wrdreg $0xFFFFFFFF;
	(pc) =	sbr.abs _section_cstart, $3  }
0xc0: {  	[dreg:$0x1] =	wrdreg $0xFFFFFFFF  }
0xc1: {  	_ =	task.clear_ibuf [dreg:s7], $0x2FFFF;
	_ =	strace $0x9FFFFFFF  }
0xc2: {  	(tm) =	ssettm $0x7FFFFFFF  }
0xc3: {  	_ =	shalt  }
tec
execute0_lowered:
.L_overlay_start_1:
0x0: {  	(tag) =	ssettag $0x1  }
0x1: {  	s4 =	rddreg [dreg:$0x0]  }
0x2: {  	s1 =	rddreg [dreg:$0x1]  }
0x3: {  	s0 =	rddreg [dreg:$0x2];
	s2 =	simm.s32 $0x0;
	s7 =	srdreg.scid  }
0x4: {  	s13 =	simm.s32 $0x100;
	s14 =	simm.s32 $0x4100;
	s15 =	simm.s32 $0x1  }
0x5: {  	s16 =	simm.s32 $0x2;
	s17 =	simm.s32 $0x0;
	[smem:$0x7FF] =	sst s2  }
0x6: {  	s3 =	sadd.s32 $0x4600, s4;
	s5 =	sadd.s32 $0x2B800, s4;
	s6 =	sadd.s32 $0xA8800, s4  }
0x7: {  	s7 =	sand.u32 $0x1, s7;
	s4 =	stileid.u32;
	_ =	strace $0x8000004A  }
0x8: {  	s8 =	ssub.s32 $0x2, s7;
	s9 =	sshll.u32 s7, $0x4;
	s11 =	smul.u32 $0x70, s7  }
0x9: {  	s12 =	smul.u32 $0x7, s4;
	s7 =	simm.s32 $0x8;
	s9 =	sor.u32 s4, s9  }
0xa: {  	s10 =	sshrl.u32 s8, $0x1;
	s30 =	smin.u32 s9, $0x1A;
	p0 =	slt.u32 s9, $0x1A  }
0xb: {  	s8 =	ssub.s32 s8, s10;
	s31 =	sadd.s32 s11, s30;
	s7 =	simm.s32 @!p0 $0x7  }
0xc: {  	s8 =	smax.u32 s8, $0x1;
	s11 =	simm.s32 $0x3;
	s10 =	sadd.s32 s12, s31  }
0xd: {  	s12 =	simm.s32 $0x80;
	s9 =	sshll.u32 s10, $0xB;
	s10 =	sshll.u32 s10, $0x5  }
.LBB2_1:
0xe: {  	p1 =	sne.s32 s7, $0x1  }
.Ltmp0:
0xf: {  	_ = 	snop;
	(pc) =	sbr.rel @!p1 .LBB2_2-.Ltmp0, $2  }
0x10: {  	_ =	sdelay $0x2  }
0x11: {  	s18 =	sadd.s32 $0xFFFFFFFF, s7;
	s21 =	sand.u32 $0x1FFFFFE0, s10;
	p0 =	por $0x0, $0x0  }
0x12: {  	s19 =	sadd.s32 s1, s21  }
0x13: {  	[tilespmem:s2], [sflag:$0x3] =	stream.linear.gather [hbm4b:s19+s2], $0x100, $0x38;
	[tilespmem:$0x8100] =	vst v63  }
0x14: {  	_ =	swait.ge [sflag:s11], $0x100  }
0x15: {  	[sflag:s11] =	ssyncset.done $0x0  }
0x16: {  	[sflag:s11] =	ssyncadd.s32 $0xFFFFFF00  }
0x17: {  	[tilespmem:s13], [sflag:$0x1] =	stream.indirect.gather [hbm4b:s3+s12], $0x80, s2, s12, $0xb8;
	[tilespmem:$0x8100] =	vst v63  }
0x18: {  	_ = 	snop  }
0x19: {  	[tilespmem:s14], [sflag:$0x2] =	stream.indirect.gather [hbm4b:s3+s12], $0x80, s12, s12, $0xb8;
	[tilespmem:$0x8100] =	vst v63  }
0x1a: {  	_ =	swait.ge [sflag:s15], $0x4000  }
0x1b: {  	s31 =	sand.u32 $0x1FFFF800, s9;
	[sflag:s15] =	ssyncset.done $0x0  }
0x1c: {  	s20 =	sadd.s32 s5, s31;
	[sflag:s15] =	ssyncadd.s32 $0xFFFFC000  }
0x1d: {  	[hbm4b:s20+s2] =	stream.linear.scatter [tilespmem:s13], [sflag:$0x3], $0x4000, $0x38;
	[tilespmem:$0x8100] =	vst v63  }
0x1e: {  	_ =	swait.ge [sflag:s11], $0x4000  }
0x1f: {  	[sflag:s11] =	ssyncset.done $0x0  }
0x20: {  	[sflag:s11] =	ssyncadd.s32 $0xFFFFC000  }
0x21: {  	p1 =	sne.s32 s18, $0x1;
	_ =	swait.ge [sflag:s16], $0x4000  }
.Ltmp1:
0x22: {  	[sflag:s16] =	ssyncset.done $0x0;
	(pc) =	sbr.rel @!p1 .LBB2_4-.Ltmp1, $4  }
0x23: {  	s19 =	sadd.s32 s6, s31;
	s20 =	sadd.s32 $0x20, s10;
	[sflag:s16] =	ssyncadd.s32 $0xFFFFC000  }
0x24: {  	[hbm4b:s19+s2] =	stream.linear.scatter [tilespmem:s14], [sflag:$0x3], $0x4000, $0x38;
	[tilespmem:$0x8100] =	vst v63  }
0x25: {  	p0 =	por $0x1, $0x1;
	s21 =	sand.u32 $0x1FFFFFE0, s20;
	_ =	swait.ge [sflag:s11], $0x4000  }
0x26: {  	s19 =	sadd.s32 $0xFFFFFFFF, s18;
	s18 =	smov.u32 s9;
	[sflag:s11] =	ssyncset.done $0x0  }
.LBB2_5:
0x27: {  	s21 =	sadd.s32 s1, s21;
	[sflag:s11] =	ssyncadd.s32 $0xFFFFC000;
	s18 =	sadd.s32 $0x800, s18  }
0x28: {  	[tilespmem:s2], [sflag:$0x3] =	stream.linear.gather [hbm4b:s21+s2], $0x100, $0x38;
	[tilespmem:$0x8100] =	vst v63  }
0x29: {  	p1 =	sne.s32 s19, $0x1;
	s19 =	sadd.s32 $0xFFFFFFFF, s19;
	_ =	swait.ge [sflag:s11], $0x100  }
0x2a: {  	[sflag:s11] =	ssyncset.done $0x0  }
0x2b: {  	[sflag:s11] =	ssyncadd.s32 $0xFFFFFF00  }
0x2c: {  	[tilespmem:s13], [sflag:$0x1] =	stream.indirect.gather [hbm4b:s3+s12], $0x80, s2, s12, $0xb8;
	[tilespmem:$0x8100] =	vst v63  }
0x2d: {  	_ = 	snop  }
0x2e: {  	[tilespmem:s14], [sflag:$0x2] =	stream.indirect.gather [hbm4b:s3+s12], $0x80, s12, s12, $0xb8;
	[tilespmem:$0x8100] =	vst v63  }
0x2f: {  	_ =	swait.ge [sflag:s15], $0x4000  }
0x30: {  	s21 =	sand.u32 $0x1FFFF800, s18;
	[sflag:s15] =	ssyncset.done $0x0  }
0x31: {  	s22 =	sadd.s32 s5, s21;
	[sflag:s15] =	ssyncadd.s32 $0xFFFFC000  }
0x32: {  	[hbm4b:s22+s2] =	stream.linear.scatter [tilespmem:s13], [sflag:$0x3], $0x4000, $0x38;
	[tilespmem:$0x8100] =	vst v63  }
0x33: {  	_ =	swait.ge [sflag:s11], $0x4000  }
0x34: {  	[sflag:s11] =	ssyncset.done $0x0  }
0x35: {  	[sflag:s11] =	ssyncadd.s32 $0xFFFFC000  }
0x36: {  	_ =	swait.ge [sflag:s16], $0x4000  }
.Ltmp2:
0x37: {  	[sflag:s16] =	ssyncset.done $0x0;
	(pc) =	sbr.rel @p1 .LBB2_5-.Ltmp2, $4  }
0x38: {  	s21 =	sadd.s32 s6, s21;
	[sflag:s16] =	ssyncadd.s32 $0xFFFFC000  }
0x39: {  	[hbm4b:s21+s2] =	stream.linear.scatter [tilespmem:s14], [sflag:$0x3], $0x4000, $0x38;
	[tilespmem:$0x8100] =	vst v63  }
0x3a: {  	s20 =	sadd.s32 $0x20, s20;
	_ =	swait.ge [sflag:s11], $0x4000  }
0x3b: {  	s21 =	sand.u32 $0x1FFFFFE0, s20;
	[sflag:s11] =	ssyncset.done $0x0  }
.LBB2_6:
0x3c: {  	s19 =	sadd.s32 s1, s21;
	[sflag:s11] =	ssyncadd.s32 @p0 $0xFFFFC000  }
0x3d: {  	[tilespmem:s2], [sflag:$0x3] =	stream.linear.gather [hbm4b:s19+s2], $0x100, $0x38;
	[tilespmem:$0x8100] =	vst v63  }
0x3e: {  	_ =	swait.ge [sflag:s11], $0x100  }
0x3f: {  	[sflag:s11] =	ssyncset.done $0x0  }
0x40: {  	[sflag:s11] =	ssyncadd.s32 $0xFFFFFF00  }
0x41: {  	[tilespmem:s13], [sflag:$0x1] =	stream.indirect.gather [hbm4b:s3+s12], $0x80, s2, s12, $0xb8;
	[tilespmem:$0x8100] =	vst v63  }
0x42: {  	s18 =	sadd.s32 @p0 $0x800, s18;
	s19 =	smov.u32 s9  }
0x43: {  	[tilespmem:s14], [sflag:$0x2] =	stream.indirect.gather [hbm4b:s3+s12], $0x80, s12, s12, $0xb8;
	[tilespmem:$0x8100] =	vst v63  }
0x44: {  	s19 =	smov.u32 @p0 s18;
	_ =	swait.ge [sflag:s15], $0x4000  }
0x45: {  	s18 =	sand.u32 $0x1FFFF800, s19;
	[sflag:s15] =	ssyncset.done $0x0  }
0x46: {  	s19 =	sadd.s32 s5, s18;
	[sflag:s15] =	ssyncadd.s32 $0xFFFFC000  }
0x47: {  	[hbm4b:s19+s2] =	stream.linear.scatter [tilespmem:s13], [sflag:$0x3], $0x4000, $0x38;
	[tilespmem:$0x8100] =	vst v63  }
0x48: {  	_ =	swait.ge [sflag:s11], $0x4000  }
0x49: {  	[sflag:s11] =	ssyncset.done $0x0  }
0x4a: {  	[sflag:s11] =	ssyncadd.s32 $0xFFFFC000  }
0x4b: {  	_ =	swait.ge [sflag:s16], $0x4000  }
0x4c: {  	s17 =	sadd.s32 $0x1, s17;
	[sflag:s16] =	ssyncset.done $0x0  }
0x4d: {  	p0 =	sne.s32 s17, s8;
	s18 =	sadd.s32 s6, s18;
	[sflag:s16] =	ssyncadd.s32 $0xFFFFC000  }
0x4e: {  	[hbm4b:s18+s2] =	stream.linear.scatter [tilespmem:s14], [sflag:$0x3], $0x4000, $0x38;
	[tilespmem:$0x8100] =	vst v63  }
.Ltmp3:
0x4f: {  	_ = 	snop;
	(pc) =	sbr.rel @p0 .LBB2_1-.Ltmp3, $4  }
.Ltmp4:
0x50: {  	_ = 	snop;
	(pc) =	sbr.rel @!p0 .LBB2_7-.Ltmp4, $4  }
0x51: {  	_ =	swait.ge [sflag:s11], $0x4000  }
0x52: {  	[sflag:s11] =	ssyncset.done $0x0  }
0x53: {  	[sflag:s11] =	ssyncadd.s32 $0xFFFFC000  }
0x54: {  	_ = 	snop  }
.LBB2_2:
.Ltmp5:
0x55: {  	(pc) =	sbr.rel .LBB2_6-.Ltmp5, $2  }
0x56: {  	_ =	sdelay $0x2  }
0x57: {  	s18 =	smov.u32 s9  }
.LBB2_4:
.Ltmp6:
0x58: {  	(pc) =	sbr.rel .LBB2_6-.Ltmp6, $2  }
0x59: {  	_ =	sdelay $0x2  }
0x5a: {  	s18 =	smov.u32 s9  }
.LBB2_7:
0x5b: {  	_ =	sfence.sel $0x180000  }
0x5c: {  	[bflag:$0x0] =	sbarrier.arrive $0xFFFF  }
0x5d: {  	p0 =	sne.s32 s4, $0x0;
	_ =	strace $0x9000004A  }
0x5e: {  	s0 =	sadd.s32 @!p0 $0x100000, s0;
	[bflag:$0x2] =	sbarrier.arrive $0xFFFF  }
0x5f: {  	[sflag:s0] =	ssyncadd.tile.s32 @!p0 $0x1;
	_ =	shalt  }
.Lfunc_end2:
_tile_overlayer_lowered:
.L_overlay_start_2:
0x60: {  	(tag) =	ssettag $0x2  }
0x61: {  	s0 =	rddreg [dreg:$0x0];
	s2 =	stileid.u32  }
0x62: {  	s1 =	rddreg [dreg:$0x1];
	p0 =	sne.s32 s2, $0x0  }
0x63: {  	s3 =	rddreg [dreg:$0x2];
	[bflag:$0x3] =	sbarrier.arrive $0xFFFF;
	s2 =	simm.s32 @!p0 $0x1C03  }
0x64: {  	[timem:s3], [sflag:s2] =	dma.local @!p0 [hbm:s0], s1  }
0x65: {  	s0 =	simm.s32 @!p0 $0x3  }
0x66: {  	_ =	swait.ge @!p0 [sflag:s0], s1  }
0x67: {  	s1 =	ssub.s32 @!p0 $0x0, s1;
	[sflag:s0] =	ssyncset.done @!p0 $0x0  }
0x68: {  	[sflag:s0] =	ssyncadd.s32 @!p0 s1  }
0x69: {  	[bflag:$0x3] =	sbarrier.arrive $0xFFFF  }
0x6a: {  	_ =	shalt  }

// kernel: edge_gather_128000.3.cloned.1.call-start
scs
__scs_entry_jumppad:
0x0: {  	(pc) =	sbr.rel $0x88, $3  }
0x1: {  	(tag) =	ssettag $0x0;
	lr =	simm.s32 $0x1  }
0x2: {  	[smem:$0x3F96] =	sst lr;
	_ =	strace $0xD0000000  }
0x3: {  	_ = 	snop  }
0x4: {  	_ = 	snop  }
0x5: {  	_ = 	snop  }
0x6: {  	_ = 	snop  }
0x7: {  	_ = 	snop  }
__scs_overlays_trampoline_lowered:
0x8: {  	[smem:$0x3FA5] =	sst s0  }
0x9: {  	[smem:$0x3FA6] =	sst s1  }
0xa: {  	[smem:$0x3FA7] =	sst s2  }
0xb: {  	[smem:$0x3FA8] =	sst s3  }
0xc: {  	[smem:$0x3FA9] =	sst s4  }
0xd: {  	[smem:$0x3FAA] =	sst s5  }
0xe: {  	[smem:$0x3FAB] =	sst s6  }
0xf: {  	[smem:$0x3FAC] =	sst s7  }
0x10: {  	[smem:$0x3FAD] =	sst s8  }
0x11: {  	[smem:$0x3FAE] =	sst s9;
	s0 =	simm.s32 @!p0 $0x0  }
0x12: {  	s1 =	sld [smem:$0x3F94];
	s0 =	simm.s32 @p0 $0x1  }
0x13: {  	[smem:$0x3FAF] =	sst s0;
	s0 =	simm.s32 @!p1 $0x0  }
0x14: {  	s2 =	sld [smem:$0x3F93];
	s0 =	simm.s32 @p1 $0x1  }
0x15: {  	[smem:$0x3FB0] =	sst s0;
	s0 =	simm.s32 @!p2 $0x0  }
0x16: {  	s3 =	sld [smem:$0x3FDB];
	s0 =	simm.s32 @p2 $0x1  }
0x17: {  	s4 =	simm.s32 $0x1BF5;
	[smem:$0x3FB2] =	sst s0  }
0x18: {  	s0 =	sld [smem:$0x3F95];
	_ =	swait.ge [sflag:s4], $0x0  }
0x19: {  	s7 =	sld [smem:$0x3F96]  }
0x1a: {  	s8 =	sadd.s32 $0xFFFFE003, lr  }
0x1b: {  	s9 =	sadd.s32 $0xFFFFFEF7, lr;
	s5 =	simm.s32 $0xFFFFFFFF;
	p2 =	slt.u32 s8, $0xFFFFF086  }
0x1c: {  	p1 =	slt.u32 s9, $0xF7A;
	s5 =	simm.s32 @!p2 $0x0  }
0x1d: {  	s5 =	simm.s32 @p1 $0x1;
	p0 =	seq.s32 s7, s2  }
0x1e: {  	s7 =	smul.u32 @!p0 $0xF7A, s2;
	p2 =	seq.s32 @!p0 s5, $0x0  }
0x1f: {  	s9 =	smul.u32 $0xF7A, s1;
	s8 =	simm.s32 @!p0 $0x1BF5;
	p2 =	por !p2, p0  }
0x20: {  	[sflag:s8] =	ssyncset.s32 @!p0 $0xFFFFF086;
	s6 =	sadd.s32 @!p0 s3, s7;
	s7 =	simm.s32 @!p0 $0x108  }
0x21: {  	s3 =	sadd.s32 s3, s9;
	s6 =	sadd.s32 @!p0 $0x88, s6;
	s7 =	simm.s32 @p2 $0x1082  }
0x22: {  	[simem:s7], [sflag:s8] =	dma.local @!p0 [hbm:s6], $0xF7A  }
0x23: {  	s9 =	sor.u32 $0xD0000000, s2;
	s6 =	simm.s32 $0x108;
	_ =	swait.ge @!p0 [sflag:s8], $0x0  }
0x24: {  	s3 =	sadd.s32 $0x88, s3;
	s6 =	simm.s32 @!p1 $0x1082;
	[sflag:s4] =	ssyncset.s32 $0xFFFFF086  }
0x25: {  	[simem:s6], [sflag:s4] =	dma.local [hbm:s3], $0xF7A  }
0x26: {  	[smem:$0x3F96] =	sst s1;
	(tag) =	ssettag s2;
	_ =	strace s9  }
0x27: {  	s1 =	sld [smem:$0x3FA6]  }
0x28: {  	s2 =	sld [smem:$0x3FA7]  }
0x29: {  	s4 =	sld [smem:$0x3FA9]  }
0x2a: {  	p0 =	seq.s32 s5, $0x0;
	s5 =	sld [smem:$0x3FAA]  }
0x2b: {  	s6 =	sld [smem:$0x3FAB]  }
0x2c: {  	s7 =	sld [smem:$0x3FAC]  }
0x2d: {  	s3 =	simm.s32 $0x108;
	s8 =	sld [smem:$0x3FAD]  }
0x2e: {  	s3 =	simm.s32 @!p0 $0x1082;
	s9 =	sld [smem:$0x3FAE]  }
0x2f: {  	lr =	sadd.s32 s0, s3;
	s0 =	sld [smem:$0x3FA5]  }
0x30: {  	s3 =	sld [smem:$0x3FA8]  }
0x31: {  	[smem:$0x3FB1] =	sst s10  }
0x32: {  	s10 =	sld [smem:$0x3FAF];
	_ =	sdelay $0x3  }
0x33: {  	p0 =	seq.s32 s10, $0x1;
	s10 =	sld [smem:$0x3FB1];
	_ =	sdelay $0x3  }
0x34: {  	[smem:$0x3FB1] =	sst s10  }
0x35: {  	s10 =	sld [smem:$0x3FB0];
	_ =	sdelay $0x3  }
0x36: {  	p1 =	seq.s32 s10, $0x1;
	s10 =	sld [smem:$0x3FB1];
	_ =	sdelay $0x3  }
0x37: {  	[smem:$0x3FB1] =	sst s10  }
0x38: {  	s10 =	sld [smem:$0x3FB2]  }
0x39: {  	_ = 	snop;
	(pc) =	sbr.ind lr, $3  }
0x3a: {  	_ = 	snop  }
0x3b: {  	_ = 	snop  }
0x3c: {  	p2 =	seq.s32 s10, $0x1;
	s10 =	sld [smem:$0x3FB1]  }
0x3d: {  	_ =	shalt  }
0x3e: {  	_ =	shalt  }
0x3f: {  	_ =	shalt  }
0x40: {  	_ =	shalt  }
0x41: {  	_ =	shalt  }
0x42: {  	_ =	shalt  }
0x43: {  	_ =	shalt  }
0x44: {  	_ =	shalt  }
0x45: {  	_ =	shalt  }
0x46: {  	_ =	shalt  }
0x47: {  	_ =	shalt  }
0x48: {  	_ =	shalt  }
0x49: {  	_ =	shalt  }
0x4a: {  	_ =	shalt  }
0x4b: {  	_ =	shalt  }
0x4c: {  	_ =	shalt  }
0x4d: {  	_ =	shalt  }
0x4e: {  	_ =	shalt  }
0x4f: {  	_ =	shalt  }
0x50: {  	_ =	shalt  }
0x51: {  	_ =	shalt  }
0x52: {  	_ =	shalt  }
0x53: {  	_ =	shalt  }
0x54: {  	_ =	shalt  }
0x55: {  	_ =	shalt  }
0x56: {  	_ =	shalt  }
0x57: {  	_ =	shalt  }
0x58: {  	_ =	shalt  }
0x59: {  	_ =	shalt  }
0x5a: {  	_ =	shalt  }
0x5b: {  	_ =	shalt  }
0x5c: {  	_ =	shalt  }
0x5d: {  	_ =	shalt  }
0x5e: {  	_ =	shalt  }
0x5f: {  	_ =	shalt  }
0x60: {  	_ =	shalt  }
0x61: {  	_ =	shalt  }
0x62: {  	_ =	shalt  }
0x63: {  	_ =	shalt  }
0x64: {  	_ =	shalt  }
0x65: {  	_ =	shalt  }
0x66: {  	_ =	shalt  }
0x67: {  	_ =	shalt  }
0x68: {  	_ =	shalt  }
0x69: {  	_ =	shalt  }
0x6a: {  	_ =	shalt  }
0x6b: {  	_ =	shalt  }
0x6c: {  	_ =	shalt  }
0x6d: {  	_ =	shalt  }
0x6e: {  	_ =	shalt  }
0x6f: {  	_ =	shalt  }
0x70: {  	_ =	shalt  }
0x71: {  	_ =	shalt  }
0x72: {  	_ =	shalt  }
0x73: {  	_ =	shalt  }
0x74: {  	_ =	shalt  }
0x75: {  	_ =	shalt  }
0x76: {  	_ =	shalt  }
0x77: {  	_ =	shalt  }
0x78: {  	_ =	shalt  }
0x79: {  	_ =	shalt  }
0x7a: {  	_ =	shalt  }
0x7b: {  	_ =	shalt  }
0x7c: {  	_ =	shalt  }
0x7d: {  	_ =	shalt  }
0x7e: {  	_ =	shalt  }
0x7f: {  	_ =	shalt  }
0x80: {  	_ =	shalt  }
0x81: {  	_ =	shalt  }
0x82: {  	_ =	shalt  }
0x83: {  	_ =	shalt  }
0x84: {  	_ =	shalt  }
0x85: {  	_ =	shalt  }
0x86: {  	_ =	shalt  }
0x87: {  	_ =	shalt  }
.Lfunc_end0:
.L_simem_size_0:
called_computation.5_lowered:
.L_overlay_start_0:
0x88: {  	s2 =	sld [smem:$0x3FD9]  }
0x89: {  	s3 =	sld [smem:$0x3FFE];
	_ =	sdelay $0x1  }
0x8a: {  	s1 =	srdreg.scid  }
0x8b: {  	s0 =	sand.u32 $0x1, s1  }
0x8c: {  	s17 =	sshll.u32 s0, $0xA;
	s2 =	sadd.s32 s3, s2  }
0x8d: {  	s2 =	sadd.s32 s2, s17  }
0x8e: {  	[smem:$0x3FBD] =	sst s2  }
0x8f: {  	_ = 	snop  }
0x90: {  	s18 =	sld [smem:$0x3FC7];
	(tm) =	ssettm $0x1  }
0x91: {  	s19 =	sld [smem:$0x3FFB];
	_ =	sdelay $0x3  }
0x92: {  	_ =	strace s19  }
0x93: {  	s2 =	sld [smem:$0x3FFC];
	_ =	sdelay $0x3  }
0x94: {  	_ =	strace s2  }
0x95: {  	s2 =	sld [smem:$0x3FFD];
	_ =	sdelay $0x3  }
0x96: {  	_ =	strace s2  }
0x97: {  	_ =	strace $0x8FFFFFFF  }
0x98: {  	s20 =	sld [smem:$0x3FDB];
	_ =	sdelay $0x1  }
0x99: {  	s4 =	simm.s32 $_scs_section_size  }
0x9a: {  	s5 =	simm.s32 $_size__tile_overlayer_lowered;
	s6 =	simm.s32 $_tile_overlayer_lowered  }
0x9b: {  	s7 =	simm.s32 $0x1BFF;
	s21 =	sshll.u32 s6, $0x1;
	s4 =	sadd.s32 s4, s20  }
0x9c: {  	s22 =	simm.s32 $0x0;
	s5 =	sshll.u32 s5, $0x1;
	s6 =	sadd.s32 s21, s4  }
0x9d: {  	[timem:s22], [sflag:s7] =	dma.local [hbm:s6], s5  }
0x9e: {  	_ =	swait.ge [sflag:s7], s5  }
0x9f: {  	s5 =	ssub.s32 $0x0, s5;
	[sflag:s7] =	ssyncset.done $0x0  }
0xa0: {  	[sflag:s7] =	ssyncadd.s32 s5;
	_ =	sdelay $0x1  }
0xa1: {  	s23 =	simm.s32 $0x1B8B  }
0xa2: {  	_ =	swait.ge [sflag:s23], $0x1  }
0xa3: {  	[sflag:s23] =	ssyncset.done $0x0  }
0xa4: {  	[sflag:s23] =	ssyncadd.s32 $0xFFFFFFFF  }
0xa5: {  	s5 =	sld [smem:$0x0]  }
0xa6: {  	s6 =	sand.u32 $0xFFFFFFFE, s1  }
0xa7: {  	p0 =	sne.s32 s1, s6  }
0xa8: {  	s6 =	sshll.u32 @p0 s6, $0xE  }
0xa9: {  	s6 =	sadd.s32 @p0 $0x11B8D, s6;
	s7 =	sshll.u32 @p0 s5, $0x11  }
0xaa: {  	s6 =	sor.u32 @p0 s7, s6  }
0xab: {  	[sflag:s6] =	ssyncadd.remote.s32 @p0 $0x1;
	_ =	sdelay $0x1  }
0xac: {  	s6 =	simm.s32 @p0 $0x1B8D  }
0xad: {  	_ =	swait.eq @p0 [sflag:s6], $0x1  }
0xae: {  	[sflag:s6] =	ssyncadd.s32 @p0 $0xFFFFFFFF  }
0xaf: {  	s7 =	sshll.u32 @!p0 s1, $0xE  }
0xb0: {  	s7 =	sor.u32 @!p0 $0x4000, s7;
	s6 =	simm.s32 @!p0 $0x1B8D  }
0xb1: {  	s5 =	sshll.u32 @!p0 s5, $0x11;
	s7 =	sadd.s32 @!p0 $0x11B8D, s7;
	_ =	swait.eq @!p0 [sflag:s6], $0x1  }
0xb2: {  	s5 =	sor.u32 @!p0 s5, s7;
	[sflag:s6] =	ssyncadd.s32 @!p0 $0xFFFFFFFF  }
0xb3: {  	s25 =	simm.s32 $0x1B8E;
	s24 =	sld [smem:$0x3FFE];
	[sflag:s5] =	ssyncadd.remote.s32 @!p0 $0x1  }
0xb4: {  	s26 =	simm.s32 $execute0_lowered;
	[smem:$0x3FD2] =	sst s25  }
0xb5: {  	s6 =	sshll.u32 s26, $0x1;
	_ =	strace $0x80000055;
	[dreg:$0x1] =	wrdreg $0xFFFFFFFF  }
0xb6: {  	s28 =	simm.s32 $_size_execute0_lowered;
	s4 =	sadd.s32 s4, s6;
	[dreg:$0x0] =	wrdreg $0x0  }
0xb7: {  	s6 =	sshll.u32 s28, $0x1;
	[dreg:$0x2] =	wrdreg s4  }
0xb8: {  	[dreg:$0x3] =	wrdreg s6  }
0xb9: {  	[dreg:$0x4] =	wrdreg $0xC0  }
0xba: {  	_ =	task [dreg:s22], $0x5FFFF  }
0xbb: {  	[dreg:$0x1] =	wrdreg $0xFFFFFFFF  }
0xbc: {  	[dreg:$0x0] =	wrdreg $0x60  }
0xbd: {  	[dreg:$0x2] =	wrdreg s24  }
0xbe: {  	[dreg:$0x3] =	wrdreg s18  }
0xbf: {  	[dreg:$0x4] =	wrdreg $0xD  }
0xc0: {  	_ =	task.clear_ibuf [dreg:s22], $0x5FFFF;
	_ =	strace $0x90000055  }
0xc1: {  	s29 =	simm.s32 $0xD;
	_ =	strace $0x80000057  }
0xc2: {  	_ =	swait.ge [sflag:s29], $0x1  }
0xc3: {  	[sflag:s29] =	ssyncadd.s32 $0xFFFFFFFF  }
0xc4: {  	_ =	strace $0x90000057  }
0xc5: {  	_ =	sfence  }
0xc6: {  	s30 =	sld [smem:$0x0];
	_ =	sdelay $0x2  }
0xc7: {  	s31 =	sshll.u32 s1, $0xD;
	s1 =	sshrl.u32 s1, $0x2  }
0xc8: {  	s4 =	sand.u32 $0x4000, s31;
	s1 =	sadd.s32 s1, s30  }
0xc9: {  	s0 =	sor.u32 s4, s0;
	s1 =	sshll.u32 s1, $0x11  }
0xca: {  	s0 =	sor.u32 s1, s0  }
0xcb: {  	s0 =	sadd.s32 $0x8F2B, s0  }
0xcc: {  	[sflag:s0] =	ssyncadd.remote.s32 $0x1  }
0xcd: {  	_ =	sfence.sel $0xFFFF  }
0xce: {  	[dreg:$0x0] =	wrdreg $0xFFFFFFFF;
	(pc) =	sbr.abs _section_cstart, $3  }
0xcf: {  	[dreg:$0x1] =	wrdreg $0xFFFFFFFF  }
0xd0: {  	_ =	task.clear_ibuf [dreg:s22], $0x2FFFF;
	_ =	strace $0x9FFFFFFF  }
0xd1: {  	(tm) =	ssettm $0x7FFFFFFF  }
tec
execute0_lowered:
.L_overlay_start_1:
0x0: {  	(tag) =	ssettag $0x1  }
0x1: {  	s6 =	rddreg [dreg:$0x0]  }
0x2: {  	s1 =	rddreg [dreg:$0x1]  }
0x3: {  	s0 =	rddreg [dreg:$0x2]  }
0x4: {  	s2 =	simm.s32 $0x0;
	s3 =	srdreg.scid;
	s13 =	simm.s32 $0x100  }
0x5: {  	s14 =	simm.s32 $0x4100;
	s15 =	simm.s32 $0x1;
	s16 =	simm.s32 $0x2  }
0x6: {  	s17 =	simm.s32 $0x0;
	[smem:$0x7FF] =	sst s2;
	s4 =	sadd.s32 $0x4600, s6  }
0x7: {  	s7 =	sand.u32 $0x1, s3;
	s5 =	sadd.s32 $0x396800, s6;
	s3 =	stileid.u32  }
0x8: {  	s6 =	sadd.s32 $0x413800, s6;
	_ =	strace $0x80000056;
	s8 =	sshll.u32 s7, $0x4  }
0x9: {  	s9 =	ssub.s32 $0x2, s7;
	s7 =	smul.u32 $0x70, s7;
	s8 =	sor.u32 s3, s8  }
0xa: {  	s12 =	smul.u32 $0x7, s3;
	s10 =	sshrl.u32 s9, $0x1;
	s11 =	smin.u32 s8, $0x1A  }
0xb: {  	s9 =	ssub.s32 s9, s10;
	p0 =	slt.u32 s8, $0x1A;
	s30 =	sadd.s32 s7, s11  }
0xc: {  	s7 =	simm.s32 $0x8;
	s8 =	smax.u32 s9, $0x1;
	s10 =	sadd.s32 s12, s30  }
0xd: {  	s11 =	simm.s32 $0x3;
	s7 =	simm.s32 @!p0 $0x7;
	s31 =	sshll.u32 s10, $0x8  }
0xe: {  	s12 =	simm.s32 $0x80;
	s10 =	sshll.u32 s10, $0xB;
	s9 =	sadd.s32 $0x3E800, s31  }
.LBB2_1:
0xf: {  	p1 =	sne.s32 s7, $0x1  }
.Ltmp0:
0x10: {  	_ = 	snop;
	(pc) =	sbr.rel @!p1 .LBB2_2-.Ltmp0, $2  }
0x11: {  	_ =	sdelay $0x2  }
0x12: {  	s18 =	sadd.s32 $0xFFFFFFFF, s7;
	s21 =	sshrl.u32 s9, $0x3;
	p0 =	por $0x0, $0x0  }
0x13: {  	s19 =	sadd.s32 s1, s21  }
0x14: {  	[tilespmem:s2], [sflag:$0x3] =	stream.linear.gather [hbm4b:s19+s2], $0x100, $0x38;
	[tilespmem:$0x8100] =	vst v63  }
0x15: {  	_ =	swait.ge [sflag:s11], $0x100  }
0x16: {  	[sflag:s11] =	ssyncset.done $0x0  }
0x17: {  	[sflag:s11] =	ssyncadd.s32 $0xFFFFFF00  }
0x18: {  	[tilespmem:s13], [sflag:$0x1] =	stream.indirect.gather [hbm4b:s4+s12], $0x80, s2, s12, $0xb8;
	[tilespmem:$0x8100] =	vst v63  }
0x19: {  	_ = 	snop  }
0x1a: {  	[tilespmem:s14], [sflag:$0x2] =	stream.indirect.gather [hbm4b:s4+s12], $0x80, s12, s12, $0xb8;
	[tilespmem:$0x8100] =	vst v63  }
0x1b: {  	_ =	swait.ge [sflag:s15], $0x4000  }
0x1c: {  	s31 =	sand.u32 $0x1FFFF800, s10;
	[sflag:s15] =	ssyncset.done $0x0  }
0x1d: {  	s20 =	sadd.s32 s5, s31;
	[sflag:s15] =	ssyncadd.s32 $0xFFFFC000  }
0x1e: {  	[hbm4b:s20+s2] =	stream.linear.scatter [tilespmem:s13], [sflag:$0x3], $0x4000, $0x38;
	[tilespmem:$0x8100] =	vst v63  }
0x1f: {  	_ =	swait.ge [sflag:s11], $0x4000  }
0x20: {  	[sflag:s11] =	ssyncset.done $0x0  }
0x21: {  	[sflag:s11] =	ssyncadd.s32 $0xFFFFC000  }
0x22: {  	p1 =	sne.s32 s18, $0x1;
	_ =	swait.ge [sflag:s16], $0x4000  }
.Ltmp1:
0x23: {  	[sflag:s16] =	ssyncset.done $0x0;
	(pc) =	sbr.rel @!p1 .LBB2_4-.Ltmp1, $4  }
0x24: {  	s19 =	sadd.s32 s6, s31;
	s20 =	sadd.s32 $0x100, s9;
	[sflag:s16] =	ssyncadd.s32 $0xFFFFC000  }
0x25: {  	[hbm4b:s19+s2] =	stream.linear.scatter [tilespmem:s14], [sflag:$0x3], $0x4000, $0x38;
	[tilespmem:$0x8100] =	vst v63  }
0x26: {  	p0 =	por $0x1, $0x1;
	s21 =	sshrl.u32 s20, $0x3;
	_ =	swait.ge [sflag:s11], $0x4000  }
0x27: {  	s19 =	sadd.s32 $0xFFFFFFFF, s18;
	s18 =	smov.u32 s10;
	[sflag:s11] =	ssyncset.done $0x0  }
.LBB2_5:
0x28: {  	s21 =	sadd.s32 s1, s21;
	[sflag:s11] =	ssyncadd.s32 $0xFFFFC000;
	s18 =	sadd.s32 $0x800, s18  }
0x29: {  	[tilespmem:s2], [sflag:$0x3] =	stream.linear.gather [hbm4b:s21+s2], $0x100, $0x38;
	[tilespmem:$0x8100] =	vst v63  }
0x2a: {  	p1 =	sne.s32 s19, $0x1;
	s19 =	sadd.s32 $0xFFFFFFFF, s19;
	_ =	swait.ge [sflag:s11], $0x100  }
0x2b: {  	[sflag:s11] =	ssyncset.done $0x0  }
0x2c: {  	[sflag:s11] =	ssyncadd.s32 $0xFFFFFF00  }
0x2d: {  	[tilespmem:s13], [sflag:$0x1] =	stream.indirect.gather [hbm4b:s4+s12], $0x80, s2, s12, $0xb8;
	[tilespmem:$0x8100] =	vst v63  }
0x2e: {  	_ = 	snop  }
0x2f: {  	[tilespmem:s14], [sflag:$0x2] =	stream.indirect.gather [hbm4b:s4+s12], $0x80, s12, s12, $0xb8;
	[tilespmem:$0x8100] =	vst v63  }
0x30: {  	_ =	swait.ge [sflag:s15], $0x4000  }
0x31: {  	s21 =	sand.u32 $0x1FFFF800, s18;
	[sflag:s15] =	ssyncset.done $0x0  }
0x32: {  	s22 =	sadd.s32 s5, s21;
	[sflag:s15] =	ssyncadd.s32 $0xFFFFC000  }
0x33: {  	[hbm4b:s22+s2] =	stream.linear.scatter [tilespmem:s13], [sflag:$0x3], $0x4000, $0x38;
	[tilespmem:$0x8100] =	vst v63  }
0x34: {  	_ =	swait.ge [sflag:s11], $0x4000  }
0x35: {  	[sflag:s11] =	ssyncset.done $0x0  }
0x36: {  	[sflag:s11] =	ssyncadd.s32 $0xFFFFC000  }
0x37: {  	_ =	swait.ge [sflag:s16], $0x4000  }
.Ltmp2:
0x38: {  	[sflag:s16] =	ssyncset.done $0x0;
	(pc) =	sbr.rel @p1 .LBB2_5-.Ltmp2, $4  }
0x39: {  	s21 =	sadd.s32 s6, s21;
	[sflag:s16] =	ssyncadd.s32 $0xFFFFC000  }
0x3a: {  	[hbm4b:s21+s2] =	stream.linear.scatter [tilespmem:s14], [sflag:$0x3], $0x4000, $0x38;
	[tilespmem:$0x8100] =	vst v63  }
0x3b: {  	s20 =	sadd.s32 $0x100, s20;
	_ =	swait.ge [sflag:s11], $0x4000  }
0x3c: {  	s21 =	sshrl.u32 s20, $0x3;
	[sflag:s11] =	ssyncset.done $0x0  }
.LBB2_6:
0x3d: {  	s19 =	sadd.s32 s1, s21;
	[sflag:s11] =	ssyncadd.s32 @p0 $0xFFFFC000  }
0x3e: {  	[tilespmem:s2], [sflag:$0x3] =	stream.linear.gather [hbm4b:s19+s2], $0x100, $0x38;
	[tilespmem:$0x8100] =	vst v63  }
0x3f: {  	_ =	swait.ge [sflag:s11], $0x100  }
0x40: {  	[sflag:s11] =	ssyncset.done $0x0  }
0x41: {  	[sflag:s11] =	ssyncadd.s32 $0xFFFFFF00  }
0x42: {  	[tilespmem:s13], [sflag:$0x1] =	stream.indirect.gather [hbm4b:s4+s12], $0x80, s2, s12, $0xb8;
	[tilespmem:$0x8100] =	vst v63  }
0x43: {  	s18 =	sadd.s32 @p0 $0x800, s18;
	s19 =	smov.u32 s10  }
0x44: {  	[tilespmem:s14], [sflag:$0x2] =	stream.indirect.gather [hbm4b:s4+s12], $0x80, s12, s12, $0xb8;
	[tilespmem:$0x8100] =	vst v63  }
0x45: {  	s19 =	smov.u32 @p0 s18;
	_ =	swait.ge [sflag:s15], $0x4000  }
0x46: {  	s18 =	sand.u32 $0x1FFFF800, s19;
	[sflag:s15] =	ssyncset.done $0x0  }
0x47: {  	s19 =	sadd.s32 s5, s18;
	[sflag:s15] =	ssyncadd.s32 $0xFFFFC000  }
0x48: {  	[hbm4b:s19+s2] =	stream.linear.scatter [tilespmem:s13], [sflag:$0x3], $0x4000, $0x38;
	[tilespmem:$0x8100] =	vst v63  }
0x49: {  	_ =	swait.ge [sflag:s11], $0x4000  }
0x4a: {  	[sflag:s11] =	ssyncset.done $0x0  }
0x4b: {  	[sflag:s11] =	ssyncadd.s32 $0xFFFFC000  }
0x4c: {  	_ =	swait.ge [sflag:s16], $0x4000  }
0x4d: {  	s17 =	sadd.s32 $0x1, s17;
	[sflag:s16] =	ssyncset.done $0x0  }
0x4e: {  	p0 =	sne.s32 s17, s8;
	s18 =	sadd.s32 s6, s18;
	[sflag:s16] =	ssyncadd.s32 $0xFFFFC000  }
0x4f: {  	[hbm4b:s18+s2] =	stream.linear.scatter [tilespmem:s14], [sflag:$0x3], $0x4000, $0x38;
	[tilespmem:$0x8100] =	vst v63  }
.Ltmp3:
0x50: {  	_ = 	snop;
	(pc) =	sbr.rel @p0 .LBB2_1-.Ltmp3, $4  }
.Ltmp4:
0x51: {  	_ = 	snop;
	(pc) =	sbr.rel @!p0 .LBB2_7-.Ltmp4, $4  }
0x52: {  	_ =	swait.ge [sflag:s11], $0x4000  }
0x53: {  	[sflag:s11] =	ssyncset.done $0x0  }
0x54: {  	[sflag:s11] =	ssyncadd.s32 $0xFFFFC000  }
0x55: {  	_ = 	snop  }
.LBB2_2:
.Ltmp5:
0x56: {  	(pc) =	sbr.rel .LBB2_6-.Ltmp5, $2  }
0x57: {  	_ =	sdelay $0x2  }
0x58: {  	s18 =	smov.u32 s10  }
.LBB2_4:
.Ltmp6:
0x59: {  	(pc) =	sbr.rel .LBB2_6-.Ltmp6, $2  }
0x5a: {  	_ =	sdelay $0x2  }
0x5b: {  	s18 =	smov.u32 s10  }
.LBB2_7:
0x5c: {  	_ =	sfence.sel $0x180000  }
0x5d: {  	[bflag:$0x0] =	sbarrier.arrive $0xFFFF  }
0x5e: {  	p0 =	sne.s32 s3, $0x0;
	_ =	strace $0x90000056  }
0x5f: {  	s0 =	sadd.s32 @!p0 $0x100000, s0;
	[bflag:$0x2] =	sbarrier.arrive $0xFFFF  }
0x60: {  	[sflag:s0] =	ssyncadd.tile.s32 @!p0 $0x1;
	_ =	shalt  }
.Lfunc_end2:
_tile_overlayer_lowered:
.L_overlay_start_2:
0x61: {  	(tag) =	ssettag $0x2  }
0x62: {  	s0 =	rddreg [dreg:$0x0];
	s2 =	stileid.u32  }
0x63: {  	s1 =	rddreg [dreg:$0x1];
	p0 =	sne.s32 s2, $0x0  }
0x64: {  	s3 =	rddreg [dreg:$0x2];
	[bflag:$0x3] =	sbarrier.arrive $0xFFFF;
	s2 =	simm.s32 @!p0 $0x1C03  }
0x65: {  	[timem:s3], [sflag:s2] =	dma.local @!p0 [hbm:s0], s1  }
0x66: {  	s0 =	simm.s32 @!p0 $0x3  }
0x67: {  	_ =	swait.ge @!p0 [sflag:s0], s1  }
0x68: {  	s1 =	ssub.s32 @!p0 $0x0, s1;
	[sflag:s0] =	ssyncset.done @!p0 $0x0  }
0x69: {  	[sflag:s0] =	ssyncadd.s32 @!p0 s1  }
0x6a: {  	[bflag:$0x3] =	sbarrier.arrive $0xFFFF  }
0x6b: {  	_ =	shalt  }

// kernel: edge_gather_32000.3.cloned.1.call-start
scs
__scs_entry_jumppad:
0x0: {  	(pc) =	sbr.rel $0x88, $3  }
0x1: {  	(tag) =	ssettag $0x0;
	lr =	simm.s32 $0x1  }
0x2: {  	[smem:$0x3F96] =	sst lr;
	_ =	strace $0xD0000000  }
0x3: {  	_ = 	snop  }
0x4: {  	_ = 	snop  }
0x5: {  	_ = 	snop  }
0x6: {  	_ = 	snop  }
0x7: {  	_ = 	snop  }
__scs_overlays_trampoline_lowered:
0x8: {  	[smem:$0x3FA5] =	sst s0  }
0x9: {  	[smem:$0x3FA6] =	sst s1  }
0xa: {  	[smem:$0x3FA7] =	sst s2  }
0xb: {  	[smem:$0x3FA8] =	sst s3  }
0xc: {  	[smem:$0x3FA9] =	sst s4  }
0xd: {  	[smem:$0x3FAA] =	sst s5  }
0xe: {  	[smem:$0x3FAB] =	sst s6  }
0xf: {  	[smem:$0x3FAC] =	sst s7  }
0x10: {  	[smem:$0x3FAD] =	sst s8  }
0x11: {  	[smem:$0x3FAE] =	sst s9;
	s0 =	simm.s32 @!p0 $0x0  }
0x12: {  	s1 =	sld [smem:$0x3F94];
	s0 =	simm.s32 @p0 $0x1  }
0x13: {  	[smem:$0x3FAF] =	sst s0;
	s0 =	simm.s32 @!p1 $0x0  }
0x14: {  	s2 =	sld [smem:$0x3F93];
	s0 =	simm.s32 @p1 $0x1  }
0x15: {  	[smem:$0x3FB0] =	sst s0;
	s0 =	simm.s32 @!p2 $0x0  }
0x16: {  	s3 =	sld [smem:$0x3FDB];
	s0 =	simm.s32 @p2 $0x1  }
0x17: {  	s4 =	simm.s32 $0x1BF5;
	[smem:$0x3FB2] =	sst s0  }
0x18: {  	s0 =	sld [smem:$0x3F95];
	_ =	swait.ge [sflag:s4], $0x0  }
0x19: {  	s7 =	sld [smem:$0x3F96]  }
0x1a: {  	s8 =	sadd.s32 $0xFFFFE003, lr  }
0x1b: {  	s9 =	sadd.s32 $0xFFFFFEF7, lr;
	s5 =	simm.s32 $0xFFFFFFFF;
	p2 =	slt.u32 s8, $0xFFFFF086  }
0x1c: {  	p1 =	slt.u32 s9, $0xF7A;
	s5 =	simm.s32 @!p2 $0x0  }
0x1d: {  	s5 =	simm.s32 @p1 $0x1;
	p0 =	seq.s32 s7, s2  }
0x1e: {  	s7 =	smul.u32 @!p0 $0xF7A, s2;
	p2 =	seq.s32 @!p0 s5, $0x0  }
0x1f: {  	s9 =	smul.u32 $0xF7A, s1;
	s8 =	simm.s32 @!p0 $0x1BF5;
	p2 =	por !p2, p0  }
0x20: {  	[sflag:s8] =	ssyncset.s32 @!p0 $0xFFFFF086;
	s6 =	sadd.s32 @!p0 s3, s7;
	s7 =	simm.s32 @!p0 $0x108  }
0x21: {  	s3 =	sadd.s32 s3, s9;
	s6 =	sadd.s32 @!p0 $0x88, s6;
	s7 =	simm.s32 @p2 $0x1082  }
0x22: {  	[simem:s7], [sflag:s8] =	dma.local @!p0 [hbm:s6], $0xF7A  }
0x23: {  	s9 =	sor.u32 $0xD0000000, s2;
	s6 =	simm.s32 $0x108;
	_ =	swait.ge @!p0 [sflag:s8], $0x0  }
0x24: {  	s3 =	sadd.s32 $0x88, s3;
	s6 =	simm.s32 @!p1 $0x1082;
	[sflag:s4] =	ssyncset.s32 $0xFFFFF086  }
0x25: {  	[simem:s6], [sflag:s4] =	dma.local [hbm:s3], $0xF7A  }
0x26: {  	[smem:$0x3F96] =	sst s1;
	(tag) =	ssettag s2;
	_ =	strace s9  }
0x27: {  	s1 =	sld [smem:$0x3FA6]  }
0x28: {  	s2 =	sld [smem:$0x3FA7]  }
0x29: {  	s4 =	sld [smem:$0x3FA9]  }
0x2a: {  	p0 =	seq.s32 s5, $0x0;
	s5 =	sld [smem:$0x3FAA]  }
0x2b: {  	s6 =	sld [smem:$0x3FAB]  }
0x2c: {  	s7 =	sld [smem:$0x3FAC]  }
0x2d: {  	s3 =	simm.s32 $0x108;
	s8 =	sld [smem:$0x3FAD]  }
0x2e: {  	s3 =	simm.s32 @!p0 $0x1082;
	s9 =	sld [smem:$0x3FAE]  }
0x2f: {  	lr =	sadd.s32 s0, s3;
	s0 =	sld [smem:$0x3FA5]  }
0x30: {  	s3 =	sld [smem:$0x3FA8]  }
0x31: {  	[smem:$0x3FB1] =	sst s10  }
0x32: {  	s10 =	sld [smem:$0x3FAF];
	_ =	sdelay $0x3  }
0x33: {  	p0 =	seq.s32 s10, $0x1;
	s10 =	sld [smem:$0x3FB1];
	_ =	sdelay $0x3  }
0x34: {  	[smem:$0x3FB1] =	sst s10  }
0x35: {  	s10 =	sld [smem:$0x3FB0];
	_ =	sdelay $0x3  }
0x36: {  	p1 =	seq.s32 s10, $0x1;
	s10 =	sld [smem:$0x3FB1];
	_ =	sdelay $0x3  }
0x37: {  	[smem:$0x3FB1] =	sst s10  }
0x38: {  	s10 =	sld [smem:$0x3FB2]  }
0x39: {  	_ = 	snop;
	(pc) =	sbr.ind lr, $3  }
0x3a: {  	_ = 	snop  }
0x3b: {  	_ = 	snop  }
0x3c: {  	p2 =	seq.s32 s10, $0x1;
	s10 =	sld [smem:$0x3FB1]  }
0x3d: {  	_ =	shalt  }
0x3e: {  	_ =	shalt  }
0x3f: {  	_ =	shalt  }
0x40: {  	_ =	shalt  }
0x41: {  	_ =	shalt  }
0x42: {  	_ =	shalt  }
0x43: {  	_ =	shalt  }
0x44: {  	_ =	shalt  }
0x45: {  	_ =	shalt  }
0x46: {  	_ =	shalt  }
0x47: {  	_ =	shalt  }
0x48: {  	_ =	shalt  }
0x49: {  	_ =	shalt  }
0x4a: {  	_ =	shalt  }
0x4b: {  	_ =	shalt  }
0x4c: {  	_ =	shalt  }
0x4d: {  	_ =	shalt  }
0x4e: {  	_ =	shalt  }
0x4f: {  	_ =	shalt  }
0x50: {  	_ =	shalt  }
0x51: {  	_ =	shalt  }
0x52: {  	_ =	shalt  }
0x53: {  	_ =	shalt  }
0x54: {  	_ =	shalt  }
0x55: {  	_ =	shalt  }
0x56: {  	_ =	shalt  }
0x57: {  	_ =	shalt  }
0x58: {  	_ =	shalt  }
0x59: {  	_ =	shalt  }
0x5a: {  	_ =	shalt  }
0x5b: {  	_ =	shalt  }
0x5c: {  	_ =	shalt  }
0x5d: {  	_ =	shalt  }
0x5e: {  	_ =	shalt  }
0x5f: {  	_ =	shalt  }
0x60: {  	_ =	shalt  }
0x61: {  	_ =	shalt  }
0x62: {  	_ =	shalt  }
0x63: {  	_ =	shalt  }
0x64: {  	_ =	shalt  }
0x65: {  	_ =	shalt  }
0x66: {  	_ =	shalt  }
0x67: {  	_ =	shalt  }
0x68: {  	_ =	shalt  }
0x69: {  	_ =	shalt  }
0x6a: {  	_ =	shalt  }
0x6b: {  	_ =	shalt  }
0x6c: {  	_ =	shalt  }
0x6d: {  	_ =	shalt  }
0x6e: {  	_ =	shalt  }
0x6f: {  	_ =	shalt  }
0x70: {  	_ =	shalt  }
0x71: {  	_ =	shalt  }
0x72: {  	_ =	shalt  }
0x73: {  	_ =	shalt  }
0x74: {  	_ =	shalt  }
0x75: {  	_ =	shalt  }
0x76: {  	_ =	shalt  }
0x77: {  	_ =	shalt  }
0x78: {  	_ =	shalt  }
0x79: {  	_ =	shalt  }
0x7a: {  	_ =	shalt  }
0x7b: {  	_ =	shalt  }
0x7c: {  	_ =	shalt  }
0x7d: {  	_ =	shalt  }
0x7e: {  	_ =	shalt  }
0x7f: {  	_ =	shalt  }
0x80: {  	_ =	shalt  }
0x81: {  	_ =	shalt  }
0x82: {  	_ =	shalt  }
0x83: {  	_ =	shalt  }
0x84: {  	_ =	shalt  }
0x85: {  	_ =	shalt  }
0x86: {  	_ =	shalt  }
0x87: {  	_ =	shalt  }
.Lfunc_end0:
.L_simem_size_0:
called_computation.2_lowered:
.L_overlay_start_0:
0x88: {  	s2 =	sld [smem:$0x3FD9]  }
0x89: {  	s3 =	sld [smem:$0x3FFE];
	_ =	sdelay $0x1  }
0x8a: {  	s1 =	srdreg.scid  }
0x8b: {  	s0 =	sand.u32 $0x1, s1  }
0x8c: {  	s17 =	sshll.u32 s0, $0xA;
	s2 =	sadd.s32 s3, s2  }
0x8d: {  	s2 =	sadd.s32 s2, s17  }
0x8e: {  	[smem:$0x3FBD] =	sst s2  }
0x8f: {  	_ = 	snop  }
0x90: {  	s18 =	sld [smem:$0x3FC7];
	(tm) =	ssettm $0x1  }
0x91: {  	s19 =	sld [smem:$0x3FFB];
	_ =	sdelay $0x3  }
0x92: {  	_ =	strace s19  }
0x93: {  	s2 =	sld [smem:$0x3FFC];
	_ =	sdelay $0x3  }
0x94: {  	_ =	strace s2  }
0x95: {  	s2 =	sld [smem:$0x3FFD];
	_ =	sdelay $0x3  }
0x96: {  	_ =	strace s2  }
0x97: {  	_ =	strace $0x8FFFFFFF  }
0x98: {  	s20 =	sld [smem:$0x3FDB];
	_ =	sdelay $0x1  }
0x99: {  	s4 =	simm.s32 $_scs_section_size  }
0x9a: {  	s5 =	simm.s32 $_size__tile_overlayer_lowered;
	s6 =	simm.s32 $_tile_overlayer_lowered  }
0x9b: {  	s7 =	simm.s32 $0x1BFF;
	s21 =	sshll.u32 s6, $0x1;
	s4 =	sadd.s32 s4, s20  }
0x9c: {  	s22 =	simm.s32 $0x0;
	s5 =	sshll.u32 s5, $0x1;
	s6 =	sadd.s32 s21, s4  }
0x9d: {  	[timem:s22], [sflag:s7] =	dma.local [hbm:s6], s5  }
0x9e: {  	_ =	swait.ge [sflag:s7], s5  }
0x9f: {  	s5 =	ssub.s32 $0x0, s5;
	[sflag:s7] =	ssyncset.done $0x0  }
0xa0: {  	[sflag:s7] =	ssyncadd.s32 s5;
	_ =	sdelay $0x1  }
0xa1: {  	s23 =	simm.s32 $0x1B8B  }
0xa2: {  	_ =	swait.ge [sflag:s23], $0x1  }
0xa3: {  	[sflag:s23] =	ssyncset.done $0x0  }
0xa4: {  	[sflag:s23] =	ssyncadd.s32 $0xFFFFFFFF  }
0xa5: {  	s5 =	sld [smem:$0x0]  }
0xa6: {  	s6 =	sand.u32 $0xFFFFFFFE, s1  }
0xa7: {  	p0 =	sne.s32 s1, s6  }
0xa8: {  	s6 =	sshll.u32 @p0 s6, $0xE  }
0xa9: {  	s6 =	sadd.s32 @p0 $0x11B8D, s6;
	s7 =	sshll.u32 @p0 s5, $0x11  }
0xaa: {  	s6 =	sor.u32 @p0 s7, s6  }
0xab: {  	[sflag:s6] =	ssyncadd.remote.s32 @p0 $0x1;
	_ =	sdelay $0x1  }
0xac: {  	s6 =	simm.s32 @p0 $0x1B8D  }
0xad: {  	_ =	swait.eq @p0 [sflag:s6], $0x1  }
0xae: {  	[sflag:s6] =	ssyncadd.s32 @p0 $0xFFFFFFFF  }
0xaf: {  	s7 =	sshll.u32 @!p0 s1, $0xE  }
0xb0: {  	s7 =	sor.u32 @!p0 $0x4000, s7;
	s6 =	simm.s32 @!p0 $0x1B8D  }
0xb1: {  	s5 =	sshll.u32 @!p0 s5, $0x11;
	s7 =	sadd.s32 @!p0 $0x11B8D, s7;
	_ =	swait.eq @!p0 [sflag:s6], $0x1  }
0xb2: {  	s5 =	sor.u32 @!p0 s5, s7;
	[sflag:s6] =	ssyncadd.s32 @!p0 $0xFFFFFFFF  }
0xb3: {  	s25 =	simm.s32 $0x1B8E;
	s24 =	sld [smem:$0x3FFE];
	[sflag:s5] =	ssyncadd.remote.s32 @!p0 $0x1  }
0xb4: {  	s26 =	simm.s32 $execute0_lowered;
	[smem:$0x3FD2] =	sst s25  }
0xb5: {  	s6 =	sshll.u32 s26, $0x1;
	_ =	strace $0x8000004C;
	[dreg:$0x1] =	wrdreg $0xFFFFFFFF  }
0xb6: {  	s28 =	simm.s32 $_size_execute0_lowered;
	s4 =	sadd.s32 s4, s6;
	[dreg:$0x0] =	wrdreg $0x0  }
0xb7: {  	s6 =	sshll.u32 s28, $0x1;
	[dreg:$0x2] =	wrdreg s4  }
0xb8: {  	[dreg:$0x3] =	wrdreg s6  }
0xb9: {  	[dreg:$0x4] =	wrdreg $0xC0  }
0xba: {  	_ =	task [dreg:s22], $0x5FFFF  }
0xbb: {  	[dreg:$0x1] =	wrdreg $0xFFFFFFFF  }
0xbc: {  	[dreg:$0x0] =	wrdreg $0x60  }
0xbd: {  	[dreg:$0x2] =	wrdreg s24  }
0xbe: {  	[dreg:$0x3] =	wrdreg s18  }
0xbf: {  	[dreg:$0x4] =	wrdreg $0xA  }
0xc0: {  	_ =	task.clear_ibuf [dreg:s22], $0x5FFFF;
	_ =	strace $0x9000004C  }
0xc1: {  	s29 =	simm.s32 $0xA;
	_ =	strace $0x8000004E  }
0xc2: {  	_ =	swait.ge [sflag:s29], $0x1  }
0xc3: {  	[sflag:s29] =	ssyncadd.s32 $0xFFFFFFFF  }
0xc4: {  	_ =	strace $0x9000004E  }
0xc5: {  	_ =	sfence  }
0xc6: {  	s30 =	sld [smem:$0x0];
	_ =	sdelay $0x2  }
0xc7: {  	s31 =	sshll.u32 s1, $0xD;
	s1 =	sshrl.u32 s1, $0x2  }
0xc8: {  	s4 =	sand.u32 $0x4000, s31;
	s1 =	sadd.s32 s1, s30  }
0xc9: {  	s0 =	sor.u32 s4, s0;
	s1 =	sshll.u32 s1, $0x11  }
0xca: {  	s0 =	sor.u32 s1, s0  }
0xcb: {  	s0 =	sadd.s32 $0x8F2B, s0  }
0xcc: {  	[sflag:s0] =	ssyncadd.remote.s32 $0x1  }
0xcd: {  	_ =	sfence.sel $0xFFFF  }
0xce: {  	[dreg:$0x0] =	wrdreg $0xFFFFFFFF;
	(pc) =	sbr.abs _section_cstart, $3  }
0xcf: {  	[dreg:$0x1] =	wrdreg $0xFFFFFFFF  }
0xd0: {  	_ =	task.clear_ibuf [dreg:s22], $0x2FFFF;
	_ =	strace $0x9FFFFFFF  }
0xd1: {  	(tm) =	ssettm $0x7FFFFFFF  }
tec
execute0_lowered:
.L_overlay_start_1:
0x0: {  	(tag) =	ssettag $0x1  }
0x1: {  	s6 =	rddreg [dreg:$0x0]  }
0x2: {  	s1 =	rddreg [dreg:$0x1]  }
0x3: {  	s0 =	rddreg [dreg:$0x2]  }
0x4: {  	s2 =	simm.s32 $0x0;
	s3 =	srdreg.scid;
	s13 =	simm.s32 $0x100  }
0x5: {  	s14 =	simm.s32 $0x4100;
	s15 =	simm.s32 $0x1;
	s16 =	simm.s32 $0x2  }
0x6: {  	s17 =	simm.s32 $0x0;
	[smem:$0x7FF] =	sst s2;
	s4 =	sadd.s32 $0x4600, s6  }
0x7: {  	s7 =	sand.u32 $0x1, s3;
	s5 =	sadd.s32 $0x125800, s6;
	s3 =	stileid.u32  }
0x8: {  	s6 =	sadd.s32 $0x1A2800, s6;
	_ =	strace $0x8000004D;
	s8 =	sshll.u32 s7, $0x4  }
0x9: {  	s9 =	ssub.s32 $0x2, s7;
	s7 =	smul.u32 $0x70, s7;
	s8 =	sor.u32 s3, s8  }
0xa: {  	s12 =	smul.u32 $0x7, s3;
	s10 =	sshrl.u32 s9, $0x1;
	s11 =	smin.u32 s8, $0x1A  }
0xb: {  	s9 =	ssub.s32 s9, s10;
	p0 =	slt.u32 s8, $0x1A;
	s30 =	sadd.s32 s7, s11  }
0xc: {  	s7 =	simm.s32 $0x8;
	s8 =	smax.u32 s9, $0x1;
	s10 =	sadd.s32 s12, s30  }
0xd: {  	s11 =	simm.s32 $0x3;
	s7 =	simm.s32 @!p0 $0x7;
	s31 =	sshll.u32 s10, $0x8  }
0xe: {  	s12 =	simm.s32 $0x80;
	s10 =	sshll.u32 s10, $0xB;
	s9 =	sadd.s32 $0xFA00, s31  }
.LBB2_1:
0xf: {  	p1 =	sne.s32 s7, $0x1  }
.Ltmp0:
0x10: {  	_ = 	snop;
	(pc) =	sbr.rel @!p1 .LBB2_2-.Ltmp0, $2  }
0x11: {  	_ =	sdelay $0x2  }
0x12: {  	s18 =	sadd.s32 $0xFFFFFFFF, s7;
	s21 =	sshrl.u32 s9, $0x3;
	p0 =	por $0x0, $0x0  }
0x13: {  	s19 =	sadd.s32 s1, s21  }
0x14: {  	[tilespmem:s2], [sflag:$0x3] =	stream.linear.gather [hbm4b:s19+s2], $0x100, $0x38;
	[tilespmem:$0x8100] =	vst v63  }
0x15: {  	_ =	swait.ge [sflag:s11], $0x100  }
0x16: {  	[sflag:s11] =	ssyncset.done $0x0  }
0x17: {  	[sflag:s11] =	ssyncadd.s32 $0xFFFFFF00  }
0x18: {  	[tilespmem:s13], [sflag:$0x1] =	stream.indirect.gather [hbm4b:s4+s12], $0x80, s2, s12, $0xb8;
	[tilespmem:$0x8100] =	vst v63  }
0x19: {  	_ = 	snop  }
0x1a: {  	[tilespmem:s14], [sflag:$0x2] =	stream.indirect.gather [hbm4b:s4+s12], $0x80, s12, s12, $0xb8;
	[tilespmem:$0x8100] =	vst v63  }
0x1b: {  	_ =	swait.ge [sflag:s15], $0x4000  }
0x1c: {  	s31 =	sand.u32 $0x1FFFF800, s10;
	[sflag:s15] =	ssyncset.done $0x0  }
0x1d: {  	s20 =	sadd.s32 s5, s31;
	[sflag:s15] =	ssyncadd.s32 $0xFFFFC000  }
0x1e: {  	[hbm4b:s20+s2] =	stream.linear.scatter [tilespmem:s13], [sflag:$0x3], $0x4000, $0x38;
	[tilespmem:$0x8100] =	vst v63  }
0x1f: {  	_ =	swait.ge [sflag:s11], $0x4000  }
0x20: {  	[sflag:s11] =	ssyncset.done $0x0  }
0x21: {  	[sflag:s11] =	ssyncadd.s32 $0xFFFFC000  }
0x22: {  	p1 =	sne.s32 s18, $0x1;
	_ =	swait.ge [sflag:s16], $0x4000  }
.Ltmp1:
0x23: {  	[sflag:s16] =	ssyncset.done $0x0;
	(pc) =	sbr.rel @!p1 .LBB2_4-.Ltmp1, $4  }
0x24: {  	s19 =	sadd.s32 s6, s31;
	s20 =	sadd.s32 $0x100, s9;
	[sflag:s16] =	ssyncadd.s32 $0xFFFFC000  }
0x25: {  	[hbm4b:s19+s2] =	stream.linear.scatter [tilespmem:s14], [sflag:$0x3], $0x4000, $0x38;
	[tilespmem:$0x8100] =	vst v63  }
0x26: {  	p0 =	por $0x1, $0x1;
	s21 =	sshrl.u32 s20, $0x3;
	_ =	swait.ge [sflag:s11], $0x4000  }
0x27: {  	s19 =	sadd.s32 $0xFFFFFFFF, s18;
	s18 =	smov.u32 s10;
	[sflag:s11] =	ssyncset.done $0x0  }
.LBB2_5:
0x28: {  	s21 =	sadd.s32 s1, s21;
	[sflag:s11] =	ssyncadd.s32 $0xFFFFC000;
	s18 =	sadd.s32 $0x800, s18  }
0x29: {  	[tilespmem:s2], [sflag:$0x3] =	stream.linear.gather [hbm4b:s21+s2], $0x100, $0x38;
	[tilespmem:$0x8100] =	vst v63  }
0x2a: {  	p1 =	sne.s32 s19, $0x1;
	s19 =	sadd.s32 $0xFFFFFFFF, s19;
	_ =	swait.ge [sflag:s11], $0x100  }
0x2b: {  	[sflag:s11] =	ssyncset.done $0x0  }
0x2c: {  	[sflag:s11] =	ssyncadd.s32 $0xFFFFFF00  }
0x2d: {  	[tilespmem:s13], [sflag:$0x1] =	stream.indirect.gather [hbm4b:s4+s12], $0x80, s2, s12, $0xb8;
	[tilespmem:$0x8100] =	vst v63  }
0x2e: {  	_ = 	snop  }
0x2f: {  	[tilespmem:s14], [sflag:$0x2] =	stream.indirect.gather [hbm4b:s4+s12], $0x80, s12, s12, $0xb8;
	[tilespmem:$0x8100] =	vst v63  }
0x30: {  	_ =	swait.ge [sflag:s15], $0x4000  }
0x31: {  	s21 =	sand.u32 $0x1FFFF800, s18;
	[sflag:s15] =	ssyncset.done $0x0  }
0x32: {  	s22 =	sadd.s32 s5, s21;
	[sflag:s15] =	ssyncadd.s32 $0xFFFFC000  }
0x33: {  	[hbm4b:s22+s2] =	stream.linear.scatter [tilespmem:s13], [sflag:$0x3], $0x4000, $0x38;
	[tilespmem:$0x8100] =	vst v63  }
0x34: {  	_ =	swait.ge [sflag:s11], $0x4000  }
0x35: {  	[sflag:s11] =	ssyncset.done $0x0  }
0x36: {  	[sflag:s11] =	ssyncadd.s32 $0xFFFFC000  }
0x37: {  	_ =	swait.ge [sflag:s16], $0x4000  }
.Ltmp2:
0x38: {  	[sflag:s16] =	ssyncset.done $0x0;
	(pc) =	sbr.rel @p1 .LBB2_5-.Ltmp2, $4  }
0x39: {  	s21 =	sadd.s32 s6, s21;
	[sflag:s16] =	ssyncadd.s32 $0xFFFFC000  }
0x3a: {  	[hbm4b:s21+s2] =	stream.linear.scatter [tilespmem:s14], [sflag:$0x3], $0x4000, $0x38;
	[tilespmem:$0x8100] =	vst v63  }
0x3b: {  	s20 =	sadd.s32 $0x100, s20;
	_ =	swait.ge [sflag:s11], $0x4000  }
0x3c: {  	s21 =	sshrl.u32 s20, $0x3;
	[sflag:s11] =	ssyncset.done $0x0  }
.LBB2_6:
0x3d: {  	s19 =	sadd.s32 s1, s21;
	[sflag:s11] =	ssyncadd.s32 @p0 $0xFFFFC000  }
0x3e: {  	[tilespmem:s2], [sflag:$0x3] =	stream.linear.gather [hbm4b:s19+s2], $0x100, $0x38;
	[tilespmem:$0x8100] =	vst v63  }
0x3f: {  	_ =	swait.ge [sflag:s11], $0x100  }
0x40: {  	[sflag:s11] =	ssyncset.done $0x0  }
0x41: {  	[sflag:s11] =	ssyncadd.s32 $0xFFFFFF00  }
0x42: {  	[tilespmem:s13], [sflag:$0x1] =	stream.indirect.gather [hbm4b:s4+s12], $0x80, s2, s12, $0xb8;
	[tilespmem:$0x8100] =	vst v63  }
0x43: {  	s18 =	sadd.s32 @p0 $0x800, s18;
	s19 =	smov.u32 s10  }
0x44: {  	[tilespmem:s14], [sflag:$0x2] =	stream.indirect.gather [hbm4b:s4+s12], $0x80, s12, s12, $0xb8;
	[tilespmem:$0x8100] =	vst v63  }
0x45: {  	s19 =	smov.u32 @p0 s18;
	_ =	swait.ge [sflag:s15], $0x4000  }
0x46: {  	s18 =	sand.u32 $0x1FFFF800, s19;
	[sflag:s15] =	ssyncset.done $0x0  }
0x47: {  	s19 =	sadd.s32 s5, s18;
	[sflag:s15] =	ssyncadd.s32 $0xFFFFC000  }
0x48: {  	[hbm4b:s19+s2] =	stream.linear.scatter [tilespmem:s13], [sflag:$0x3], $0x4000, $0x38;
	[tilespmem:$0x8100] =	vst v63  }
0x49: {  	_ =	swait.ge [sflag:s11], $0x4000  }
0x4a: {  	[sflag:s11] =	ssyncset.done $0x0  }
0x4b: {  	[sflag:s11] =	ssyncadd.s32 $0xFFFFC000  }
0x4c: {  	_ =	swait.ge [sflag:s16], $0x4000  }
0x4d: {  	s17 =	sadd.s32 $0x1, s17;
	[sflag:s16] =	ssyncset.done $0x0  }
0x4e: {  	p0 =	sne.s32 s17, s8;
	s18 =	sadd.s32 s6, s18;
	[sflag:s16] =	ssyncadd.s32 $0xFFFFC000  }
0x4f: {  	[hbm4b:s18+s2] =	stream.linear.scatter [tilespmem:s14], [sflag:$0x3], $0x4000, $0x38;
	[tilespmem:$0x8100] =	vst v63  }
.Ltmp3:
0x50: {  	_ = 	snop;
	(pc) =	sbr.rel @p0 .LBB2_1-.Ltmp3, $4  }
.Ltmp4:
0x51: {  	_ = 	snop;
	(pc) =	sbr.rel @!p0 .LBB2_7-.Ltmp4, $4  }
0x52: {  	_ =	swait.ge [sflag:s11], $0x4000  }
0x53: {  	[sflag:s11] =	ssyncset.done $0x0  }
0x54: {  	[sflag:s11] =	ssyncadd.s32 $0xFFFFC000  }
0x55: {  	_ = 	snop  }
.LBB2_2:
.Ltmp5:
0x56: {  	(pc) =	sbr.rel .LBB2_6-.Ltmp5, $2  }
0x57: {  	_ =	sdelay $0x2  }
0x58: {  	s18 =	smov.u32 s10  }
.LBB2_4:
.Ltmp6:
0x59: {  	(pc) =	sbr.rel .LBB2_6-.Ltmp6, $2  }
0x5a: {  	_ =	sdelay $0x2  }
0x5b: {  	s18 =	smov.u32 s10  }
.LBB2_7:
0x5c: {  	_ =	sfence.sel $0x180000  }
0x5d: {  	[bflag:$0x0] =	sbarrier.arrive $0xFFFF  }
0x5e: {  	p0 =	sne.s32 s3, $0x0;
	_ =	strace $0x9000004D  }
0x5f: {  	s0 =	sadd.s32 @!p0 $0x100000, s0;
	[bflag:$0x2] =	sbarrier.arrive $0xFFFF  }
0x60: {  	[sflag:s0] =	ssyncadd.tile.s32 @!p0 $0x1;
	_ =	shalt  }
.Lfunc_end2:
_tile_overlayer_lowered:
.L_overlay_start_2:
0x61: {  	(tag) =	ssettag $0x2  }
0x62: {  	s0 =	rddreg [dreg:$0x0];
	s2 =	stileid.u32  }
0x63: {  	s1 =	rddreg [dreg:$0x1];
	p0 =	sne.s32 s2, $0x0  }
0x64: {  	s3 =	rddreg [dreg:$0x2];
	[bflag:$0x3] =	sbarrier.arrive $0xFFFF;
	s2 =	simm.s32 @!p0 $0x1C03  }
0x65: {  	[timem:s3], [sflag:s2] =	dma.local @!p0 [hbm:s0], s1  }
0x66: {  	s0 =	simm.s32 @!p0 $0x3  }
0x67: {  	_ =	swait.ge @!p0 [sflag:s0], s1  }
0x68: {  	s1 =	ssub.s32 @!p0 $0x0, s1;
	[sflag:s0] =	ssyncset.done @!p0 $0x0  }
0x69: {  	[sflag:s0] =	ssyncadd.s32 @!p0 s1  }
0x6a: {  	[bflag:$0x3] =	sbarrier.arrive $0xFFFF  }
0x6b: {  	_ =	shalt  }

// kernel: edge_gather_64000.3.cloned.1.call-start
scs
__scs_entry_jumppad:
0x0: {  	(pc) =	sbr.rel $0x88, $3  }
0x1: {  	(tag) =	ssettag $0x0;
	lr =	simm.s32 $0x1  }
0x2: {  	[smem:$0x3F96] =	sst lr;
	_ =	strace $0xD0000000  }
0x3: {  	_ = 	snop  }
0x4: {  	_ = 	snop  }
0x5: {  	_ = 	snop  }
0x6: {  	_ = 	snop  }
0x7: {  	_ = 	snop  }
__scs_overlays_trampoline_lowered:
0x8: {  	[smem:$0x3FA5] =	sst s0  }
0x9: {  	[smem:$0x3FA6] =	sst s1  }
0xa: {  	[smem:$0x3FA7] =	sst s2  }
0xb: {  	[smem:$0x3FA8] =	sst s3  }
0xc: {  	[smem:$0x3FA9] =	sst s4  }
0xd: {  	[smem:$0x3FAA] =	sst s5  }
0xe: {  	[smem:$0x3FAB] =	sst s6  }
0xf: {  	[smem:$0x3FAC] =	sst s7  }
0x10: {  	[smem:$0x3FAD] =	sst s8  }
0x11: {  	[smem:$0x3FAE] =	sst s9;
	s0 =	simm.s32 @!p0 $0x0  }
0x12: {  	s1 =	sld [smem:$0x3F94];
	s0 =	simm.s32 @p0 $0x1  }
0x13: {  	[smem:$0x3FAF] =	sst s0;
	s0 =	simm.s32 @!p1 $0x0  }
0x14: {  	s2 =	sld [smem:$0x3F93];
	s0 =	simm.s32 @p1 $0x1  }
0x15: {  	[smem:$0x3FB0] =	sst s0;
	s0 =	simm.s32 @!p2 $0x0  }
0x16: {  	s3 =	sld [smem:$0x3FDB];
	s0 =	simm.s32 @p2 $0x1  }
0x17: {  	s4 =	simm.s32 $0x1BF5;
	[smem:$0x3FB2] =	sst s0  }
0x18: {  	s0 =	sld [smem:$0x3F95];
	_ =	swait.ge [sflag:s4], $0x0  }
0x19: {  	s7 =	sld [smem:$0x3F96]  }
0x1a: {  	s8 =	sadd.s32 $0xFFFFE003, lr  }
0x1b: {  	s9 =	sadd.s32 $0xFFFFFEF7, lr;
	s5 =	simm.s32 $0xFFFFFFFF;
	p2 =	slt.u32 s8, $0xFFFFF086  }
0x1c: {  	p1 =	slt.u32 s9, $0xF7A;
	s5 =	simm.s32 @!p2 $0x0  }
0x1d: {  	s5 =	simm.s32 @p1 $0x1;
	p0 =	seq.s32 s7, s2  }
0x1e: {  	s7 =	smul.u32 @!p0 $0xF7A, s2;
	p2 =	seq.s32 @!p0 s5, $0x0  }
0x1f: {  	s9 =	smul.u32 $0xF7A, s1;
	s8 =	simm.s32 @!p0 $0x1BF5;
	p2 =	por !p2, p0  }
0x20: {  	[sflag:s8] =	ssyncset.s32 @!p0 $0xFFFFF086;
	s6 =	sadd.s32 @!p0 s3, s7;
	s7 =	simm.s32 @!p0 $0x108  }
0x21: {  	s3 =	sadd.s32 s3, s9;
	s6 =	sadd.s32 @!p0 $0x88, s6;
	s7 =	simm.s32 @p2 $0x1082  }
0x22: {  	[simem:s7], [sflag:s8] =	dma.local @!p0 [hbm:s6], $0xF7A  }
0x23: {  	s9 =	sor.u32 $0xD0000000, s2;
	s6 =	simm.s32 $0x108;
	_ =	swait.ge @!p0 [sflag:s8], $0x0  }
0x24: {  	s3 =	sadd.s32 $0x88, s3;
	s6 =	simm.s32 @!p1 $0x1082;
	[sflag:s4] =	ssyncset.s32 $0xFFFFF086  }
0x25: {  	[simem:s6], [sflag:s4] =	dma.local [hbm:s3], $0xF7A  }
0x26: {  	[smem:$0x3F96] =	sst s1;
	(tag) =	ssettag s2;
	_ =	strace s9  }
0x27: {  	s1 =	sld [smem:$0x3FA6]  }
0x28: {  	s2 =	sld [smem:$0x3FA7]  }
0x29: {  	s4 =	sld [smem:$0x3FA9]  }
0x2a: {  	p0 =	seq.s32 s5, $0x0;
	s5 =	sld [smem:$0x3FAA]  }
0x2b: {  	s6 =	sld [smem:$0x3FAB]  }
0x2c: {  	s7 =	sld [smem:$0x3FAC]  }
0x2d: {  	s3 =	simm.s32 $0x108;
	s8 =	sld [smem:$0x3FAD]  }
0x2e: {  	s3 =	simm.s32 @!p0 $0x1082;
	s9 =	sld [smem:$0x3FAE]  }
0x2f: {  	lr =	sadd.s32 s0, s3;
	s0 =	sld [smem:$0x3FA5]  }
0x30: {  	s3 =	sld [smem:$0x3FA8]  }
0x31: {  	[smem:$0x3FB1] =	sst s10  }
0x32: {  	s10 =	sld [smem:$0x3FAF];
	_ =	sdelay $0x3  }
0x33: {  	p0 =	seq.s32 s10, $0x1;
	s10 =	sld [smem:$0x3FB1];
	_ =	sdelay $0x3  }
0x34: {  	[smem:$0x3FB1] =	sst s10  }
0x35: {  	s10 =	sld [smem:$0x3FB0];
	_ =	sdelay $0x3  }
0x36: {  	p1 =	seq.s32 s10, $0x1;
	s10 =	sld [smem:$0x3FB1];
	_ =	sdelay $0x3  }
0x37: {  	[smem:$0x3FB1] =	sst s10  }
0x38: {  	s10 =	sld [smem:$0x3FB2]  }
0x39: {  	_ = 	snop;
	(pc) =	sbr.ind lr, $3  }
0x3a: {  	_ = 	snop  }
0x3b: {  	_ = 	snop  }
0x3c: {  	p2 =	seq.s32 s10, $0x1;
	s10 =	sld [smem:$0x3FB1]  }
0x3d: {  	_ =	shalt  }
0x3e: {  	_ =	shalt  }
0x3f: {  	_ =	shalt  }
0x40: {  	_ =	shalt  }
0x41: {  	_ =	shalt  }
0x42: {  	_ =	shalt  }
0x43: {  	_ =	shalt  }
0x44: {  	_ =	shalt  }
0x45: {  	_ =	shalt  }
0x46: {  	_ =	shalt  }
0x47: {  	_ =	shalt  }
0x48: {  	_ =	shalt  }
0x49: {  	_ =	shalt  }
0x4a: {  	_ =	shalt  }
0x4b: {  	_ =	shalt  }
0x4c: {  	_ =	shalt  }
0x4d: {  	_ =	shalt  }
0x4e: {  	_ =	shalt  }
0x4f: {  	_ =	shalt  }
0x50: {  	_ =	shalt  }
0x51: {  	_ =	shalt  }
0x52: {  	_ =	shalt  }
0x53: {  	_ =	shalt  }
0x54: {  	_ =	shalt  }
0x55: {  	_ =	shalt  }
0x56: {  	_ =	shalt  }
0x57: {  	_ =	shalt  }
0x58: {  	_ =	shalt  }
0x59: {  	_ =	shalt  }
0x5a: {  	_ =	shalt  }
0x5b: {  	_ =	shalt  }
0x5c: {  	_ =	shalt  }
0x5d: {  	_ =	shalt  }
0x5e: {  	_ =	shalt  }
0x5f: {  	_ =	shalt  }
0x60: {  	_ =	shalt  }
0x61: {  	_ =	shalt  }
0x62: {  	_ =	shalt  }
0x63: {  	_ =	shalt  }
0x64: {  	_ =	shalt  }
0x65: {  	_ =	shalt  }
0x66: {  	_ =	shalt  }
0x67: {  	_ =	shalt  }
0x68: {  	_ =	shalt  }
0x69: {  	_ =	shalt  }
0x6a: {  	_ =	shalt  }
0x6b: {  	_ =	shalt  }
0x6c: {  	_ =	shalt  }
0x6d: {  	_ =	shalt  }
0x6e: {  	_ =	shalt  }
0x6f: {  	_ =	shalt  }
0x70: {  	_ =	shalt  }
0x71: {  	_ =	shalt  }
0x72: {  	_ =	shalt  }
0x73: {  	_ =	shalt  }
0x74: {  	_ =	shalt  }
0x75: {  	_ =	shalt  }
0x76: {  	_ =	shalt  }
0x77: {  	_ =	shalt  }
0x78: {  	_ =	shalt  }
0x79: {  	_ =	shalt  }
0x7a: {  	_ =	shalt  }
0x7b: {  	_ =	shalt  }
0x7c: {  	_ =	shalt  }
0x7d: {  	_ =	shalt  }
0x7e: {  	_ =	shalt  }
0x7f: {  	_ =	shalt  }
0x80: {  	_ =	shalt  }
0x81: {  	_ =	shalt  }
0x82: {  	_ =	shalt  }
0x83: {  	_ =	shalt  }
0x84: {  	_ =	shalt  }
0x85: {  	_ =	shalt  }
0x86: {  	_ =	shalt  }
0x87: {  	_ =	shalt  }
.Lfunc_end0:
.L_simem_size_0:
called_computation.3_lowered:
.L_overlay_start_0:
0x88: {  	s2 =	sld [smem:$0x3FD9]  }
0x89: {  	s3 =	sld [smem:$0x3FFE];
	_ =	sdelay $0x1  }
0x8a: {  	s1 =	srdreg.scid  }
0x8b: {  	s0 =	sand.u32 $0x1, s1  }
0x8c: {  	s17 =	sshll.u32 s0, $0xA;
	s2 =	sadd.s32 s3, s2  }
0x8d: {  	s2 =	sadd.s32 s2, s17  }
0x8e: {  	[smem:$0x3FBD] =	sst s2  }
0x8f: {  	_ = 	snop  }
0x90: {  	s18 =	sld [smem:$0x3FC7];
	(tm) =	ssettm $0x1  }
0x91: {  	s19 =	sld [smem:$0x3FFB];
	_ =	sdelay $0x3  }
0x92: {  	_ =	strace s19  }
0x93: {  	s2 =	sld [smem:$0x3FFC];
	_ =	sdelay $0x3  }
0x94: {  	_ =	strace s2  }
0x95: {  	s2 =	sld [smem:$0x3FFD];
	_ =	sdelay $0x3  }
0x96: {  	_ =	strace s2  }
0x97: {  	_ =	strace $0x8FFFFFFF  }
0x98: {  	s20 =	sld [smem:$0x3FDB];
	_ =	sdelay $0x1  }
0x99: {  	s4 =	simm.s32 $_scs_section_size  }
0x9a: {  	s5 =	simm.s32 $_size__tile_overlayer_lowered;
	s6 =	simm.s32 $_tile_overlayer_lowered  }
0x9b: {  	s7 =	simm.s32 $0x1BFF;
	s21 =	sshll.u32 s6, $0x1;
	s4 =	sadd.s32 s4, s20  }
0x9c: {  	s22 =	simm.s32 $0x0;
	s5 =	sshll.u32 s5, $0x1;
	s6 =	sadd.s32 s21, s4  }
0x9d: {  	[timem:s22], [sflag:s7] =	dma.local [hbm:s6], s5  }
0x9e: {  	_ =	swait.ge [sflag:s7], s5  }
0x9f: {  	s5 =	ssub.s32 $0x0, s5;
	[sflag:s7] =	ssyncset.done $0x0  }
0xa0: {  	[sflag:s7] =	ssyncadd.s32 s5;
	_ =	sdelay $0x1  }
0xa1: {  	s23 =	simm.s32 $0x1B8B  }
0xa2: {  	_ =	swait.ge [sflag:s23], $0x1  }
0xa3: {  	[sflag:s23] =	ssyncset.done $0x0  }
0xa4: {  	[sflag:s23] =	ssyncadd.s32 $0xFFFFFFFF  }
0xa5: {  	s5 =	sld [smem:$0x0]  }
0xa6: {  	s6 =	sand.u32 $0xFFFFFFFE, s1  }
0xa7: {  	p0 =	sne.s32 s1, s6  }
0xa8: {  	s6 =	sshll.u32 @p0 s6, $0xE  }
0xa9: {  	s6 =	sadd.s32 @p0 $0x11B8D, s6;
	s7 =	sshll.u32 @p0 s5, $0x11  }
0xaa: {  	s6 =	sor.u32 @p0 s7, s6  }
0xab: {  	[sflag:s6] =	ssyncadd.remote.s32 @p0 $0x1;
	_ =	sdelay $0x1  }
0xac: {  	s6 =	simm.s32 @p0 $0x1B8D  }
0xad: {  	_ =	swait.eq @p0 [sflag:s6], $0x1  }
0xae: {  	[sflag:s6] =	ssyncadd.s32 @p0 $0xFFFFFFFF  }
0xaf: {  	s7 =	sshll.u32 @!p0 s1, $0xE  }
0xb0: {  	s7 =	sor.u32 @!p0 $0x4000, s7;
	s6 =	simm.s32 @!p0 $0x1B8D  }
0xb1: {  	s5 =	sshll.u32 @!p0 s5, $0x11;
	s7 =	sadd.s32 @!p0 $0x11B8D, s7;
	_ =	swait.eq @!p0 [sflag:s6], $0x1  }
0xb2: {  	s5 =	sor.u32 @!p0 s5, s7;
	[sflag:s6] =	ssyncadd.s32 @!p0 $0xFFFFFFFF  }
0xb3: {  	s25 =	simm.s32 $0x1B8E;
	s24 =	sld [smem:$0x3FFE];
	[sflag:s5] =	ssyncadd.remote.s32 @!p0 $0x1  }
0xb4: {  	s26 =	simm.s32 $execute0_lowered;
	[smem:$0x3FD2] =	sst s25  }
0xb5: {  	s6 =	sshll.u32 s26, $0x1;
	_ =	strace $0x8000004F;
	[dreg:$0x1] =	wrdreg $0xFFFFFFFF  }
0xb6: {  	s28 =	simm.s32 $_size_execute0_lowered;
	s4 =	sadd.s32 s4, s6;
	[dreg:$0x0] =	wrdreg $0x0  }
0xb7: {  	s6 =	sshll.u32 s28, $0x1;
	[dreg:$0x2] =	wrdreg s4  }
0xb8: {  	[dreg:$0x3] =	wrdreg s6  }
0xb9: {  	[dreg:$0x4] =	wrdreg $0xC0  }
0xba: {  	_ =	task [dreg:s22], $0x5FFFF  }
0xbb: {  	[dreg:$0x1] =	wrdreg $0xFFFFFFFF  }
0xbc: {  	[dreg:$0x0] =	wrdreg $0x60  }
0xbd: {  	[dreg:$0x2] =	wrdreg s24  }
0xbe: {  	[dreg:$0x3] =	wrdreg s18  }
0xbf: {  	[dreg:$0x4] =	wrdreg $0xB  }
0xc0: {  	_ =	task.clear_ibuf [dreg:s22], $0x5FFFF;
	_ =	strace $0x9000004F  }
0xc1: {  	s29 =	simm.s32 $0xB;
	_ =	strace $0x80000051  }
0xc2: {  	_ =	swait.ge [sflag:s29], $0x1  }
0xc3: {  	[sflag:s29] =	ssyncadd.s32 $0xFFFFFFFF  }
0xc4: {  	_ =	strace $0x90000051  }
0xc5: {  	_ =	sfence  }
0xc6: {  	s30 =	sld [smem:$0x0];
	_ =	sdelay $0x2  }
0xc7: {  	s31 =	sshll.u32 s1, $0xD;
	s1 =	sshrl.u32 s1, $0x2  }
0xc8: {  	s4 =	sand.u32 $0x4000, s31;
	s1 =	sadd.s32 s1, s30  }
0xc9: {  	s0 =	sor.u32 s4, s0;
	s1 =	sshll.u32 s1, $0x11  }
0xca: {  	s0 =	sor.u32 s1, s0  }
0xcb: {  	s0 =	sadd.s32 $0x8F2B, s0  }
0xcc: {  	[sflag:s0] =	ssyncadd.remote.s32 $0x1  }
0xcd: {  	_ =	sfence.sel $0xFFFF  }
0xce: {  	[dreg:$0x0] =	wrdreg $0xFFFFFFFF;
	(pc) =	sbr.abs _section_cstart, $3  }
0xcf: {  	[dreg:$0x1] =	wrdreg $0xFFFFFFFF  }
0xd0: {  	_ =	task.clear_ibuf [dreg:s22], $0x2FFFF;
	_ =	strace $0x9FFFFFFF  }
0xd1: {  	(tm) =	ssettm $0x7FFFFFFF  }
tec
execute0_lowered:
.L_overlay_start_1:
0x0: {  	(tag) =	ssettag $0x1  }
0x1: {  	s6 =	rddreg [dreg:$0x0]  }
0x2: {  	s1 =	rddreg [dreg:$0x1]  }
0x3: {  	s0 =	rddreg [dreg:$0x2]  }
0x4: {  	s2 =	simm.s32 $0x0;
	s3 =	srdreg.scid;
	s13 =	simm.s32 $0x100  }
0x5: {  	s14 =	simm.s32 $0x4100;
	s15 =	simm.s32 $0x1;
	s16 =	simm.s32 $0x2  }
0x6: {  	s17 =	simm.s32 $0x0;
	[smem:$0x7FF] =	sst s2;
	s4 =	sadd.s32 $0x4600, s6  }
0x7: {  	s7 =	sand.u32 $0x1, s3;
	s5 =	sadd.s32 $0x21F800, s6;
	s3 =	stileid.u32  }
0x8: {  	s6 =	sadd.s32 $0x29C800, s6;
	_ =	strace $0x80000050;
	s8 =	sshll.u32 s7, $0x4  }
0x9: {  	s9 =	ssub.s32 $0x2, s7;
	s7 =	smul.u32 $0x70, s7;
	s8 =	sor.u32 s3, s8  }
0xa: {  	s12 =	smul.u32 $0x7, s3;
	s10 =	sshrl.u32 s9, $0x1;
	s11 =	smin.u32 s8, $0x1A  }
0xb: {  	s9 =	ssub.s32 s9, s10;
	p0 =	slt.u32 s8, $0x1A;
	s30 =	sadd.s32 s7, s11  }
0xc: {  	s7 =	simm.s32 $0x8;
	s8 =	smax.u32 s9, $0x1;
	s10 =	sadd.s32 s12, s30  }
0xd: {  	s11 =	simm.s32 $0x3;
	s7 =	simm.s32 @!p0 $0x7;
	s31 =	sshll.u32 s10, $0x8  }
0xe: {  	s12 =	simm.s32 $0x80;
	s10 =	sshll.u32 s10, $0xB;
	s9 =	sadd.s32 $0x1F400, s31  }
.LBB2_1:
0xf: {  	p1 =	sne.s32 s7, $0x1  }
.Ltmp0:
0x10: {  	_ = 	snop;
	(pc) =	sbr.rel @!p1 .LBB2_2-.Ltmp0, $2  }
0x11: {  	_ =	sdelay $0x2  }
0x12: {  	s18 =	sadd.s32 $0xFFFFFFFF, s7;
	s21 =	sshrl.u32 s9, $0x3;
	p0 =	por $0x0, $0x0  }
0x13: {  	s19 =	sadd.s32 s1, s21  }
0x14: {  	[tilespmem:s2], [sflag:$0x3] =	stream.linear.gather [hbm4b:s19+s2], $0x100, $0x38;
	[tilespmem:$0x8100] =	vst v63  }
0x15: {  	_ =	swait.ge [sflag:s11], $0x100  }
0x16: {  	[sflag:s11] =	ssyncset.done $0x0  }
0x17: {  	[sflag:s11] =	ssyncadd.s32 $0xFFFFFF00  }
0x18: {  	[tilespmem:s13], [sflag:$0x1] =	stream.indirect.gather [hbm4b:s4+s12], $0x80, s2, s12, $0xb8;
	[tilespmem:$0x8100] =	vst v63  }
0x19: {  	_ = 	snop  }
0x1a: {  	[tilespmem:s14], [sflag:$0x2] =	stream.indirect.gather [hbm4b:s4+s12], $0x80, s12, s12, $0xb8;
	[tilespmem:$0x8100] =	vst v63  }
0x1b: {  	_ =	swait.ge [sflag:s15], $0x4000  }
0x1c: {  	s31 =	sand.u32 $0x1FFFF800, s10;
	[sflag:s15] =	ssyncset.done $0x0  }
0x1d: {  	s20 =	sadd.s32 s5, s31;
	[sflag:s15] =	ssyncadd.s32 $0xFFFFC000  }
0x1e: {  	[hbm4b:s20+s2] =	stream.linear.scatter [tilespmem:s13], [sflag:$0x3], $0x4000, $0x38;
	[tilespmem:$0x8100] =	vst v63  }
0x1f: {  	_ =	swait.ge [sflag:s11], $0x4000  }
0x20: {  	[sflag:s11] =	ssyncset.done $0x0  }
0x21: {  	[sflag:s11] =	ssyncadd.s32 $0xFFFFC000  }
0x22: {  	p1 =	sne.s32 s18, $0x1;
	_ =	swait.ge [sflag:s16], $0x4000  }
.Ltmp1:
0x23: {  	[sflag:s16] =	ssyncset.done $0x0;
	(pc) =	sbr.rel @!p1 .LBB2_4-.Ltmp1, $4  }
0x24: {  	s19 =	sadd.s32 s6, s31;
	s20 =	sadd.s32 $0x100, s9;
	[sflag:s16] =	ssyncadd.s32 $0xFFFFC000  }
0x25: {  	[hbm4b:s19+s2] =	stream.linear.scatter [tilespmem:s14], [sflag:$0x3], $0x4000, $0x38;
	[tilespmem:$0x8100] =	vst v63  }
0x26: {  	p0 =	por $0x1, $0x1;
	s21 =	sshrl.u32 s20, $0x3;
	_ =	swait.ge [sflag:s11], $0x4000  }
0x27: {  	s19 =	sadd.s32 $0xFFFFFFFF, s18;
	s18 =	smov.u32 s10;
	[sflag:s11] =	ssyncset.done $0x0  }
.LBB2_5:
0x28: {  	s21 =	sadd.s32 s1, s21;
	[sflag:s11] =	ssyncadd.s32 $0xFFFFC000;
	s18 =	sadd.s32 $0x800, s18  }
0x29: {  	[tilespmem:s2], [sflag:$0x3] =	stream.linear.gather [hbm4b:s21+s2], $0x100, $0x38;
	[tilespmem:$0x8100] =	vst v63  }
0x2a: {  	p1 =	sne.s32 s19, $0x1;
	s19 =	sadd.s32 $0xFFFFFFFF, s19;
	_ =	swait.ge [sflag:s11], $0x100  }
0x2b: {  	[sflag:s11] =	ssyncset.done $0x0  }
0x2c: {  	[sflag:s11] =	ssyncadd.s32 $0xFFFFFF00  }
0x2d: {  	[tilespmem:s13], [sflag:$0x1] =	stream.indirect.gather [hbm4b:s4+s12], $0x80, s2, s12, $0xb8;
	[tilespmem:$0x8100] =	vst v63  }
0x2e: {  	_ = 	snop  }
0x2f: {  	[tilespmem:s14], [sflag:$0x2] =	stream.indirect.gather [hbm4b:s4+s12], $0x80, s12, s12, $0xb8;
	[tilespmem:$0x8100] =	vst v63  }
0x30: {  	_ =	swait.ge [sflag:s15], $0x4000  }
0x31: {  	s21 =	sand.u32 $0x1FFFF800, s18;
	[sflag:s15] =	ssyncset.done $0x0  }
0x32: {  	s22 =	sadd.s32 s5, s21;
	[sflag:s15] =	ssyncadd.s32 $0xFFFFC000  }
0x33: {  	[hbm4b:s22+s2] =	stream.linear.scatter [tilespmem:s13], [sflag:$0x3], $0x4000, $0x38;
	[tilespmem:$0x8100] =	vst v63  }
0x34: {  	_ =	swait.ge [sflag:s11], $0x4000  }
0x35: {  	[sflag:s11] =	ssyncset.done $0x0  }
0x36: {  	[sflag:s11] =	ssyncadd.s32 $0xFFFFC000  }
0x37: {  	_ =	swait.ge [sflag:s16], $0x4000  }
.Ltmp2:
0x38: {  	[sflag:s16] =	ssyncset.done $0x0;
	(pc) =	sbr.rel @p1 .LBB2_5-.Ltmp2, $4  }
0x39: {  	s21 =	sadd.s32 s6, s21;
	[sflag:s16] =	ssyncadd.s32 $0xFFFFC000  }
0x3a: {  	[hbm4b:s21+s2] =	stream.linear.scatter [tilespmem:s14], [sflag:$0x3], $0x4000, $0x38;
	[tilespmem:$0x8100] =	vst v63  }
0x3b: {  	s20 =	sadd.s32 $0x100, s20;
	_ =	swait.ge [sflag:s11], $0x4000  }
0x3c: {  	s21 =	sshrl.u32 s20, $0x3;
	[sflag:s11] =	ssyncset.done $0x0  }
.LBB2_6:
0x3d: {  	s19 =	sadd.s32 s1, s21;
	[sflag:s11] =	ssyncadd.s32 @p0 $0xFFFFC000  }
0x3e: {  	[tilespmem:s2], [sflag:$0x3] =	stream.linear.gather [hbm4b:s19+s2], $0x100, $0x38;
	[tilespmem:$0x8100] =	vst v63  }
0x3f: {  	_ =	swait.ge [sflag:s11], $0x100  }
0x40: {  	[sflag:s11] =	ssyncset.done $0x0  }
0x41: {  	[sflag:s11] =	ssyncadd.s32 $0xFFFFFF00  }
0x42: {  	[tilespmem:s13], [sflag:$0x1] =	stream.indirect.gather [hbm4b:s4+s12], $0x80, s2, s12, $0xb8;
	[tilespmem:$0x8100] =	vst v63  }
0x43: {  	s18 =	sadd.s32 @p0 $0x800, s18;
	s19 =	smov.u32 s10  }
0x44: {  	[tilespmem:s14], [sflag:$0x2] =	stream.indirect.gather [hbm4b:s4+s12], $0x80, s12, s12, $0xb8;
	[tilespmem:$0x8100] =	vst v63  }
0x45: {  	s19 =	smov.u32 @p0 s18;
	_ =	swait.ge [sflag:s15], $0x4000  }
0x46: {  	s18 =	sand.u32 $0x1FFFF800, s19;
	[sflag:s15] =	ssyncset.done $0x0  }
0x47: {  	s19 =	sadd.s32 s5, s18;
	[sflag:s15] =	ssyncadd.s32 $0xFFFFC000  }
0x48: {  	[hbm4b:s19+s2] =	stream.linear.scatter [tilespmem:s13], [sflag:$0x3], $0x4000, $0x38;
	[tilespmem:$0x8100] =	vst v63  }
0x49: {  	_ =	swait.ge [sflag:s11], $0x4000  }
0x4a: {  	[sflag:s11] =	ssyncset.done $0x0  }
0x4b: {  	[sflag:s11] =	ssyncadd.s32 $0xFFFFC000  }
0x4c: {  	_ =	swait.ge [sflag:s16], $0x4000  }
0x4d: {  	s17 =	sadd.s32 $0x1, s17;
	[sflag:s16] =	ssyncset.done $0x0  }
0x4e: {  	p0 =	sne.s32 s17, s8;
	s18 =	sadd.s32 s6, s18;
	[sflag:s16] =	ssyncadd.s32 $0xFFFFC000  }
0x4f: {  	[hbm4b:s18+s2] =	stream.linear.scatter [tilespmem:s14], [sflag:$0x3], $0x4000, $0x38;
	[tilespmem:$0x8100] =	vst v63  }
.Ltmp3:
0x50: {  	_ = 	snop;
	(pc) =	sbr.rel @p0 .LBB2_1-.Ltmp3, $4  }
.Ltmp4:
0x51: {  	_ = 	snop;
	(pc) =	sbr.rel @!p0 .LBB2_7-.Ltmp4, $4  }
0x52: {  	_ =	swait.ge [sflag:s11], $0x4000  }
0x53: {  	[sflag:s11] =	ssyncset.done $0x0  }
0x54: {  	[sflag:s11] =	ssyncadd.s32 $0xFFFFC000  }
0x55: {  	_ = 	snop  }
.LBB2_2:
.Ltmp5:
0x56: {  	(pc) =	sbr.rel .LBB2_6-.Ltmp5, $2  }
0x57: {  	_ =	sdelay $0x2  }
0x58: {  	s18 =	smov.u32 s10  }
.LBB2_4:
.Ltmp6:
0x59: {  	(pc) =	sbr.rel .LBB2_6-.Ltmp6, $2  }
0x5a: {  	_ =	sdelay $0x2  }
0x5b: {  	s18 =	smov.u32 s10  }
.LBB2_7:
0x5c: {  	_ =	sfence.sel $0x180000  }
0x5d: {  	[bflag:$0x0] =	sbarrier.arrive $0xFFFF  }
0x5e: {  	p0 =	sne.s32 s3, $0x0;
	_ =	strace $0x90000050  }
0x5f: {  	s0 =	sadd.s32 @!p0 $0x100000, s0;
	[bflag:$0x2] =	sbarrier.arrive $0xFFFF  }
0x60: {  	[sflag:s0] =	ssyncadd.tile.s32 @!p0 $0x1;
	_ =	shalt  }
.Lfunc_end2:
_tile_overlayer_lowered:
.L_overlay_start_2:
0x61: {  	(tag) =	ssettag $0x2  }
0x62: {  	s0 =	rddreg [dreg:$0x0];
	s2 =	stileid.u32  }
0x63: {  	s1 =	rddreg [dreg:$0x1];
	p0 =	sne.s32 s2, $0x0  }
0x64: {  	s3 =	rddreg [dreg:$0x2];
	[bflag:$0x3] =	sbarrier.arrive $0xFFFF;
	s2 =	simm.s32 @!p0 $0x1C03  }
0x65: {  	[timem:s3], [sflag:s2] =	dma.local @!p0 [hbm:s0], s1  }
0x66: {  	s0 =	simm.s32 @!p0 $0x3  }
0x67: {  	_ =	swait.ge @!p0 [sflag:s0], s1  }
0x68: {  	s1 =	ssub.s32 @!p0 $0x0, s1;
	[sflag:s0] =	ssyncset.done @!p0 $0x0  }
0x69: {  	[sflag:s0] =	ssyncadd.s32 @!p0 s1  }
0x6a: {  	[bflag:$0x3] =	sbarrier.arrive $0xFFFF  }
0x6b: {  	_ =	shalt  }

// kernel: edge_gather_96000.3.cloned.1.call-start
scs
__scs_entry_jumppad:
0x0: {  	(pc) =	sbr.rel $0x88, $3  }
0x1: {  	(tag) =	ssettag $0x0;
	lr =	simm.s32 $0x1  }
0x2: {  	[smem:$0x3F96] =	sst lr;
	_ =	strace $0xD0000000  }
0x3: {  	_ = 	snop  }
0x4: {  	_ = 	snop  }
0x5: {  	_ = 	snop  }
0x6: {  	_ = 	snop  }
0x7: {  	_ = 	snop  }
__scs_overlays_trampoline_lowered:
0x8: {  	[smem:$0x3FA5] =	sst s0  }
0x9: {  	[smem:$0x3FA6] =	sst s1  }
0xa: {  	[smem:$0x3FA7] =	sst s2  }
0xb: {  	[smem:$0x3FA8] =	sst s3  }
0xc: {  	[smem:$0x3FA9] =	sst s4  }
0xd: {  	[smem:$0x3FAA] =	sst s5  }
0xe: {  	[smem:$0x3FAB] =	sst s6  }
0xf: {  	[smem:$0x3FAC] =	sst s7  }
0x10: {  	[smem:$0x3FAD] =	sst s8  }
0x11: {  	[smem:$0x3FAE] =	sst s9;
	s0 =	simm.s32 @!p0 $0x0  }
0x12: {  	s1 =	sld [smem:$0x3F94];
	s0 =	simm.s32 @p0 $0x1  }
0x13: {  	[smem:$0x3FAF] =	sst s0;
	s0 =	simm.s32 @!p1 $0x0  }
0x14: {  	s2 =	sld [smem:$0x3F93];
	s0 =	simm.s32 @p1 $0x1  }
0x15: {  	[smem:$0x3FB0] =	sst s0;
	s0 =	simm.s32 @!p2 $0x0  }
0x16: {  	s3 =	sld [smem:$0x3FDB];
	s0 =	simm.s32 @p2 $0x1  }
0x17: {  	s4 =	simm.s32 $0x1BF5;
	[smem:$0x3FB2] =	sst s0  }
0x18: {  	s0 =	sld [smem:$0x3F95];
	_ =	swait.ge [sflag:s4], $0x0  }
0x19: {  	s7 =	sld [smem:$0x3F96]  }
0x1a: {  	s8 =	sadd.s32 $0xFFFFE003, lr  }
0x1b: {  	s9 =	sadd.s32 $0xFFFFFEF7, lr;
	s5 =	simm.s32 $0xFFFFFFFF;
	p2 =	slt.u32 s8, $0xFFFFF086  }
0x1c: {  	p1 =	slt.u32 s9, $0xF7A;
	s5 =	simm.s32 @!p2 $0x0  }
0x1d: {  	s5 =	simm.s32 @p1 $0x1;
	p0 =	seq.s32 s7, s2  }
0x1e: {  	s7 =	smul.u32 @!p0 $0xF7A, s2;
	p2 =	seq.s32 @!p0 s5, $0x0  }
0x1f: {  	s9 =	smul.u32 $0xF7A, s1;
	s8 =	simm.s32 @!p0 $0x1BF5;
	p2 =	por !p2, p0  }
0x20: {  	[sflag:s8] =	ssyncset.s32 @!p0 $0xFFFFF086;
	s6 =	sadd.s32 @!p0 s3, s7;
	s7 =	simm.s32 @!p0 $0x108  }
0x21: {  	s3 =	sadd.s32 s3, s9;
	s6 =	sadd.s32 @!p0 $0x88, s6;
	s7 =	simm.s32 @p2 $0x1082  }
0x22: {  	[simem:s7], [sflag:s8] =	dma.local @!p0 [hbm:s6], $0xF7A  }
0x23: {  	s9 =	sor.u32 $0xD0000000, s2;
	s6 =	simm.s32 $0x108;
	_ =	swait.ge @!p0 [sflag:s8], $0x0  }
0x24: {  	s3 =	sadd.s32 $0x88, s3;
	s6 =	simm.s32 @!p1 $0x1082;
	[sflag:s4] =	ssyncset.s32 $0xFFFFF086  }
0x25: {  	[simem:s6], [sflag:s4] =	dma.local [hbm:s3], $0xF7A  }
0x26: {  	[smem:$0x3F96] =	sst s1;
	(tag) =	ssettag s2;
	_ =	strace s9  }
0x27: {  	s1 =	sld [smem:$0x3FA6]  }
0x28: {  	s2 =	sld [smem:$0x3FA7]  }
0x29: {  	s4 =	sld [smem:$0x3FA9]  }
0x2a: {  	p0 =	seq.s32 s5, $0x0;
	s5 =	sld [smem:$0x3FAA]  }
0x2b: {  	s6 =	sld [smem:$0x3FAB]  }
0x2c: {  	s7 =	sld [smem:$0x3FAC]  }
0x2d: {  	s3 =	simm.s32 $0x108;
	s8 =	sld [smem:$0x3FAD]  }
0x2e: {  	s3 =	simm.s32 @!p0 $0x1082;
	s9 =	sld [smem:$0x3FAE]  }
0x2f: {  	lr =	sadd.s32 s0, s3;
	s0 =	sld [smem:$0x3FA5]  }
0x30: {  	s3 =	sld [smem:$0x3FA8]  }
0x31: {  	[smem:$0x3FB1] =	sst s10  }
0x32: {  	s10 =	sld [smem:$0x3FAF];
	_ =	sdelay $0x3  }
0x33: {  	p0 =	seq.s32 s10, $0x1;
	s10 =	sld [smem:$0x3FB1];
	_ =	sdelay $0x3  }
0x34: {  	[smem:$0x3FB1] =	sst s10  }
0x35: {  	s10 =	sld [smem:$0x3FB0];
	_ =	sdelay $0x3  }
0x36: {  	p1 =	seq.s32 s10, $0x1;
	s10 =	sld [smem:$0x3FB1];
	_ =	sdelay $0x3  }
0x37: {  	[smem:$0x3FB1] =	sst s10  }
0x38: {  	s10 =	sld [smem:$0x3FB2]  }
0x39: {  	_ = 	snop;
	(pc) =	sbr.ind lr, $3  }
0x3a: {  	_ = 	snop  }
0x3b: {  	_ = 	snop  }
0x3c: {  	p2 =	seq.s32 s10, $0x1;
	s10 =	sld [smem:$0x3FB1]  }
0x3d: {  	_ =	shalt  }
0x3e: {  	_ =	shalt  }
0x3f: {  	_ =	shalt  }
0x40: {  	_ =	shalt  }
0x41: {  	_ =	shalt  }
0x42: {  	_ =	shalt  }
0x43: {  	_ =	shalt  }
0x44: {  	_ =	shalt  }
0x45: {  	_ =	shalt  }
0x46: {  	_ =	shalt  }
0x47: {  	_ =	shalt  }
0x48: {  	_ =	shalt  }
0x49: {  	_ =	shalt  }
0x4a: {  	_ =	shalt  }
0x4b: {  	_ =	shalt  }
0x4c: {  	_ =	shalt  }
0x4d: {  	_ =	shalt  }
0x4e: {  	_ =	shalt  }
0x4f: {  	_ =	shalt  }
0x50: {  	_ =	shalt  }
0x51: {  	_ =	shalt  }
0x52: {  	_ =	shalt  }
0x53: {  	_ =	shalt  }
0x54: {  	_ =	shalt  }
0x55: {  	_ =	shalt  }
0x56: {  	_ =	shalt  }
0x57: {  	_ =	shalt  }
0x58: {  	_ =	shalt  }
0x59: {  	_ =	shalt  }
0x5a: {  	_ =	shalt  }
0x5b: {  	_ =	shalt  }
0x5c: {  	_ =	shalt  }
0x5d: {  	_ =	shalt  }
0x5e: {  	_ =	shalt  }
0x5f: {  	_ =	shalt  }
0x60: {  	_ =	shalt  }
0x61: {  	_ =	shalt  }
0x62: {  	_ =	shalt  }
0x63: {  	_ =	shalt  }
0x64: {  	_ =	shalt  }
0x65: {  	_ =	shalt  }
0x66: {  	_ =	shalt  }
0x67: {  	_ =	shalt  }
0x68: {  	_ =	shalt  }
0x69: {  	_ =	shalt  }
0x6a: {  	_ =	shalt  }
0x6b: {  	_ =	shalt  }
0x6c: {  	_ =	shalt  }
0x6d: {  	_ =	shalt  }
0x6e: {  	_ =	shalt  }
0x6f: {  	_ =	shalt  }
0x70: {  	_ =	shalt  }
0x71: {  	_ =	shalt  }
0x72: {  	_ =	shalt  }
0x73: {  	_ =	shalt  }
0x74: {  	_ =	shalt  }
0x75: {  	_ =	shalt  }
0x76: {  	_ =	shalt  }
0x77: {  	_ =	shalt  }
0x78: {  	_ =	shalt  }
0x79: {  	_ =	shalt  }
0x7a: {  	_ =	shalt  }
0x7b: {  	_ =	shalt  }
0x7c: {  	_ =	shalt  }
0x7d: {  	_ =	shalt  }
0x7e: {  	_ =	shalt  }
0x7f: {  	_ =	shalt  }
0x80: {  	_ =	shalt  }
0x81: {  	_ =	shalt  }
0x82: {  	_ =	shalt  }
0x83: {  	_ =	shalt  }
0x84: {  	_ =	shalt  }
0x85: {  	_ =	shalt  }
0x86: {  	_ =	shalt  }
0x87: {  	_ =	shalt  }
.Lfunc_end0:
.L_simem_size_0:
called_computation.4_lowered:
.L_overlay_start_0:
0x88: {  	s2 =	sld [smem:$0x3FD9]  }
0x89: {  	s3 =	sld [smem:$0x3FFE];
	_ =	sdelay $0x1  }
0x8a: {  	s1 =	srdreg.scid  }
0x8b: {  	s0 =	sand.u32 $0x1, s1  }
0x8c: {  	s17 =	sshll.u32 s0, $0xA;
	s2 =	sadd.s32 s3, s2  }
0x8d: {  	s2 =	sadd.s32 s2, s17  }
0x8e: {  	[smem:$0x3FBD] =	sst s2  }
0x8f: {  	_ = 	snop  }
0x90: {  	s18 =	sld [smem:$0x3FC7]  }
0x91: {  	s4 =	sld [smem:$0x3FD0];
	(tm) =	ssettm $0x1  }
0x92: {  	s19 =	sld [smem:$0x3FFB];
	_ =	sdelay $0x3  }
0x93: {  	_ =	strace s19  }
0x94: {  	s2 =	sld [smem:$0x3FFC];
	_ =	sdelay $0x3  }
0x95: {  	_ =	strace s2  }
0x96: {  	s2 =	sld [smem:$0x3FFD];
	_ =	sdelay $0x3  }
0x97: {  	_ =	strace s2  }
0x98: {  	_ =	strace $0x8FFFFFFF  }
0x99: {  	s20 =	sld [smem:$0x3FDB];
	_ =	sdelay $0x1  }
0x9a: {  	s5 =	simm.s32 $_scs_section_size  }
0x9b: {  	s6 =	simm.s32 $_size__tile_overlayer_lowered;
	s7 =	simm.s32 $_tile_overlayer_lowered  }
0x9c: {  	s8 =	simm.s32 $0x1BFF;
	s21 =	sshll.u32 s7, $0x1;
	s5 =	sadd.s32 s5, s20  }
0x9d: {  	s22 =	simm.s32 $0x0;
	s6 =	sshll.u32 s6, $0x1;
	s7 =	sadd.s32 s21, s5  }
0x9e: {  	[timem:s22], [sflag:s8] =	dma.local [hbm:s7], s6  }
0x9f: {  	_ =	swait.ge [sflag:s8], s6  }
0xa0: {  	s6 =	ssub.s32 $0x0, s6;
	[sflag:s8] =	ssyncset.done $0x0  }
0xa1: {  	[sflag:s8] =	ssyncadd.s32 s6;
	_ =	sdelay $0x1  }
0xa2: {  	s23 =	simm.s32 $0x1B8B  }
0xa3: {  	_ =	swait.ge [sflag:s23], $0x1  }
0xa4: {  	[sflag:s23] =	ssyncset.done $0x0  }
0xa5: {  	[sflag:s23] =	ssyncadd.s32 $0xFFFFFFFF  }
0xa6: {  	s6 =	sld [smem:$0x0]  }
0xa7: {  	s7 =	sand.u32 $0xFFFFFFFE, s1  }
0xa8: {  	p0 =	sne.s32 s1, s7  }
0xa9: {  	s7 =	sshll.u32 @p0 s7, $0xE  }
0xaa: {  	s7 =	sadd.s32 @p0 $0x11B8D, s7;
	s8 =	sshll.u32 @p0 s6, $0x11  }
0xab: {  	s7 =	sor.u32 @p0 s8, s7  }
0xac: {  	[sflag:s7] =	ssyncadd.remote.s32 @p0 $0x1;
	_ =	sdelay $0x1  }
0xad: {  	s7 =	simm.s32 @p0 $0x1B8D  }
0xae: {  	_ =	swait.eq @p0 [sflag:s7], $0x1  }
0xaf: {  	[sflag:s7] =	ssyncadd.s32 @p0 $0xFFFFFFFF  }
0xb0: {  	s8 =	sshll.u32 @!p0 s1, $0xE  }
0xb1: {  	s8 =	sor.u32 @!p0 $0x4000, s8;
	s7 =	simm.s32 @!p0 $0x1B8D  }
0xb2: {  	s6 =	sshll.u32 @!p0 s6, $0x11;
	s8 =	sadd.s32 @!p0 $0x11B8D, s8;
	_ =	swait.eq @!p0 [sflag:s7], $0x1  }
0xb3: {  	s6 =	sor.u32 @!p0 s6, s8;
	[sflag:s7] =	ssyncadd.s32 @!p0 $0xFFFFFFFF  }
0xb4: {  	s25 =	simm.s32 $0x1B8E;
	s24 =	sld [smem:$0x3FFE];
	[sflag:s6] =	ssyncadd.remote.s32 @!p0 $0x1  }
0xb5: {  	s26 =	simm.s32 $execute0_lowered;
	[smem:$0x3FD2] =	sst s25  }
0xb6: {  	s7 =	sshll.u32 s26, $0x1;
	_ =	strace $0x80000052;
	[dreg:$0x1] =	wrdreg $0xFFFFFFFF  }
0xb7: {  	s28 =	simm.s32 $_size_execute0_lowered;
	s5 =	sadd.s32 s5, s7;
	[dreg:$0x0] =	wrdreg $0x0  }
0xb8: {  	s7 =	sshll.u32 s28, $0x1;
	[dreg:$0x2] =	wrdreg s5  }
0xb9: {  	[dreg:$0x3] =	wrdreg s7  }
0xba: {  	[dreg:$0x4] =	wrdreg $0xC0  }
0xbb: {  	_ =	task [dreg:s22], $0x5FFFF  }
0xbc: {  	[dreg:$0x1] =	wrdreg $0xFFFFFFFF  }
0xbd: {  	[dreg:$0x0] =	wrdreg $0x60  }
0xbe: {  	[dreg:$0x2] =	wrdreg s24  }
0xbf: {  	[dreg:$0x3] =	wrdreg s18  }
0xc0: {  	[dreg:$0x4] =	wrdreg s4  }
0xc1: {  	[dreg:$0x5] =	wrdreg $0xC  }
0xc2: {  	_ =	task.clear_ibuf [dreg:s22], $0x6FFFF;
	_ =	strace $0x90000052  }
0xc3: {  	s29 =	simm.s32 $0xC;
	_ =	strace $0x80000054  }
0xc4: {  	_ =	swait.ge [sflag:s29], $0x1  }
0xc5: {  	[sflag:s29] =	ssyncadd.s32 $0xFFFFFFFF  }
0xc6: {  	_ =	strace $0x90000054  }
0xc7: {  	_ =	sfence  }
0xc8: {  	s30 =	sld [smem:$0x0];
	_ =	sdelay $0x2  }
0xc9: {  	s31 =	sshll.u32 s1, $0xD;
	s1 =	sshrl.u32 s1, $0x2  }
0xca: {  	s4 =	sand.u32 $0x4000, s31;
	s1 =	sadd.s32 s1, s30  }
0xcb: {  	s0 =	sor.u32 s4, s0;
	s1 =	sshll.u32 s1, $0x11  }
0xcc: {  	s0 =	sor.u32 s1, s0  }
0xcd: {  	s0 =	sadd.s32 $0x8F2B, s0  }
0xce: {  	[sflag:s0] =	ssyncadd.remote.s32 $0x1  }
0xcf: {  	_ =	sfence.sel $0xFFFF  }
0xd0: {  	[dreg:$0x0] =	wrdreg $0xFFFFFFFF;
	(pc) =	sbr.abs _section_cstart, $3  }
0xd1: {  	[dreg:$0x1] =	wrdreg $0xFFFFFFFF  }
0xd2: {  	_ =	task.clear_ibuf [dreg:s22], $0x2FFFF;
	_ =	strace $0x9FFFFFFF  }
0xd3: {  	(tm) =	ssettm $0x7FFFFFFF  }
tec
execute0_lowered:
.L_overlay_start_1:
0x0: {  	(tag) =	ssettag $0x1  }
0x1: {  	s6 =	rddreg [dreg:$0x0]  }
0x2: {  	s1 =	rddreg [dreg:$0x1]  }
0x3: {  	s2 =	rddreg [dreg:$0x2]  }
0x4: {  	s0 =	rddreg [dreg:$0x3];
	s3 =	simm.s32 $0x0;
	s4 =	srdreg.scid  }
0x5: {  	s13 =	simm.s32 $0x100;
	s14 =	simm.s32 $0x4100;
	s15 =	simm.s32 $0x1  }
0x6: {  	s16 =	simm.s32 $0x2;
	s17 =	simm.s32 $0x0;
	[smem:$0x7FF] =	sst s3  }
0x7: {  	s7 =	sand.u32 $0x1, s4;
	s5 =	sadd.s32 $0x4600, s6;
	s4 =	stileid.u32  }
0x8: {  	s6 =	sadd.s32 $0x319800, s6;
	_ =	strace $0x80000053;
	s8 =	sshll.u32 s7, $0x4  }
0x9: {  	s9 =	ssub.s32 $0x2, s7;
	s7 =	smul.u32 $0x70, s7;
	s8 =	sor.u32 s4, s8  }
0xa: {  	s12 =	smul.u32 $0x7, s4;
	s10 =	sshrl.u32 s9, $0x1;
	s11 =	smin.u32 s8, $0x1A  }
0xb: {  	s9 =	ssub.s32 s9, s10;
	p0 =	slt.u32 s8, $0x1A;
	s30 =	sadd.s32 s7, s11  }
0xc: {  	s7 =	simm.s32 $0x8;
	s8 =	smax.u32 s9, $0x1;
	s10 =	sadd.s32 s12, s30  }
0xd: {  	s11 =	simm.s32 $0x3;
	s7 =	simm.s32 @!p0 $0x7;
	s31 =	sshll.u32 s10, $0x8  }
0xe: {  	s12 =	simm.s32 $0x80;
	s10 =	sshll.u32 s10, $0xB;
	s9 =	sadd.s32 $0x2EE00, s31  }
.LBB2_1:
0xf: {  	p1 =	sne.s32 s7, $0x1  }
.Ltmp0:
0x10: {  	_ = 	snop;
	(pc) =	sbr.rel @!p1 .LBB2_2-.Ltmp0, $2  }
0x11: {  	_ =	sdelay $0x2  }
0x12: {  	s18 =	sadd.s32 $0xFFFFFFFF, s7;
	s21 =	sshrl.u32 s9, $0x3;
	p0 =	por $0x0, $0x0  }
0x13: {  	s19 =	sadd.s32 s1, s21  }
0x14: {  	[tilespmem:s3], [sflag:$0x3] =	stream.linear.gather [hbm4b:s19+s3], $0x100, $0x38;
	[tilespmem:$0x8100] =	vst v63  }
0x15: {  	_ =	swait.ge [sflag:s11], $0x100  }
0x16: {  	[sflag:s11] =	ssyncset.done $0x0  }
0x17: {  	[sflag:s11] =	ssyncadd.s32 $0xFFFFFF00  }
0x18: {  	[tilespmem:s13], [sflag:$0x1] =	stream.indirect.gather [hbm4b:s5+s12], $0x80, s3, s12, $0xb8;
	[tilespmem:$0x8100] =	vst v63  }
0x19: {  	_ = 	snop  }
0x1a: {  	[tilespmem:s14], [sflag:$0x2] =	stream.indirect.gather [hbm4b:s5+s12], $0x80, s12, s12, $0xb8;
	[tilespmem:$0x8100] =	vst v63  }
0x1b: {  	_ =	swait.ge [sflag:s15], $0x4000  }
0x1c: {  	s31 =	sand.u32 $0x1FFFF800, s10;
	[sflag:s15] =	ssyncset.done $0x0  }
0x1d: {  	s20 =	sadd.s32 s2, s31;
	[sflag:s15] =	ssyncadd.s32 $0xFFFFC000  }
0x1e: {  	[hbm4b:s20+s3] =	stream.linear.scatter [tilespmem:s13], [sflag:$0x3], $0x4000, $0x38;
	[tilespmem:$0x8100] =	vst v63  }
0x1f: {  	_ =	swait.ge [sflag:s11], $0x4000  }
0x20: {  	[sflag:s11] =	ssyncset.done $0x0  }
0x21: {  	[sflag:s11] =	ssyncadd.s32 $0xFFFFC000  }
0x22: {  	p1 =	sne.s32 s18, $0x1;
	_ =	swait.ge [sflag:s16], $0x4000  }
.Ltmp1:
0x23: {  	[sflag:s16] =	ssyncset.done $0x0;
	(pc) =	sbr.rel @!p1 .LBB2_4-.Ltmp1, $4  }
0x24: {  	s19 =	sadd.s32 s6, s31;
	s20 =	sadd.s32 $0x100, s9;
	[sflag:s16] =	ssyncadd.s32 $0xFFFFC000  }
0x25: {  	[hbm4b:s19+s3] =	stream.linear.scatter [tilespmem:s14], [sflag:$0x3], $0x4000, $0x38;
	[tilespmem:$0x8100] =	vst v63  }
0x26: {  	p0 =	por $0x1, $0x1;
	s21 =	sshrl.u32 s20, $0x3;
	_ =	swait.ge [sflag:s11], $0x4000  }
0x27: {  	s19 =	sadd.s32 $0xFFFFFFFF, s18;
	s18 =	smov.u32 s10;
	[sflag:s11] =	ssyncset.done $0x0  }
.LBB2_5:
0x28: {  	s21 =	sadd.s32 s1, s21;
	[sflag:s11] =	ssyncadd.s32 $0xFFFFC000;
	s18 =	sadd.s32 $0x800, s18  }
0x29: {  	[tilespmem:s3], [sflag:$0x3] =	stream.linear.gather [hbm4b:s21+s3], $0x100, $0x38;
	[tilespmem:$0x8100] =	vst v63  }
0x2a: {  	p1 =	sne.s32 s19, $0x1;
	s19 =	sadd.s32 $0xFFFFFFFF, s19;
	_ =	swait.ge [sflag:s11], $0x100  }
0x2b: {  	[sflag:s11] =	ssyncset.done $0x0  }
0x2c: {  	[sflag:s11] =	ssyncadd.s32 $0xFFFFFF00  }
0x2d: {  	[tilespmem:s13], [sflag:$0x1] =	stream.indirect.gather [hbm4b:s5+s12], $0x80, s3, s12, $0xb8;
	[tilespmem:$0x8100] =	vst v63  }
0x2e: {  	_ = 	snop  }
0x2f: {  	[tilespmem:s14], [sflag:$0x2] =	stream.indirect.gather [hbm4b:s5+s12], $0x80, s12, s12, $0xb8;
	[tilespmem:$0x8100] =	vst v63  }
0x30: {  	_ =	swait.ge [sflag:s15], $0x4000  }
0x31: {  	s21 =	sand.u32 $0x1FFFF800, s18;
	[sflag:s15] =	ssyncset.done $0x0  }
0x32: {  	s22 =	sadd.s32 s2, s21;
	[sflag:s15] =	ssyncadd.s32 $0xFFFFC000  }
0x33: {  	[hbm4b:s22+s3] =	stream.linear.scatter [tilespmem:s13], [sflag:$0x3], $0x4000, $0x38;
	[tilespmem:$0x8100] =	vst v63  }
0x34: {  	_ =	swait.ge [sflag:s11], $0x4000  }
0x35: {  	[sflag:s11] =	ssyncset.done $0x0  }
0x36: {  	[sflag:s11] =	ssyncadd.s32 $0xFFFFC000  }
0x37: {  	_ =	swait.ge [sflag:s16], $0x4000  }
.Ltmp2:
0x38: {  	[sflag:s16] =	ssyncset.done $0x0;
	(pc) =	sbr.rel @p1 .LBB2_5-.Ltmp2, $4  }
0x39: {  	s21 =	sadd.s32 s6, s21;
	[sflag:s16] =	ssyncadd.s32 $0xFFFFC000  }
0x3a: {  	[hbm4b:s21+s3] =	stream.linear.scatter [tilespmem:s14], [sflag:$0x3], $0x4000, $0x38;
	[tilespmem:$0x8100] =	vst v63  }
0x3b: {  	s20 =	sadd.s32 $0x100, s20;
	_ =	swait.ge [sflag:s11], $0x4000  }
0x3c: {  	s21 =	sshrl.u32 s20, $0x3;
	[sflag:s11] =	ssyncset.done $0x0  }
.LBB2_6:
0x3d: {  	s19 =	sadd.s32 s1, s21;
	[sflag:s11] =	ssyncadd.s32 @p0 $0xFFFFC000  }
0x3e: {  	[tilespmem:s3], [sflag:$0x3] =	stream.linear.gather [hbm4b:s19+s3], $0x100, $0x38;
	[tilespmem:$0x8100] =	vst v63  }
0x3f: {  	_ =	swait.ge [sflag:s11], $0x100  }
0x40: {  	[sflag:s11] =	ssyncset.done $0x0  }
0x41: {  	[sflag:s11] =	ssyncadd.s32 $0xFFFFFF00  }
0x42: {  	[tilespmem:s13], [sflag:$0x1] =	stream.indirect.gather [hbm4b:s5+s12], $0x80, s3, s12, $0xb8;
	[tilespmem:$0x8100] =	vst v63  }
0x43: {  	s18 =	sadd.s32 @p0 $0x800, s18;
	s19 =	smov.u32 s10  }
0x44: {  	[tilespmem:s14], [sflag:$0x2] =	stream.indirect.gather [hbm4b:s5+s12], $0x80, s12, s12, $0xb8;
	[tilespmem:$0x8100] =	vst v63  }
0x45: {  	s19 =	smov.u32 @p0 s18;
	_ =	swait.ge [sflag:s15], $0x4000  }
0x46: {  	s18 =	sand.u32 $0x1FFFF800, s19;
	[sflag:s15] =	ssyncset.done $0x0  }
0x47: {  	s19 =	sadd.s32 s2, s18;
	[sflag:s15] =	ssyncadd.s32 $0xFFFFC000  }
0x48: {  	[hbm4b:s19+s3] =	stream.linear.scatter [tilespmem:s13], [sflag:$0x3], $0x4000, $0x38;
	[tilespmem:$0x8100] =	vst v63  }
0x49: {  	_ =	swait.ge [sflag:s11], $0x4000  }
0x4a: {  	[sflag:s11] =	ssyncset.done $0x0  }
0x4b: {  	[sflag:s11] =	ssyncadd.s32 $0xFFFFC000  }
0x4c: {  	_ =	swait.ge [sflag:s16], $0x4000  }
0x4d: {  	s17 =	sadd.s32 $0x1, s17;
	[sflag:s16] =	ssyncset.done $0x0  }
0x4e: {  	p0 =	sne.s32 s17, s8;
	s18 =	sadd.s32 s6, s18;
	[sflag:s16] =	ssyncadd.s32 $0xFFFFC000  }
0x4f: {  	[hbm4b:s18+s3] =	stream.linear.scatter [tilespmem:s14], [sflag:$0x3], $0x4000, $0x38;
	[tilespmem:$0x8100] =	vst v63  }
.Ltmp3:
0x50: {  	_ = 	snop;
	(pc) =	sbr.rel @p0 .LBB2_1-.Ltmp3, $4  }
.Ltmp4:
0x51: {  	_ = 	snop;
	(pc) =	sbr.rel @!p0 .LBB2_7-.Ltmp4, $4  }
0x52: {  	_ =	swait.ge [sflag:s11], $0x4000  }
0x53: {  	[sflag:s11] =	ssyncset.done $0x0  }
0x54: {  	[sflag:s11] =	ssyncadd.s32 $0xFFFFC000  }
0x55: {  	_ = 	snop  }
.LBB2_2:
.Ltmp5:
0x56: {  	(pc) =	sbr.rel .LBB2_6-.Ltmp5, $2  }
0x57: {  	_ =	sdelay $0x2  }
0x58: {  	s18 =	smov.u32 s10  }
.LBB2_4:
.Ltmp6:
0x59: {  	(pc) =	sbr.rel .LBB2_6-.Ltmp6, $2  }
0x5a: {  	_ =	sdelay $0x2  }
0x5b: {  	s18 =	smov.u32 s10  }
.LBB2_7:
0x5c: {  	_ =	sfence.sel $0x180000  }
0x5d: {  	[bflag:$0x0] =	sbarrier.arrive $0xFFFF  }
0x5e: {  	p0 =	sne.s32 s4, $0x0;
	_ =	strace $0x90000053  }
0x5f: {  	s0 =	sadd.s32 @!p0 $0x100000, s0;
	[bflag:$0x2] =	sbarrier.arrive $0xFFFF  }
0x60: {  	[sflag:s0] =	ssyncadd.tile.s32 @!p0 $0x1;
	_ =	shalt  }
.Lfunc_end2:
_tile_overlayer_lowered:
.L_overlay_start_2:
0x61: {  	(tag) =	ssettag $0x2  }
0x62: {  	s0 =	rddreg [dreg:$0x0];
	s2 =	stileid.u32  }
0x63: {  	s1 =	rddreg [dreg:$0x1];
	p0 =	sne.s32 s2, $0x0  }
0x64: {  	s3 =	rddreg [dreg:$0x2];
	[bflag:$0x3] =	sbarrier.arrive $0xFFFF;
	s2 =	simm.s32 @!p0 $0x1C03  }
0x65: {  	[timem:s3], [sflag:s2] =	dma.local @!p0 [hbm:s0], s1  }
0x66: {  	s0 =	simm.s32 @!p0 $0x3  }
0x67: {  	_ =	swait.ge @!p0 [sflag:s0], s1  }
0x68: {  	s1 =	ssub.s32 @!p0 $0x0, s1;
	[sflag:s0] =	ssyncset.done @!p0 $0x0  }
0x69: {  	[sflag:s0] =	ssyncadd.s32 @!p0 s1  }
0x6a: {  	[bflag:$0x3] =	sbarrier.arrive $0xFFFF  }
0x6b: {  	_ =	shalt  }

// kernel: sparse-core-data-format-call.cloned.1.call-start
scs
called_computation_lowered:
.L_overlay_start_0:
0x0: {  	s2 =	sld [smem:$0x3FD9]  }
0x1: {  	s3 =	sld [smem:$0x3FFE];
	_ =	sdelay $0x1  }
0x2: {  	s1 =	srdreg.scid  }
0x3: {  	s0 =	sand.u32 $0x1, s1  }
0x4: {  	s19 =	sshll.u32 s0, $0xA;
	s2 =	sadd.s32 s3, s2  }
0x5: {  	s2 =	sadd.s32 s2, s19  }
0x6: {  	[smem:$0x3FBD] =	sst s2  }
0x7: {  	_ = 	snop  }
0x8: {  	s2 =	sld [smem:$0x3FC9]  }
0x9: {  	s20 =	sld [smem:$0x3FD0];
	(tm) =	ssettm $0x1  }
0xa: {  	s4 =	sld [smem:$0x3FFB];
	_ =	sdelay $0x3  }
0xb: {  	_ =	strace s4  }
0xc: {  	s4 =	sld [smem:$0x3FFC];
	_ =	sdelay $0x3  }
0xd: {  	_ =	strace s4  }
0xe: {  	s4 =	sld [smem:$0x3FFD];
	_ =	sdelay $0x3  }
0xf: {  	_ =	strace s4  }
0x10: {  	_ =	strace $0x8FFFFFFF  }
0x11: {  	s21 =	sld [smem:$0x3FDB];
	_ =	sdelay $0x1  }
0x12: {  	s5 =	simm.s32 $_scs_section_size  }
0x13: {  	s6 =	simm.s32 $_size__tile_overlayer_lowered;
	s7 =	simm.s32 $_tile_overlayer_lowered  }
0x14: {  	s24 =	simm.s32 $0x1BFF;
	s23 =	sshll.u32 s7, $0x1;
	s4 =	sadd.s32 s5, s21  }
0x15: {  	s8 =	simm.s32 $0x0;
	s22 =	sshll.u32 s6, $0x1;
	s6 =	sadd.s32 s23, s4  }
0x16: {  	[timem:s8], [sflag:s24] =	dma.local [hbm:s6], s22  }
0x17: {  	_ =	swait.ge [sflag:s24], s22  }
0x18: {  	s5 =	ssub.s32 $0x0, s22;
	[sflag:s24] =	ssyncset.done $0x0  }
0x19: {  	[sflag:s24] =	ssyncadd.s32 s5;
	_ =	sdelay $0x1  }
0x1a: {  	s25 =	simm.s32 $0x1B8B  }
0x1b: {  	_ =	swait.ge [sflag:s25], $0x1  }
0x1c: {  	[sflag:s25] =	ssyncset.done $0x0  }
0x1d: {  	s26 =	simm.s32 $0x1B8E;
	[sflag:s25] =	ssyncadd.s32 $0xFFFFFFFF  }
0x1e: {  	s27 =	simm.s32 $execute0_lowered;
	[smem:$0x3FD2] =	sst s26  }
0x1f: {  	s5 =	sshll.u32 s27, $0x1;
	_ =	strace $0x80000046;
	[dreg:$0x1] =	wrdreg $0xFFFFFFFF  }
0x20: {  	s28 =	simm.s32 $_size_execute0_lowered;
	s4 =	sadd.s32 s4, s5;
	[dreg:$0x0] =	wrdreg $0x0  }
0x21: {  	s5 =	sshll.u32 s28, $0x1;
	[dreg:$0x2] =	wrdreg s4  }
0x22: {  	[dreg:$0x3] =	wrdreg s5  }
0x23: {  	[dreg:$0x4] =	wrdreg $0xC0  }
0x24: {  	_ =	task [dreg:s8], $0x5FFFF  }
0x25: {  	[dreg:$0x1] =	wrdreg $0xFFFFFFFF  }
0x26: {  	[dreg:$0x0] =	wrdreg $0x60  }
0x27: {  	[dreg:$0x2] =	wrdreg s2  }
0x28: {  	[dreg:$0x3] =	wrdreg s20  }
0x29: {  	[dreg:$0x4] =	wrdreg $0x9  }
0x2a: {  	_ =	task.clear_ibuf [dreg:s8], $0x5FFFF;
	_ =	strace $0x90000046  }
0x2b: {  	s29 =	simm.s32 $0x9;
	_ =	strace $0x80000048  }
0x2c: {  	_ =	swait.ge [sflag:s29], $0x1  }
0x2d: {  	[sflag:s29] =	ssyncadd.s32 $0xFFFFFFFF  }
0x2e: {  	_ =	strace $0x90000048  }
0x2f: {  	_ =	sfence  }
0x30: {  	s30 =	sld [smem:$0x0];
	_ =	sdelay $0x2  }
0x31: {  	s31 =	sshll.u32 s1, $0xD;
	s1 =	sshrl.u32 s1, $0x2  }
0x32: {  	s3 =	sand.u32 $0x4000, s31;
	s1 =	sadd.s32 s1, s30  }
0x33: {  	s0 =	sor.u32 s3, s0;
	s1 =	sshll.u32 s1, $0x11  }
0x34: {  	s0 =	sor.u32 s1, s0  }
0x35: {  	s0 =	sadd.s32 $0x8F2B, s0  }
0x36: {  	[sflag:s0] =	ssyncadd.remote.s32 $0x1  }
0x37: {  	_ =	sfence.sel $0xFFFF  }
0x38: {  	[dreg:$0x0] =	wrdreg $0xFFFFFFFF;
	(pc) =	sbr.abs _section_cstart, $3  }
0x39: {  	[dreg:$0x1] =	wrdreg $0xFFFFFFFF  }
0x3a: {  	_ =	task.clear_ibuf [dreg:s8], $0x2FFFF;
	_ =	strace $0x9FFFFFFF  }
0x3b: {  	(tm) =	ssettm $0x7FFFFFFF  }
tec
execute0_lowered:
.L_overlay_start_1:
0x0: {  	(tag) =	ssettag $0x1  }
0x1: {  	s0 =	srdreg.scid  }
0x2: {  	s1 =	sshll.u32 s0, $0x4  }
0x3: {  	s2 =	rddreg [dreg:$0x0];
	s0 =	stileid.u32;
	s1 =	sand.u32 $0x10, s1  }
0x4: {  	s4 =	rddreg [dreg:$0x1];
	s1 =	sor.u32 s0, s1  }
0x5: {  	s7 =	simm.s32 $0x1;
	s8 =	simm.s32 $0x2;
	s3 =	sshll.u32 s1, $0x1  }
0x6: {  	s9 =	simm.s32 $0x0;
	s12 =	simm.s32 $0x0;
	s6 =	ssub.s32 $0x4E2, s3  }
.Ltmp0:
0x7: {  	s11 =	simm.s32 $0x0;
	s5 =	sand.u32 $0x3E, s6;
	(pc) =	sbr.rel .LBB1_1-.Ltmp0, $4  }
0x8: {  	s1 =	rddreg [dreg:$0x2];
	_ =	strace $0x80000047;
	p0 =	sne.s32 s5, $0x0  }
0x9: {  	s6 =	sshrl.u32 s6, $0x6;
	s5 =	simm.s32 $0x1;
	s7 =	simm.s32 @!p0 $0x0  }
0xa: {  	s10 =	smov.u32 s3;
	[sflag:s5] =	ssyncpa.u1 $0x0;
	s6 =	sadd.s32 s7, s6  }
0xb: {  	[sflag:s8] =	ssyncpa.u1 $0x0;
	s8 =	simm.s32 $0x0;
	s7 =	sadd.s32 $0x1, s6  }
.LBB1_9:
0xc: {  	s14 =	sadd.s32 $0x40, s10  }
0xd: {  	p1 =	sgt.s32 s14, $0x4E1  }
0xe: {  	s14 =	smov.u32 @p1 s3;
	p1 =	sne.s32 s11, s7  }
.Ltmp1:
0xf: {  	p0 =	slt.u32 s11, $0x2;
	(pc) =	sbr.rel @!p1 .LBB1_10-.Ltmp1, $4  }
0x10: {  	s13 =	simm.s32 @!p0 $0x2  }
0x11: {  	s15 =	sadd.s32 $0x1, s11;
	_ =	swait.ge @!p0 [sflag:s13], $0x4000  }
0x12: {  	s12 =	smov.u32 s10;
	s9 =	sadd.s32 $0x4000, s9;
	[sflag:s13] =	ssyncset.done @!p0 $0x0  }
0x13: {  	s11 =	smov.u32 s15;
	s10 =	smov.u32 s14;
	[sflag:s13] =	ssyncadd.s32 @!p0 $0xFFFFC000  }
.LBB1_1:
0x14: {  	p0 =	sge.u32 s11, s6  }
0x15: {  	s13 =	sxor.u32 @!p0 $0xFFFFFFFF, s11  }
0x16: {  	s31 =	sadd.s32 $0xFFFFFFFF, s11;
	s14 =	sshll.u32 @!p0 s10, $0xA;
	s13 =	sshll.u32 @!p0 s13, $0xE  }
0x17: {  	s15 =	simm.s32 @!p0 $0x0;
	s14 =	sadd.s32 @!p0 s2, s14;
	s13 =	sand.u32 @!p0 $0x4000, s13  }
0x18: {  	[tilespmem:s13], [sflag:$0x1] =	stream.linear.gather @!p0 [hbm4b:s14+s15], $0x4000, $0x38;
	[tilespmem:$0x10000] =	vst v63  }
0x19: {  	p0 =	sge.u32 s31, s6  }
.Ltmp2:
0x1a: {  	_ = 	snop;
	(pc) =	sbr.rel @p0 .LBB1_9-.Ltmp2, $1  }
0x1b: {  	_ =	sdelay $0x3  }
0x1c: {  	s13 =	sshll.u32 s9, $0x2  }
0x1d: {  	_ =	swait.ge [sflag:s5], $0x4000;
	s14 =	sshll.u32 s11, $0xE;
	s18 =	simm.s32 $0x0  }
0x1e: {  	p1 =	por $0x1, $0x1;
	s13 =	sand.u32 $0x10000, s13;
	[sflag:s5] =	ssyncset.done $0x0  }
0x1f: {  	s15 =	sand.u32 $0x4000, s14;
	s13 =	sshrl.u32 s13, $0x2;
	[sflag:s5] =	ssyncadd.s32 $0xFFFFC000  }
0x20: {  	s14 =	sor.u32 $0x8000, s15;
	s16 =	sor.u32 $0x8000, s13;
	s17 =	sadd.s32 $0x8400, s13  }
.LBB1_3:
0x21: {  	s19 =	sshll.u32 s18, $0x2  }
0x22: {  	s19 =	sshrl.u32 s19, $0x2  }
0x23: {  	v0 =	vmov s19;
	_ =	sdelay $0x2  }
0x24: {  	p0 =	por p1, p1;
	p1 =	por $0x0, $0x0;
	s20 =	simm.s32 $0x0  }
0x25: {  	s21 =	smov.u32 s13;
	s22 =	simm.s32 $0x0;
	s19 =	smov.u32 s16  }
.LBB1_4:
0x26: {  	_ =	sdelay $0x3  }
0x27: {  	v2 =	vld.idx.msk [tilespmem:v0+s21+$0x10 ss:$0x1], $0xffff  }
0x28: {  	v3 =	vld.idx.msk [tilespmem:v0+s21+$0x270 ss:$0x1], $0xffff  }
0x29: {  	s23 =	sshll.u32 s22, $0xA;
	v5 =	vld.idx.msk [tilespmem:v0+s21+$0x20 ss:$0x1], $0xffff  }
0x2a: {  	v8 =	vld.idx.msk [tilespmem:v0+s21+$0x30 ss:$0x1], $0xffff;
	s23 =	sadd.s32 s18, s23  }
0x2b: {  	v9 =	vld.idx.msk [tilespmem:v0+s21+$0x40 ss:$0x1], $0xffff;
	v1 =	vmov s23  }
0x2c: {  	s30 =	simm.s32 $0x0;
	v10 =	vld.idx.msk [tilespmem:v0+s21+$0x50 ss:$0x1], $0xffff  }
0x2d: {  	v11 =	vld.idx.msk [tilespmem:v0+s21+$0x60 ss:$0x1], $0xffff;
	s24 =	sand.u32 $0x100, s30  }
0x2e: {  	v12 =	vld.idx.msk [tilespmem:v0+s21+$0x70 ss:$0x1], $0xffff;
	s23 =	sand.u32 $0x80, s30;
	s24 =	sadd.s32 s24, s15;
	[tilespmem:v0+s19+$0x470 ss:$0x1] =	vst.idx.msk $0xffff, v3  }
0x2f: {  	v7 =	vld.idx.msk [tilespmem:v0+s21+$0x210 ss:$0x1], $0xffff;
	s23 =	sadd.s32 s23, s24;
	s24 =	simm.s32 $0x1;
	[tilespmem:v0+s19+$0x10 ss:$0x1] =	vst.idx.msk $0xffff, v2  }
0x30: {  	s31 =	sshll.u32 s20, $0x2;
	s24 =	simm.s32 @!p1 $0x0;
	[tilespmem:v0+s19+$0x20 ss:$0x1] =	vst.idx.msk $0xffff, v5;
	v4 =	vld.idx.msk [tilespmem:v1+s23+$0x200 ss:$0x1], $0xffff  }
0x31: {  	v6 =	vld.idx.msk [tilespmem:v0+s21+$0x220 ss:$0x1], $0xffff;
	s24 =	sshll.u32 s24, $0x9;
	[tilespmem:v0+s19+$0x30 ss:$0x1] =	vst.idx.msk $0xffff, v8;
	s23 =	sand.u32 $0xFFFFFC00, s31  }
0x32: {  	v3 =	vld.idx.msk [tilespmem:v0+s21+$0x230 ss:$0x1], $0xffff;
	[tilespmem:v0+s19+$0x40 ss:$0x1] =	vst.idx.msk $0xffff, v9;
	s23 =	sor.u32 s24, s23  }
0x33: {  	[tilespmem:v0+s19+$0x50 ss:$0x1] =	vst.idx.msk $0xffff, v10;
	v5 =	vld.idx.msk [tilespmem:v0+s21+$0x250 ss:$0x1], $0xffff;
	s23 =	sshrl.u32 s23, $0x2  }
0x34: {  	[tilespmem:v0+s19+$0x60 ss:$0x1] =	vst.idx.msk $0xffff, v11;
	v2 =	vld.idx.msk [tilespmem:v0+s21+$0x260 ss:$0x1], $0xffff;
	s23 =	sadd.s32 s23, s17  }
0x35: {  	s27 =	simm.s32 $0x80;
	s26 =	simm.s32 $0x100;
	[tilespmem:v0+s23+$0x0 ss:$0x1] =	vst.idx.msk $0xffff, v4;
	v4 =	vld.idx.msk [tilespmem:v0+s21+$0x240 ss:$0x1], $0xffff  }
0x36: {  	s25 =	smov.u32 s19;
	s28 =	sand.u32 $0x100, s27;
	v8 =	vld.idx.msk [tilespmem:v0+s21+$0x0 ss:$0x1], $0xffff;
	[tilespmem:v0+s19+$0x70 ss:$0x1] =	vst.idx.msk $0xffff, v12;
	s24 =	sadd.s32 $0x80, s21  }
.LBB1_5:
0x37: {  	p2 =	sne.s32 s26, $0x180;
	v9 =	vld.idx.msk [tilespmem:v0+s24+$0x10 ss:$0x1], $0xffff;
	s27 =	sand.u32 $0x80, s27;
	s28 =	sadd.s32 s28, s15;
	[tilespmem:v0+s25+$0x410 ss:$0x1] =	vst.idx.msk $0xffff, v7  }
0x38: {  	s28 =	sadd.s32 s27, s28;
	v7 =	vld.idx.msk [tilespmem:v0+s24+$0x270 ss:$0x1], $0xffff;
	[tilespmem:v0+s25+$0x420 ss:$0x1] =	vst.idx.msk $0xffff, v6;
	s27 =	smov.u32 s26  }
0x39: {  	v6 =	vld.idx.msk [tilespmem:v1+s28+$0x200 ss:$0x1], $0xffff;
	[tilespmem:v0+s25+$0x430 ss:$0x1] =	vst.idx.msk $0xffff, v3  }
0x3a: {  	v3 =	vld.idx.msk [tilespmem:v0+s24+$0x20 ss:$0x1], $0xffff;
	[tilespmem:v0+s25+$0x440 ss:$0x1] =	vst.idx.msk $0xffff, v4  }
0x3b: {  	v4 =	vld.idx.msk [tilespmem:v0+s24+$0x30 ss:$0x1], $0xffff;
	[tilespmem:v0+s25+$0x450 ss:$0x1] =	vst.idx.msk $0xffff, v5  }
0x3c: {  	v5 =	vld.idx.msk [tilespmem:v0+s24+$0x40 ss:$0x1], $0xffff;
	[tilespmem:v0+s25+$0x0 ss:$0x1] =	vst.idx.msk $0xffff, v8  }
0x3d: {  	v8 =	vld.idx.msk [tilespmem:v0+s24+$0x50 ss:$0x1], $0xffff;
	[tilespmem:v0+s25+$0x460 ss:$0x1] =	vst.idx.msk $0xffff, v2;
	s25 =	sadd.s32 $0x800, s25  }
0x3e: {  	s23 =	sadd.s32 $0x800, s23;
	v2 =	vld.idx.msk [tilespmem:v0+s24+$0x60 ss:$0x1], $0xffff;
	[tilespmem:v0+s25+$0x470 ss:$0x1] =	vst.idx.msk $0xffff, v7  }
0x3f: {  	v10 =	vld.idx.msk [tilespmem:v0+s24+$0x70 ss:$0x1], $0xffff;
	[tilespmem:v0+s23+$0x0 ss:$0x1] =	vst.idx.msk $0xffff, v6  }
0x40: {  	[tilespmem:v0+s25+$0x10 ss:$0x1] =	vst.idx.msk $0xffff, v9;
	v7 =	vld.idx.msk [tilespmem:v0+s24+$0x210 ss:$0x1], $0xffff  }
0x41: {  	[tilespmem:v0+s25+$0x20 ss:$0x1] =	vst.idx.msk $0xffff, v3;
	v6 =	vld.idx.msk [tilespmem:v0+s24+$0x220 ss:$0x1], $0xffff  }
.Ltmp3:
0x42: {  	[tilespmem:v0+s25+$0x30 ss:$0x1] =	vst.idx.msk $0xffff, v4;
	v3 =	vld.idx.msk [tilespmem:v0+s24+$0x230 ss:$0x1], $0xffff;
	(pc) =	sbr.rel @p2 .LBB1_5-.Ltmp3, $4  }
0x43: {  	[tilespmem:v0+s25+$0x40 ss:$0x1] =	vst.idx.msk $0xffff, v5;
	v4 =	vld.idx.msk [tilespmem:v0+s24+$0x240 ss:$0x1], $0xffff  }
0x44: {  	[tilespmem:v0+s25+$0x50 ss:$0x1] =	vst.idx.msk $0xffff, v8;
	v5 =	vld.idx.msk [tilespmem:v0+s24+$0x250 ss:$0x1], $0xffff  }
0x45: {  	[tilespmem:v0+s25+$0x60 ss:$0x1] =	vst.idx.msk $0xffff, v2;
	v2 =	vld.idx.msk [tilespmem:v0+s24+$0x260 ss:$0x1], $0xffff  }
0x46: {  	s26 =	sadd.s32 $0x80, s26;
	s28 =	sand.u32 $0x100, s27;
	v8 =	vld.idx.msk [tilespmem:v0+s24+$0x0 ss:$0x1], $0xffff;
	[tilespmem:v0+s25+$0x70 ss:$0x1] =	vst.idx.msk $0xffff, v10;
	s24 =	sadd.s32 $0x80, s24  }
0x47: {  	_ =	sdelay $0x3  }
0x48: {  	[tilespmem:v0+s25+$0x410 ss:$0x1] =	vst.idx.msk $0xffff, v7  }
0x49: {  	[tilespmem:v0+s25+$0x420 ss:$0x1] =	vst.idx.msk $0xffff, v6  }
0x4a: {  	v56 =	vld.idx.msk [tilespmem:v0+s24+$0x270 ss:$0x1], $0xffff;
	[tilespmem:v0+s25+$0x430 ss:$0x1] =	vst.idx.msk $0xffff, v3  }
0x4b: {  	v3 =	vld.idx.msk [tilespmem:v0+s24+$0x10 ss:$0x1], $0xffff;
	[tilespmem:v0+s25+$0x440 ss:$0x1] =	vst.idx.msk $0xffff, v4  }
0x4c: {  	v57 =	vld.idx.msk [tilespmem:v0+s24+$0x20 ss:$0x1], $0xffff;
	[tilespmem:v0+s25+$0x450 ss:$0x1] =	vst.idx.msk $0xffff, v5  }
0x4d: {  	s26 =	sand.u32 $0x80, s27;
	s30 =	sadd.s32 s28, s15;
	v58 =	vld.idx.msk [tilespmem:v0+s24+$0x30 ss:$0x1], $0xffff;
	[tilespmem:v0+s25+$0x460 ss:$0x1] =	vst.idx.msk $0xffff, v2  }
0x4e: {  	s31 =	sadd.s32 $0x800, s25;
	v59 =	vld.idx.msk [tilespmem:v0+s24+$0x50 ss:$0x1], $0xffff;
	s26 =	sadd.s32 s26, s30;
	[tilespmem:v0+s25+$0x0 ss:$0x1] =	vst.idx.msk $0xffff, v8  }
0x4f: {  	v1 =	vld.idx.msk [tilespmem:v1+s26+$0x200 ss:$0x1], $0xffff;
	[tilespmem:v0+s31+$0x470 ss:$0x1] =	vst.idx.msk $0xffff, v56  }
0x50: {  	v60 =	vld.idx.msk [tilespmem:v0+s24+$0x210 ss:$0x1], $0xffff;
	[tilespmem:v0+s31+$0x10 ss:$0x1] =	vst.idx.msk $0xffff, v3  }
0x51: {  	v61 =	vld.idx.msk [tilespmem:v0+s24+$0x220 ss:$0x1], $0xffff;
	[tilespmem:v0+s31+$0x20 ss:$0x1] =	vst.idx.msk $0xffff, v57  }
0x52: {  	v2 =	vld.idx.msk [tilespmem:v0+s24+$0x40 ss:$0x1], $0xffff;
	[tilespmem:v0+s31+$0x30 ss:$0x1] =	vst.idx.msk $0xffff, v58  }
0x53: {  	s23 =	sadd.s32 $0x800, s23;
	v3 =	vld.idx.msk [tilespmem:v0+s24+$0x70 ss:$0x1], $0xffff;
	[tilespmem:v0+s31+$0x50 ss:$0x1] =	vst.idx.msk $0xffff, v59  }
0x54: {  	[tilespmem:v0+s23+$0x0 ss:$0x1] =	vst.idx.msk $0xffff, v1;
	v1 =	vld.idx.msk [tilespmem:v0+s24+$0x60 ss:$0x1], $0xffff  }
0x55: {  	v62 =	vld.idx.msk [tilespmem:v0+s24+$0x240 ss:$0x1], $0xffff;
	[tilespmem:v0+s31+$0x410 ss:$0x1] =	vst.idx.msk $0xffff, v60  }
0x56: {  	v63 =	vld.idx.msk [tilespmem:v0+s24+$0x260 ss:$0x1], $0xffff;
	[tilespmem:v0+s31+$0x420 ss:$0x1] =	vst.idx.msk $0xffff, v61  }
0x57: {  	[tilespmem:v0+s31+$0x40 ss:$0x1] =	vst.idx.msk $0xffff, v2;
	v2 =	vld.idx.msk [tilespmem:v0+s24+$0x230 ss:$0x1], $0xffff  }
0x58: {  	s22 =	sadd.s32 $0x1, s22;
	[tilespmem:v0+s31+$0x70 ss:$0x1] =	vst.idx.msk $0xffff, v3;
	v3 =	vld.idx.msk [tilespmem:v0+s24+$0x0 ss:$0x1], $0xffff  }
0x59: {  	p2 =	sne.s32 s22, $0x8;
	[tilespmem:v0+s31+$0x60 ss:$0x1] =	vst.idx.msk $0xffff, v1;
	v1 =	vld.idx.msk [tilespmem:v0+s24+$0x250 ss:$0x1], $0xffff  }
.Ltmp4:
0x5a: {  	[tilespmem:v0+s31+$0x440 ss:$0x1] =	vst.idx.msk $0xffff, v62;
	(pc) =	sbr.rel @p2 .LBB1_4-.Ltmp4, $4  }
0x5b: {  	[tilespmem:v0+s31+$0x460 ss:$0x1] =	vst.idx.msk $0xffff, v63  }
0x5c: {  	[tilespmem:v0+s31+$0x430 ss:$0x1] =	vst.idx.msk $0xffff, v2  }
0x5d: {  	s21 =	sadd.s32 $0x400, s21;
	[tilespmem:v0+s31+$0x0 ss:$0x1] =	vst.idx.msk $0xffff, v3  }
0x5e: {  	s20 =	sadd.s32 $0x80, s20;
	p1 =	por !p1, !p1;
	s19 =	sadd.s32 $0x80, s19;
	[tilespmem:v0+s31+$0x450 ss:$0x1] =	vst.idx.msk $0xffff, v1  }
.Ltmp5:
0x5f: {  	(pc) =	sbr.rel @p0 .LBB1_3-.Ltmp5, $2  }
0x60: {  	_ =	sdelay $0x2  }
0x61: {  	s18 =	simm.s32 $0x2000;
	p1 =	por $0x0, $0x0  }
.Ltmp6:
0x62: {  	(pc) =	sbr.rel .LBB1_9-.Ltmp6, $4  }
0x63: {  	_ = 	snop  }
0x64: {  	s12 =	sshll.u32 s12, $0xA  }
0x65: {  	s12 =	sadd.s32 s4, s12  }
0x66: {  	[hbm4b:s12+s8] =	stream.linear.scatter [tilespmem:s14], [sflag:$0x2], $0x4000, $0x38;
	[tilespmem:$0x10000] =	vst v63  }
.LBB1_10:
0x67: {  	_ =	sfence.sel $0x180000  }
0x68: {  	s2 =	simm.s32 $0x1;
	[bflag:$0x0] =	sbarrier.arrive $0xFFFF  }
0x69: {  	s31 =	simm.s32 $0x2;
	[sflag:s2] =	ssyncpa.u1 $0x1  }
0x6a: {  	[sflag:s31] =	ssyncpa.u1 $0x1  }
0x6b: {  	p0 =	sne.s32 s0, $0x0;
	_ =	strace $0x90000047  }
0x6c: {  	s0 =	sadd.s32 @!p0 $0x100000, s1;
	[bflag:$0x2] =	sbarrier.arrive $0xFFFF  }
0x6d: {  	[sflag:s0] =	ssyncadd.tile.s32 @!p0 $0x1;
	_ =	shalt  }
.Lfunc_end1:
_tile_overlayer_lowered:
.L_overlay_start_2:
0x6e: {  	(tag) =	ssettag $0x2  }
0x6f: {  	s0 =	rddreg [dreg:$0x0];
	s2 =	stileid.u32  }
0x70: {  	s1 =	rddreg [dreg:$0x1];
	p0 =	sne.s32 s2, $0x0  }
0x71: {  	s3 =	rddreg [dreg:$0x2];
	[bflag:$0x3] =	sbarrier.arrive $0xFFFF;
	s2 =	simm.s32 @!p0 $0x1C01  }
0x72: {  	[timem:s3], [sflag:s2] =	dma.local @!p0 [hbm:s0], s1  }
0x73: {  	s0 =	simm.s32 @!p0 $0x1  }
0x74: {  	_ =	swait.ge @!p0 [sflag:s0], s1  }
0x75: {  	s1 =	ssub.s32 @!p0 $0x0, s1;
	[sflag:s0] =	ssyncset.done @!p0 $0x0  }
0x76: {  	[sflag:s0] =	ssyncadd.s32 @!p0 s1  }
0x77: {  	[bflag:$0x3] =	sbarrier.arrive $0xFFFF  }
0x78: {  	_ =	shalt  }

</sc_bundles>
